<compile_context>
chip_gen: v7x
topology: tpu7x:2x2x1
jax: 0.10.2.dev20260603
libtpu: 0.0.44.dev20260713+nightly
codegen_flags: <defaults>
</compile_context>

<pallas_src>
import functools
import math

import jax
import jax.numpy as jnp
from jax import lax
from jax.experimental import pallas as pl
from jax.experimental.pallas import tpu as pltpu
from jax.experimental.pallas import tpu_sc as plsc

D = 1024
SCALE = math.sqrt(D)
L = 16

CH = 16
GBUF = 4
SBUF = 2


@functools.lru_cache(maxsize=None)
def _build(B: int, V: int):
    info = plsc.get_sparse_core_info()
    NC, NS = info.num_cores, info.num_subcores
    NW = NC * NS
    assert B % (NW * GBUF * CH) == 0
    b_per_w = B // NW
    chunks = b_per_w // CH
    steps = chunks // GBUF
    mesh = plsc.VectorSubcoreMesh(core_axis_name="c", subcore_axis_name="s")

    @functools.partial(
        pl.kernel,
        mesh=mesh,
        out_type=jax.ShapeDtypeStruct((B, D), jnp.float32),
        scratch_types=[
            pltpu.VMEM((b_per_w,), jnp.int32),
            pltpu.VMEM((GBUF, CH, D), jnp.float32),
            pltpu.VMEM((SBUF, CH, D), jnp.float32),
        ]
        + [pltpu.SemaphoreType.DMA] * (GBUF + SBUF),
    )
    def k(ids_hbm, table_hbm, out_hbm, idx_v, gbuf, sbuf, *sems):
        gsem = sems[:GBUF]
        ssem = sems[GBUF:]
        wid = lax.axis_index("s") * NC + lax.axis_index("c")
        base = wid * b_per_w

        pltpu.sync_copy(ids_hbm.at[pl.ds(base, b_per_w)], idx_v)

        for b in range(GBUF):
            pltpu.async_copy(
                table_hbm.at[idx_v.at[pl.ds(b * CH, CH)]], gbuf.at[b], gsem[b]
            )

        def step(it, carry):
            for u in range(GBUF):
                ch = it * GBUF + u
                b = u
                q = u % SBUF

                pltpu.make_async_copy(
                    table_hbm.at[pl.ds(0, CH)], gbuf.at[b], gsem[b]
                ).wait()

                @pl.when(jnp.logical_or(it > 0, u >= SBUF))
                def _wait_prev_scatter():
                    pltpu.make_async_copy(
                        sbuf.at[q], out_hbm.at[pl.ds(0, CH)], ssem[q]
                    ).wait()

                gb = gbuf.at[b]
                sb = sbuf.at[q]

                def vec(i, c2):
                    r = i // (D // L)
                    c = (i % (D // L)) * L
                    sb[r, pl.ds(c, L)] = gb[r, pl.ds(c, L)] * SCALE
                    return c2

                lax.fori_loop(0, CH * (D // L), vec, 0, unroll=8)

                @pl.when(it < steps - 1)
                def _next_gather():
                    nxt = ch + GBUF
                    pltpu.async_copy(
                        table_hbm.at[idx_v.at[pl.ds(nxt * CH, CH)]],
                        gbuf.at[b],
                        gsem[b],
                    )

                pltpu.async_copy(
                    sbuf.at[q], out_hbm.at[pl.ds(base + ch * CH, CH)], ssem[q]
                )

            return carry

        lax.fori_loop(0, steps, step, 0)

        for q in range(SBUF):
            pltpu.make_async_copy(
                sbuf.at[q], out_hbm.at[pl.ds(0, CH)], ssem[q]
            ).wait()

    return k


def kernel(input_ids, table):
    V, d = table.shape
    ids = input_ids.reshape(-1).astype(jnp.int32)
    out = _build(ids.shape[0], V)(ids, table)
    return out.reshape(input_ids.shape + (d,))

# --- scband reference (transcript-rebuilt; emitter-appended) ---
"""Pipeline reference for scband-encoding-embedding-63591285785278 (READ-ONLY COPY).

The authoritative reference and input builder live on the scoring server;
editing this copy changes nothing except your own understanding.
"""

import jax, jax.numpy as jnp
import numpy as np
import math

VOCAB = 100000
D_MODEL = 1024

def setup_inputs(seed: int = 0) -> dict:
    key = jax.random.key(seed)
    k1, k2 = jax.random.split(key)
    input_ids = jax.random.randint(k1, (4, 4096), 0, VOCAB, dtype=jnp.int64 if jax.config.jax_enable_x64 else jnp.int32)
    table = jax.random.normal(k2, (VOCAB, D_MODEL), dtype=jnp.float32)
    return {"input_ids": input_ids, "table": table}

def reference(input_ids, table):
    embs = jnp.take(table, input_ids, axis=0)
    return embs * math.sqrt(D_MODEL)

if __name__ == "__main__":
    import jax
    _d = setup_inputs()
    print(jax.jit(kernel)(*tuple(_d.values())))

</pallas_src>

<mosaic_0001>
#map = affine_map<(d0, d1) -> (0)>
#map1 = affine_map<(d0, d1) -> (0, 0)>
module attributes {stable_mosaic.version = 14 : i64} {
  func.func @k(%arg0: i32, %arg1: i32, %arg2: memref<16384xi32, #tpu.memory_space<hbm>>, %arg3: memref<100000x1024xf32, #tpu.memory_space<hbm>>, %arg4: memref<16384x1024xf32, #tpu.memory_space<hbm>>, %arg5: memref<512xi32, #tpu.memory_space<vmem>>, %arg6: memref<4x16x1024xf32, #tpu.memory_space<vmem>>, %arg7: memref<2x16x1024xf32, #tpu.memory_space<vmem>>, %arg8: memref<!tpu.dma_semaphore, #tpu.memory_space<semaphore_mem>>, %arg9: memref<!tpu.dma_semaphore, #tpu.memory_space<semaphore_mem>>, %arg10: memref<!tpu.dma_semaphore, #tpu.memory_space<semaphore_mem>>, %arg11: memref<!tpu.dma_semaphore, #tpu.memory_space<semaphore_mem>>, %arg12: memref<!tpu.dma_semaphore, #tpu.memory_space<semaphore_mem>>, %arg13: memref<!tpu.dma_semaphore, #tpu.memory_space<semaphore_mem>>) attributes {dimension_semantics = [#tpu.dimension_semantics<core_parallel>, #tpu.dimension_semantics<subcore_parallel>], iteration_bounds = array<i64: 2, 16>, scalar_prefetch = 0 : i64, scratch_operands = 9 : i64, tpu.core_type = #tpu.core_type<sc_vector_subcore>, window_params = [{transform_indices = #map}, {transform_indices = #map1}, {transform_indices = #map1}]} {
    %mul3A = arith.constant 2 : i32
    %mul3A_0 = arith.muli %arg1, %mul3A : i32
    %add3A = arith.addi %mul3A_0, %arg0 : i32
    %mul3A_1 = arith.constant 512 : i32
    %mul3A_2 = arith.muli %add3A, %mul3A_1 : i32
    "tpu.region"() ({
      %run_scoped3A = tpu.sem_alloc : memref<!tpu.dma_semaphore, #tpu.memory_space<semaphore_mem>>
      %dma_start3A_76 = tpu.memref_slice %arg2[%mul3A_2] : memref<16384xi32, #tpu.memory_space<hbm>> -> memref<512xi32, #tpu.memory_space<hbm>>
      %dma_start3A_77 = tpu.memref_slice %arg2[%mul3A_2] : memref<16384xi32, #tpu.memory_space<hbm>> -> memref<512xi32, #tpu.memory_space<hbm>>
      tpu.enqueue_dma source(%dma_start3A_77 : memref<512xi32, #tpu.memory_space<hbm>>) target(%arg5 : memref<512xi32, #tpu.memory_space<vmem>>) target_semaphore(%run_scoped3A : memref<!tpu.dma_semaphore, #tpu.memory_space<semaphore_mem>>)
      %dma_wait3A_78 = tpu.memref_slice %arg2[%mul3A_2] : memref<16384xi32, #tpu.memory_space<hbm>> -> memref<512xi32, #tpu.memory_space<hbm>>
      %dma_wait3A_79 = tpu.memref_slice %arg2[%mul3A_2] : memref<16384xi32, #tpu.memory_space<hbm>> -> memref<512xi32, #tpu.memory_space<hbm>>
      tpu.wait_dma2 semaphore(%run_scoped3A : memref<!tpu.dma_semaphore, #tpu.memory_space<semaphore_mem>>) src(%dma_wait3A_79 : memref<512xi32, #tpu.memory_space<hbm>>) dst(%arg5 : memref<512xi32, #tpu.memory_space<vmem>>)
      tpu.yield
    }) : () -> ()
    %dma_start3A = arith.constant 0 : i32
    %dma_start3A_3 = arith.constant 0 : i32
    %dma_start3A_4 = arith.constant 0 : i32
    %dma_start3A_5 = tpu.memref_slice %arg6[%dma_start3A, %dma_start3A_3, %dma_start3A_4] : memref<4x16x1024xf32, #tpu.memory_space<vmem>> -> memref<1x16x1024xf32, #tpu.memory_space<vmem>>
    %dma_start3A_6 = tpu.memref_squeeze %dma_start3A_5 : memref<1x16x1024xf32, #tpu.memory_space<vmem>> -> memref<16x1024xf32, #tpu.memory_space<vmem>>
    %dma_start3A_7 = arith.constant 0 : i32
    %dma_start3A_8 = tpu.memref_slice %arg5[%dma_start3A_7] : memref<512xi32, #tpu.memory_space<vmem>> -> memref<16xi32, #tpu.memory_space<vmem>>
    %dma_start3A_9 = arith.constant 0 : i32
    %dma_start3A_10 = arith.constant 0 : i32
    %dma_start3A_11 = tpu.memref_slice %arg3[%dma_start3A_9, %dma_start3A_10] : memref<100000x1024xf32, #tpu.memory_space<hbm>> -> memref<100000x1024xf32, #tpu.memory_space<hbm>>
    tpu.enqueue_indirect_dma source(%dma_start3A_11 : memref<100000x1024xf32, #tpu.memory_space<hbm>>) target(%dma_start3A_6 : memref<16x1024xf32, #tpu.memory_space<vmem>>) offsets(%dma_start3A_8 : memref<16xi32, #tpu.memory_space<vmem>>) semaphore(%arg8 : memref<!tpu.dma_semaphore, #tpu.memory_space<semaphore_mem>>)
    %dma_start3A_12 = arith.constant 1 : i32
    %dma_start3A_13 = arith.constant 0 : i32
    %dma_start3A_14 = arith.constant 0 : i32
    %dma_start3A_15 = tpu.memref_slice %arg6[%dma_start3A_12, %dma_start3A_13, %dma_start3A_14] : memref<4x16x1024xf32, #tpu.memory_space<vmem>> -> memref<1x16x1024xf32, #tpu.memory_space<vmem>>
    %dma_start3A_16 = tpu.memref_squeeze %dma_start3A_15 : memref<1x16x1024xf32, #tpu.memory_space<vmem>> -> memref<16x1024xf32, #tpu.memory_space<vmem>>
    %dma_start3A_17 = arith.constant 16 : i32
    %dma_start3A_18 = tpu.memref_slice %arg5[%dma_start3A_17] : memref<512xi32, #tpu.memory_space<vmem>> -> memref<16xi32, #tpu.memory_space<vmem>>
    %dma_start3A_19 = arith.constant 0 : i32
    %dma_start3A_20 = arith.constant 0 : i32
    %dma_start3A_21 = tpu.memref_slice %arg3[%dma_start3A_19, %dma_start3A_20] : memref<100000x1024xf32, #tpu.memory_space<hbm>> -> memref<100000x1024xf32, #tpu.memory_space<hbm>>
    tpu.enqueue_indirect_dma source(%dma_start3A_21 : memref<100000x1024xf32, #tpu.memory_space<hbm>>) target(%dma_start3A_16 : memref<16x1024xf32, #tpu.memory_space<vmem>>) offsets(%dma_start3A_18 : memref<16xi32, #tpu.memory_space<vmem>>) semaphore(%arg9 : memref<!tpu.dma_semaphore, #tpu.memory_space<semaphore_mem>>)
    %dma_start3A_22 = arith.constant 2 : i32
    %dma_start3A_23 = arith.constant 0 : i32
    %dma_start3A_24 = arith.constant 0 : i32
    %dma_start3A_25 = tpu.memref_slice %arg6[%dma_start3A_22, %dma_start3A_23, %dma_start3A_24] : memref<4x16x1024xf32, #tpu.memory_space<vmem>> -> memref<1x16x1024xf32, #tpu.memory_space<vmem>>
    %dma_start3A_26 = tpu.memref_squeeze %dma_start3A_25 : memref<1x16x1024xf32, #tpu.memory_space<vmem>> -> memref<16x1024xf32, #tpu.memory_space<vmem>>
    %dma_start3A_27 = arith.constant 32 : i32
    %dma_start3A_28 = tpu.memref_slice %arg5[%dma_start3A_27] : memref<512xi32, #tpu.memory_space<vmem>> -> memref<16xi32, #tpu.memory_space<vmem>>
    %dma_start3A_29 = arith.constant 0 : i32
    %dma_start3A_30 = arith.constant 0 : i32
    %dma_start3A_31 = tpu.memref_slice %arg3[%dma_start3A_29, %dma_start3A_30] : memref<100000x1024xf32, #tpu.memory_space<hbm>> -> memref<100000x1024xf32, #tpu.memory_space<hbm>>
    tpu.enqueue_indirect_dma source(%dma_start3A_31 : memref<100000x1024xf32, #tpu.memory_space<hbm>>) target(%dma_start3A_26 : memref<16x1024xf32, #tpu.memory_space<vmem>>) offsets(%dma_start3A_28 : memref<16xi32, #tpu.memory_space<vmem>>) semaphore(%arg10 : memref<!tpu.dma_semaphore, #tpu.memory_space<semaphore_mem>>)
    %dma_start3A_32 = arith.constant 3 : i32
    %dma_start3A_33 = arith.constant 0 : i32
    %dma_start3A_34 = arith.constant 0 : i32
    %dma_start3A_35 = tpu.memref_slice %arg6[%dma_start3A_32, %dma_start3A_33, %dma_start3A_34] : memref<4x16x1024xf32, #tpu.memory_space<vmem>> -> memref<1x16x1024xf32, #tpu.memory_space<vmem>>
    %dma_start3A_36 = tpu.memref_squeeze %dma_start3A_35 : memref<1x16x1024xf32, #tpu.memory_space<vmem>> -> memref<16x1024xf32, #tpu.memory_space<vmem>>
    %dma_start3A_37 = arith.constant 48 : i32
    %dma_start3A_38 = tpu.memref_slice %arg5[%dma_start3A_37] : memref<512xi32, #tpu.memory_space<vmem>> -> memref<16xi32, #tpu.memory_space<vmem>>
    %dma_start3A_39 = arith.constant 0 : i32
    %dma_start3A_40 = arith.constant 0 : i32
    %dma_start3A_41 = tpu.memref_slice %arg3[%dma_start3A_39, %dma_start3A_40] : memref<100000x1024xf32, #tpu.memory_space<hbm>> -> memref<100000x1024xf32, #tpu.memory_space<hbm>>
    tpu.enqueue_indirect_dma source(%dma_start3A_41 : memref<100000x1024xf32, #tpu.memory_space<hbm>>) target(%dma_start3A_36 : memref<16x1024xf32, #tpu.memory_space<vmem>>) offsets(%dma_start3A_38 : memref<16xi32, #tpu.memory_space<vmem>>) semaphore(%arg11 : memref<!tpu.dma_semaphore, #tpu.memory_space<semaphore_mem>>)
    %scan3A = arith.constant 0 : i32
    %scan3A_42 = arith.constant 0 : i32
    %scan3A_43 = arith.constant 8 : i32
    %scan3A_44 = arith.addi %scan3A_42, %scan3A_43 : i32
    %scan3A_45 = arith.constant 1 : i32
    scf.for %scan3A_76 = %scan3A_42 to %scan3A_44 step %scan3A_45  : i32 {
      %mul3A_77 = arith.constant 4 : i32
      %mul3A_78 = arith.muli %scan3A_76, %mul3A_77 : i32
      %add3A_79 = arith.constant 0 : i32
      %add3A_80 = arith.addi %mul3A_78, %add3A_79 : i32
      %dma_wait3A_81 = arith.constant 0 : i32
      %dma_wait3A_82 = arith.constant 0 : i32
      %dma_wait3A_83 = arith.constant 0 : i32
      %dma_wait3A_84 = tpu.memref_slice %arg6[%dma_wait3A_81, %dma_wait3A_82, %dma_wait3A_83] : memref<4x16x1024xf32, #tpu.memory_space<vmem>> -> memref<1x16x1024xf32, #tpu.memory_space<vmem>>
      %dma_wait3A_85 = tpu.memref_squeeze %dma_wait3A_84 : memref<1x16x1024xf32, #tpu.memory_space<vmem>> -> memref<16x1024xf32, #tpu.memory_space<vmem>>
      %dma_wait3A_86 = arith.constant 0 : i32
      %dma_wait3A_87 = arith.constant 0 : i32
      %dma_wait3A_88 = tpu.memref_slice %arg3[%dma_wait3A_86, %dma_wait3A_87] : memref<100000x1024xf32, #tpu.memory_space<hbm>> -> memref<16x1024xf32, #tpu.memory_space<hbm>>
      %dma_wait3A_89 = arith.constant 0 : i32
      %dma_wait3A_90 = arith.constant 0 : i32
      %dma_wait3A_91 = tpu.memref_slice %arg6[%dma_wait3A_81, %dma_wait3A_89, %dma_wait3A_90] : memref<4x16x1024xf32, #tpu.memory_space<vmem>> -> memref<1x16x1024xf32, #tpu.memory_space<vmem>>
      %dma_wait3A_92 = tpu.memref_squeeze %dma_wait3A_91 : memref<1x16x1024xf32, #tpu.memory_space<vmem>> -> memref<16x1024xf32, #tpu.memory_space<vmem>>
      %dma_wait3A_93 = arith.constant 0 : i32
      %dma_wait3A_94 = arith.constant 0 : i32
      %dma_wait3A_95 = tpu.memref_slice %arg3[%dma_wait3A_93, %dma_wait3A_94] : memref<100000x1024xf32, #tpu.memory_space<hbm>> -> memref<16x1024xf32, #tpu.memory_space<hbm>>
      tpu.wait_dma2 semaphore(%arg8 : memref<!tpu.dma_semaphore, #tpu.memory_space<semaphore_mem>>) src(%dma_wait3A_95 : memref<16x1024xf32, #tpu.memory_space<hbm>>) dst(%dma_wait3A_92 : memref<16x1024xf32, #tpu.memory_space<vmem>>)
      %gt3A = arith.constant 0 : i32
      %gt3A_96 = arith.cmpi sgt, %scan3A_76, %gt3A : i32
      %or3A = arith.constant false
      %or3A_97 = arith.ori %gt3A_96, %or3A : i1
      %convert_element_type3A = arith.extui %or3A_97 : i1 to i32
      %cond3A = arith.constant 0 : i32
      %cond3A_98 = arith.cmpi ne, %convert_element_type3A, %cond3A : i32
      scf.if %cond3A_98 {
        %dma_wait3A_292 = arith.constant 0 : i32
        %dma_wait3A_293 = arith.constant 0 : i32
        %dma_wait3A_294 = arith.constant 0 : i32
        %dma_wait3A_295 = tpu.memref_slice %arg7[%dma_wait3A_292, %dma_wait3A_293, %dma_wait3A_294] : memref<2x16x1024xf32, #tpu.memory_space<vmem>> -> memref<1x16x1024xf32, #tpu.memory_space<vmem>>
        %dma_wait3A_296 = tpu.memref_squeeze %dma_wait3A_295 : memref<1x16x1024xf32, #tpu.memory_space<vmem>> -> memref<16x1024xf32, #tpu.memory_space<vmem>>
        %dma_wait3A_297 = arith.constant 0 : i32
        %dma_wait3A_298 = arith.constant 0 : i32
        %dma_wait3A_299 = tpu.memref_slice %arg4[%dma_wait3A_297, %dma_wait3A_298] : memref<16384x1024xf32, #tpu.memory_space<hbm>> -> memref<16x1024xf32, #tpu.memory_space<hbm>>
        %dma_wait3A_300 = arith.constant 0 : i32
        %dma_wait3A_301 = arith.constant 0 : i32
        %dma_wait3A_302 = tpu.memref_slice %arg4[%dma_wait3A_300, %dma_wait3A_301] : memref<16384x1024xf32, #tpu.memory_space<hbm>> -> memref<16x1024xf32, #tpu.memory_space<hbm>>
        %dma_wait3A_303 = arith.constant 0 : i32
        %dma_wait3A_304 = arith.constant 0 : i32
        %dma_wait3A_305 = tpu.memref_slice %arg7[%dma_wait3A_292, %dma_wait3A_303, %dma_wait3A_304] : memref<2x16x1024xf32, #tpu.memory_space<vmem>> -> memref<1x16x1024xf32, #tpu.memory_space<vmem>>
        %dma_wait3A_306 = tpu.memref_squeeze %dma_wait3A_305 : memref<1x16x1024xf32, #tpu.memory_space<vmem>> -> memref<16x1024xf32, #tpu.memory_space<vmem>>
        tpu.wait_dma2 semaphore(%arg12 : memref<!tpu.dma_semaphore, #tpu.memory_space<semaphore_mem>>) src(%dma_wait3A_306 : memref<16x1024xf32, #tpu.memory_space<vmem>>) dst(%dma_wait3A_302 : memref<16x1024xf32, #tpu.memory_space<hbm>>)
      } else {
      }
      %scan3A_99 = arith.constant 0 : i32
      %scan3A_100 = arith.constant 0 : i32
      %scan3A_101 = arith.constant 0 : i32
      %scan3A_102 = arith.constant 0 : i32
      %scan3A_103 = arith.constant 1024 : i32
      %scan3A_104 = arith.addi %scan3A_102, %scan3A_103 : i32
      %scan3A_105 = arith.constant 8 : i32
      scf.for %scan3A_292 = %scan3A_102 to %scan3A_104 step %scan3A_105  : i32 {
        %jit3A = arith.constant 64 : i32
        %div3A = arith.divsi %scan3A_292, %jit3A : i32
        %sign3A = arith.constant 0 : i32
        %sign3A_293 = arith.cmpi sgt, %scan3A_292, %sign3A : i32
        %sign3A_294 = arith.extui %sign3A_293 : i1 to i32
        %sign3A_295 = arith.constant 0 : i32
        %sign3A_296 = arith.cmpi slt, %scan3A_292, %sign3A_295 : i32
        %sign3A_297 = arith.extui %sign3A_296 : i1 to i32
        %sign3A_298 = arith.subi %sign3A_294, %sign3A_297 : i32
        %sign3A_299 = arith.constant 0 : i32
        %sign3A_300 = arith.cmpi sgt, %jit3A, %sign3A_299 : i32
        %sign3A_301 = arith.extui %sign3A_300 : i1 to i32
        %sign3A_302 = arith.constant 0 : i32
        %sign3A_303 = arith.cmpi slt, %jit3A, %sign3A_302 : i32
        %sign3A_304 = arith.extui %sign3A_303 : i1 to i32
        %sign3A_305 = arith.subi %sign3A_301, %sign3A_304 : i32
        %ne3A = arith.cmpi ne, %sign3A_298, %sign3A_305 : i32
        %rem3A = arith.remsi %scan3A_292, %jit3A : i32
        %ne3A_306 = arith.constant 0 : i32
        %ne3A_307 = arith.cmpi ne, %rem3A, %ne3A_306 : i32
        %and3A = arith.andi %ne3A, %ne3A_307 : i1
        %sub3A = arith.constant 1 : i32
        %sub3A_308 = arith.subi %div3A, %sub3A : i32
        %select_n3A = arith.select %and3A, %sub3A_308, %div3A : i32
        %jit3A_309 = arith.constant 64 : i32
        %eq3A = arith.constant 0 : i32
        %eq3A_310 = arith.cmpi eq, %jit3A_309, %eq3A : i32
        %jit3A_311 = arith.constant 1 : i32
        %select_n3A_312 = arith.select %eq3A_310, %jit3A_311, %jit3A_309 : i32
        %rem3A_313 = arith.remsi %scan3A_292, %select_n3A_312 : i32
        %ne3A_314 = arith.constant 0 : i32
        %ne3A_315 = arith.cmpi ne, %rem3A_313, %ne3A_314 : i32
        %lt3A_316 = arith.constant 0 : i32
        %lt3A_317 = arith.cmpi slt, %rem3A_313, %lt3A_316 : i32
        %lt3A_318 = arith.constant 0 : i32
        %lt3A_319 = arith.cmpi slt, %select_n3A_312, %lt3A_318 : i32
        %ne3A_320 = arith.xori %lt3A_317, %lt3A_319 : i1
        %and3A_321 = arith.andi %ne3A_320, %ne3A_315 : i1
        %add3A_322 = arith.addi %rem3A_313, %select_n3A_312 : i32
        %select_n3A_323 = arith.select %and3A_321, %add3A_322, %rem3A_313 : i32
        %mul3A_324 = arith.constant 16 : i32
        %mul3A_325 = arith.muli %select_n3A_323, %mul3A_324 : i32
        %get3A = arith.constant 0 : i32
        %get3A_326 = arith.constant 0 : i32
        %get3A_327 = tpu.memref_slice %arg6[%scan3A_100, %get3A, %get3A_326] : memref<4x16x1024xf32, #tpu.memory_space<vmem>> -> memref<1x16x1024xf32, #tpu.memory_space<vmem>>
        %get3A_328 = tpu.memref_squeeze %get3A_327 : memref<1x16x1024xf32, #tpu.memory_space<vmem>> -> memref<16x1024xf32, #tpu.memory_space<vmem>>
        %get3A_329 = arith.index_cast %select_n3A : i32 to index
        %get3A_330 = arith.index_cast %mul3A_325 : i32 to index
        %get3A_331 = tpu.vector_load %get3A_328[%get3A_329, %get3A_330] {strides = array<i32>} : memref<16x1024xf32, #tpu.memory_space<vmem>>, vector<1x16xf32>,
        %get3A_332 = vector.shape_cast %get3A_331 : vector<1x16xf32> to vector<16xf32>
        %mul3A_333 = arith.constant 3.200000e+01 : f32
        %mul3A_334 = vector.broadcast %mul3A_333 : f32 to vector<16xf32>
        %mul3A_335 = arith.mulf %get3A_332, %mul3A_334 : vector<16xf32>
        %swap3A = arith.constant 0 : i32
        %swap3A_336 = arith.constant 0 : i32
        %swap3A_337 = tpu.memref_slice %arg7[%scan3A_101, %swap3A, %swap3A_336] : memref<2x16x1024xf32, #tpu.memory_space<vmem>> -> memref<1x16x1024xf32, #tpu.memory_space<vmem>>
        %swap3A_338 = tpu.memref_squeeze %swap3A_337 : memref<1x16x1024xf32, #tpu.memory_space<vmem>> -> memref<16x1024xf32, #tpu.memory_space<vmem>>
        %swap3A_339 = arith.index_cast %select_n3A : i32 to index
        %swap3A_340 = arith.index_cast %mul3A_325 : i32 to index
        %swap3A_341 = tpu.vector_load %swap3A_338[%swap3A_339, %swap3A_340] {strides = array<i32>} : memref<16x1024xf32, #tpu.memory_space<vmem>>, vector<1x16xf32>,
        %swap3A_342 = vector.shape_cast %swap3A_341 : vector<1x16xf32> to vector<16xf32>
        %swap3A_343 = vector.shape_cast %mul3A_335 : vector<16xf32> to vector<1x16xf32>
        tpu.vector_store %swap3A_338[%swap3A_339, %swap3A_340], %swap3A_343 {strides = array<i32>} : memref<16x1024xf32, #tpu.memory_space<vmem>>, vector<1x16xf32>,
        %scan3A_344 = arith.constant 1 : i32
        %scan3A_345 = arith.addi %scan3A_292, %scan3A_344 : i32
        %jit3A_346 = arith.constant 64 : i32
        %div3A_347 = arith.divsi %scan3A_345, %jit3A_346 : i32
        %sign3A_348 = arith.constant 0 : i32
        %sign3A_349 = arith.cmpi sgt, %scan3A_345, %sign3A_348 : i32
        %sign3A_350 = arith.extui %sign3A_349 : i1 to i32
        %sign3A_351 = arith.constant 0 : i32
        %sign3A_352 = arith.cmpi slt, %scan3A_345, %sign3A_351 : i32
        %sign3A_353 = arith.extui %sign3A_352 : i1 to i32
        %sign3A_354 = arith.subi %sign3A_350, %sign3A_353 : i32
        %sign3A_355 = arith.constant 0 : i32
        %sign3A_356 = arith.cmpi sgt, %jit3A_346, %sign3A_355 : i32
        %sign3A_357 = arith.extui %sign3A_356 : i1 to i32
        %sign3A_358 = arith.constant 0 : i32
        %sign3A_359 = arith.cmpi slt, %jit3A_346, %sign3A_358 : i32
        %sign3A_360 = arith.extui %sign3A_359 : i1 to i32
        %sign3A_361 = arith.subi %sign3A_357, %sign3A_360 : i32
        %ne3A_362 = arith.cmpi ne, %sign3A_354, %sign3A_361 : i32
        %rem3A_363 = arith.remsi %scan3A_345, %jit3A_346 : i32
        %ne3A_364 = arith.constant 0 : i32
        %ne3A_365 = arith.cmpi ne, %rem3A_363, %ne3A_364 : i32
        %and3A_366 = arith.andi %ne3A_362, %ne3A_365 : i1
        %sub3A_367 = arith.constant 1 : i32
        %sub3A_368 = arith.subi %div3A_347, %sub3A_367 : i32
        %select_n3A_369 = arith.select %and3A_366, %sub3A_368, %div3A_347 : i32
        %jit3A_370 = arith.constant 64 : i32
        %eq3A_371 = arith.constant 0 : i32
        %eq3A_372 = arith.cmpi eq, %jit3A_370, %eq3A_371 : i32
        %jit3A_373 = arith.constant 1 : i32
        %select_n3A_374 = arith.select %eq3A_372, %jit3A_373, %jit3A_370 : i32
        %rem3A_375 = arith.remsi %scan3A_345, %select_n3A_374 : i32
        %ne3A_376 = arith.constant 0 : i32
        %ne3A_377 = arith.cmpi ne, %rem3A_375, %ne3A_376 : i32
        %lt3A_378 = arith.constant 0 : i32
        %lt3A_379 = arith.cmpi slt, %rem3A_375, %lt3A_378 : i32
        %lt3A_380 = arith.constant 0 : i32
        %lt3A_381 = arith.cmpi slt, %select_n3A_374, %lt3A_380 : i32
        %ne3A_382 = arith.xori %lt3A_379, %lt3A_381 : i1
        %and3A_383 = arith.andi %ne3A_382, %ne3A_377 : i1
        %add3A_384 = arith.addi %rem3A_375, %select_n3A_374 : i32
        %select_n3A_385 = arith.select %and3A_383, %add3A_384, %rem3A_375 : i32
        %mul3A_386 = arith.constant 16 : i32
        %mul3A_387 = arith.muli %select_n3A_385, %mul3A_386 : i32
        %get3A_388 = arith.constant 0 : i32
        %get3A_389 = arith.constant 0 : i32
        %get3A_390 = tpu.memref_slice %arg6[%scan3A_100, %get3A_388, %get3A_389] : memref<4x16x1024xf32, #tpu.memory_space<vmem>> -> memref<1x16x1024xf32, #tpu.memory_space<vmem>>
        %get3A_391 = tpu.memref_squeeze %get3A_390 : memref<1x16x1024xf32, #tpu.memory_space<vmem>> -> memref<16x1024xf32, #tpu.memory_space<vmem>>
        %get3A_392 = arith.index_cast %select_n3A_369 : i32 to index
        %get3A_393 = arith.index_cast %mul3A_387 : i32 to index
        %get3A_394 = tpu.vector_load %get3A_391[%get3A_392, %get3A_393] {strides = array<i32>} : memref<16x1024xf32, #tpu.memory_space<vmem>>, vector<1x16xf32>,
        %get3A_395 = vector.shape_cast %get3A_394 : vector<1x16xf32> to vector<16xf32>
        %mul3A_396 = arith.constant 3.200000e+01 : f32
        %mul3A_397 = vector.broadcast %mul3A_396 : f32 to vector<16xf32>
        %mul3A_398 = arith.mulf %get3A_395, %mul3A_397 : vector<16xf32>
        %swap3A_399 = arith.constant 0 : i32
        %swap3A_400 = arith.constant 0 : i32
        %swap3A_401 = tpu.memref_slice %arg7[%scan3A_101, %swap3A_399, %swap3A_400] : memref<2x16x1024xf32, #tpu.memory_space<vmem>> -> memref<1x16x1024xf32, #tpu.memory_space<vmem>>
        %swap3A_402 = tpu.memref_squeeze %swap3A_401 : memref<1x16x1024xf32, #tpu.memory_space<vmem>> -> memref<16x1024xf32, #tpu.memory_space<vmem>>
        %swap3A_403 = arith.index_cast %select_n3A_369 : i32 to index
        %swap3A_404 = arith.index_cast %mul3A_387 : i32 to index
        %swap3A_405 = tpu.vector_load %swap3A_402[%swap3A_403, %swap3A_404] {strides = array<i32>} : memref<16x1024xf32, #tpu.memory_space<vmem>>, vector<1x16xf32>,
        %swap3A_406 = vector.shape_cast %swap3A_405 : vector<1x16xf32> to vector<16xf32>
        %swap3A_407 = vector.shape_cast %mul3A_398 : vector<16xf32> to vector<1x16xf32>
        tpu.vector_store %swap3A_402[%swap3A_403, %swap3A_404], %swap3A_407 {strides = array<i32>} : memref<16x1024xf32, #tpu.memory_space<vmem>>, vector<1x16xf32>,
        %scan3A_408 = arith.constant 2 : i32
        %scan3A_409 = arith.addi %scan3A_292, %scan3A_408 : i32
        %jit3A_410 = arith.constant 64 : i32
        %div3A_411 = arith.divsi %scan3A_409, %jit3A_410 : i32
        %sign3A_412 = arith.constant 0 : i32
        %sign3A_413 = arith.cmpi sgt, %scan3A_409, %sign3A_412 : i32
        %sign3A_414 = arith.extui %sign3A_413 : i1 to i32
        %sign3A_415 = arith.constant 0 : i32
        %sign3A_416 = arith.cmpi slt, %scan3A_409, %sign3A_415 : i32
        %sign3A_417 = arith.extui %sign3A_416 : i1 to i32
        %sign3A_418 = arith.subi %sign3A_414, %sign3A_417 : i32
        %sign3A_419 = arith.constant 0 : i32
        %sign3A_420 = arith.cmpi sgt, %jit3A_410, %sign3A_419 : i32
        %sign3A_421 = arith.extui %sign3A_420 : i1 to i32
        %sign3A_422 = arith.constant 0 : i32
        %sign3A_423 = arith.cmpi slt, %jit3A_410, %sign3A_422 : i32
        %sign3A_424 = arith.extui %sign3A_423 : i1 to i32
        %sign3A_425 = arith.subi %sign3A_421, %sign3A_424 : i32
        %ne3A_426 = arith.cmpi ne, %sign3A_418, %sign3A_425 : i32
        %rem3A_427 = arith.remsi %scan3A_409, %jit3A_410 : i32
        %ne3A_428 = arith.constant 0 : i32
        %ne3A_429 = arith.cmpi ne, %rem3A_427, %ne3A_428 : i32
        %and3A_430 = arith.andi %ne3A_426, %ne3A_429 : i1
        %sub3A_431 = arith.constant 1 : i32
        %sub3A_432 = arith.subi %div3A_411, %sub3A_431 : i32
        %select_n3A_433 = arith.select %and3A_430, %sub3A_432, %div3A_411 : i32
        %jit3A_434 = arith.constant 64 : i32
        %eq3A_435 = arith.constant 0 : i32
        %eq3A_436 = arith.cmpi eq, %jit3A_434, %eq3A_435 : i32
        %jit3A_437 = arith.constant 1 : i32
        %select_n3A_438 = arith.select %eq3A_436, %jit3A_437, %jit3A_434 : i32
        %rem3A_439 = arith.remsi %scan3A_409, %select_n3A_438 : i32
        %ne3A_440 = arith.constant 0 : i32
        %ne3A_441 = arith.cmpi ne, %rem3A_439, %ne3A_440 : i32
        %lt3A_442 = arith.constant 0 : i32
        %lt3A_443 = arith.cmpi slt, %rem3A_439, %lt3A_442 : i32
        %lt3A_444 = arith.constant 0 : i32
        %lt3A_445 = arith.cmpi slt, %select_n3A_438, %lt3A_444 : i32
        %ne3A_446 = arith.xori %lt3A_443, %lt3A_445 : i1
        %and3A_447 = arith.andi %ne3A_446, %ne3A_441 : i1
        %add3A_448 = arith.addi %rem3A_439, %select_n3A_438 : i32
        %select_n3A_449 = arith.select %and3A_447, %add3A_448, %rem3A_439 : i32
        %mul3A_450 = arith.constant 16 : i32
        %mul3A_451 = arith.muli %select_n3A_449, %mul3A_450 : i32
        %get3A_452 = arith.constant 0 : i32
        %get3A_453 = arith.constant 0 : i32
        %get3A_454 = tpu.memref_slice %arg6[%scan3A_100, %get3A_452, %get3A_453] : memref<4x16x1024xf32, #tpu.memory_space<vmem>> -> memref<1x16x1024xf32, #tpu.memory_space<vmem>>
        %get3A_455 = tpu.memref_squeeze %get3A_454 : memref<1x16x1024xf32, #tpu.memory_space<vmem>> -> memref<16x1024xf32, #tpu.memory_space<vmem>>
        %get3A_456 = arith.index_cast %select_n3A_433 : i32 to index
        %get3A_457 = arith.index_cast %mul3A_451 : i32 to index
        %get3A_458 = tpu.vector_load %get3A_455[%get3A_456, %get3A_457] {strides = array<i32>} : memref<16x1024xf32, #tpu.memory_space<vmem>>, vector<1x16xf32>,
        %get3A_459 = vector.shape_cast %get3A_458 : vector<1x16xf32> to vector<16xf32>
        %mul3A_460 = arith.constant 3.200000e+01 : f32
        %mul3A_461 = vector.broadcast %mul3A_460 : f32 to vector<16xf32>
        %mul3A_462 = arith.mulf %get3A_459, %mul3A_461 : vector<16xf32>
        %swap3A_463 = arith.constant 0 : i32
        %swap3A_464 = arith.constant 0 : i32
        %swap3A_465 = tpu.memref_slice %arg7[%scan3A_101, %swap3A_463, %swap3A_464] : memref<2x16x1024xf32, #tpu.memory_space<vmem>> -> memref<1x16x1024xf32, #tpu.memory_space<vmem>>
        %swap3A_466 = tpu.memref_squeeze %swap3A_465 : memref<1x16x1024xf32, #tpu.memory_space<vmem>> -> memref<16x1024xf32, #tpu.memory_space<vmem>>
        %swap3A_467 = arith.index_cast %select_n3A_433 : i32 to index
        %swap3A_468 = arith.index_cast %mul3A_451 : i32 to index
        %swap3A_469 = tpu.vector_load %swap3A_466[%swap3A_467, %swap3A_468] {strides = array<i32>} : memref<16x1024xf32, #tpu.memory_space<vmem>>, vector<1x16xf32>,
        %swap3A_470 = vector.shape_cast %swap3A_469 : vector<1x16xf32> to vector<16xf32>
        %swap3A_471 = vector.shape_cast %mul3A_462 : vector<16xf32> to vector<1x16xf32>
        tpu.vector_store %swap3A_466[%swap3A_467, %swap3A_468], %swap3A_471 {strides = array<i32>} : memref<16x1024xf32, #tpu.memory_space<vmem>>, vector<1x16xf32>,
        %scan3A_472 = arith.constant 3 : i32
        %scan3A_473 = arith.addi %scan3A_292, %scan3A_472 : i32
        %jit3A_474 = arith.constant 64 : i32
        %div3A_475 = arith.divsi %scan3A_473, %jit3A_474 : i32
        %sign3A_476 = arith.constant 0 : i32
        %sign3A_477 = arith.cmpi sgt, %scan3A_473, %sign3A_476 : i32
        %sign3A_478 = arith.extui %sign3A_477 : i1 to i32
        %sign3A_479 = arith.constant 0 : i32
        %sign3A_480 = arith.cmpi slt, %scan3A_473, %sign3A_479 : i32
        %sign3A_481 = arith.extui %sign3A_480 : i1 to i32
        %sign3A_482 = arith.subi %sign3A_478, %sign3A_481 : i32
        %sign3A_483 = arith.constant 0 : i32
        %sign3A_484 = arith.cmpi sgt, %jit3A_474, %sign3A_483 : i32
        %sign3A_485 = arith.extui %sign3A_484 : i1 to i32
        %sign3A_486 = arith.constant 0 : i32
        %sign3A_487 = arith.cmpi slt, %jit3A_474, %sign3A_486 : i32
        %sign3A_488 = arith.extui %sign3A_487 : i1 to i32
        %sign3A_489 = arith.subi %sign3A_485, %sign3A_488 : i32
        %ne3A_490 = arith.cmpi ne, %sign3A_482, %sign3A_489 : i32
        %rem3A_491 = arith.remsi %scan3A_473, %jit3A_474 : i32
        %ne3A_492 = arith.constant 0 : i32
        %ne3A_493 = arith.cmpi ne, %rem3A_491, %ne3A_492 : i32
        %and3A_494 = arith.andi %ne3A_490, %ne3A_493 : i1
        %sub3A_495 = arith.constant 1 : i32
        %sub3A_496 = arith.subi %div3A_475, %sub3A_495 : i32
        %select_n3A_497 = arith.select %and3A_494, %sub3A_496, %div3A_475 : i32
        %jit3A_498 = arith.constant 64 : i32
        %eq3A_499 = arith.constant 0 : i32
        %eq3A_500 = arith.cmpi eq, %jit3A_498, %eq3A_499 : i32
        %jit3A_501 = arith.constant 1 : i32
        %select_n3A_502 = arith.select %eq3A_500, %jit3A_501, %jit3A_498 : i32
        %rem3A_503 = arith.remsi %scan3A_473, %select_n3A_502 : i32
        %ne3A_504 = arith.constant 0 : i32
        %ne3A_505 = arith.cmpi ne, %rem3A_503, %ne3A_504 : i32
        %lt3A_506 = arith.constant 0 : i32
        %lt3A_507 = arith.cmpi slt, %rem3A_503, %lt3A_506 : i32
        %lt3A_508 = arith.constant 0 : i32
        %lt3A_509 = arith.cmpi slt, %select_n3A_502, %lt3A_508 : i32
        %ne3A_510 = arith.xori %lt3A_507, %lt3A_509 : i1
        %and3A_511 = arith.andi %ne3A_510, %ne3A_505 : i1
        %add3A_512 = arith.addi %rem3A_503, %select_n3A_502 : i32
        %select_n3A_513 = arith.select %and3A_511, %add3A_512, %rem3A_503 : i32
        %mul3A_514 = arith.constant 16 : i32
        %mul3A_515 = arith.muli %select_n3A_513, %mul3A_514 : i32
        %get3A_516 = arith.constant 0 : i32
        %get3A_517 = arith.constant 0 : i32
        %get3A_518 = tpu.memref_slice %arg6[%scan3A_100, %get3A_516, %get3A_517] : memref<4x16x1024xf32, #tpu.memory_space<vmem>> -> memref<1x16x1024xf32, #tpu.memory_space<vmem>>
        %get3A_519 = tpu.memref_squeeze %get3A_518 : memref<1x16x1024xf32, #tpu.memory_space<vmem>> -> memref<16x1024xf32, #tpu.memory_space<vmem>>
        %get3A_520 = arith.index_cast %select_n3A_497 : i32 to index
        %get3A_521 = arith.index_cast %mul3A_515 : i32 to index
        %get3A_522 = tpu.vector_load %get3A_519[%get3A_520, %get3A_521] {strides = array<i32>} : memref<16x1024xf32, #tpu.memory_space<vmem>>, vector<1x16xf32>,
        %get3A_523 = vector.shape_cast %get3A_522 : vector<1x16xf32> to vector<16xf32>
        %mul3A_524 = arith.constant 3.200000e+01 : f32
        %mul3A_525 = vector.broadcast %mul3A_524 : f32 to vector<16xf32>
        %mul3A_526 = arith.mulf %get3A_523, %mul3A_525 : vector<16xf32>
        %swap3A_527 = arith.constant 0 : i32
        %swap3A_528 = arith.constant 0 : i32
        %swap3A_529 = tpu.memref_slice %arg7[%scan3A_101, %swap3A_527, %swap3A_528] : memref<2x16x1024xf32, #tpu.memory_space<vmem>> -> memref<1x16x1024xf32, #tpu.memory_space<vmem>>
        %swap3A_530 = tpu.memref_squeeze %swap3A_529 : memref<1x16x1024xf32, #tpu.memory_space<vmem>> -> memref<16x1024xf32, #tpu.memory_space<vmem>>
        %swap3A_531 = arith.index_cast %select_n3A_497 : i32 to index
        %swap3A_532 = arith.index_cast %mul3A_515 : i32 to index
        %swap3A_533 = tpu.vector_load %swap3A_530[%swap3A_531, %swap3A_532] {strides = array<i32>} : memref<16x1024xf32, #tpu.memory_space<vmem>>, vector<1x16xf32>,
        %swap3A_534 = vector.shape_cast %swap3A_533 : vector<1x16xf32> to vector<16xf32>
        %swap3A_535 = vector.shape_cast %mul3A_526 : vector<16xf32> to vector<1x16xf32>
        tpu.vector_store %swap3A_530[%swap3A_531, %swap3A_532], %swap3A_535 {strides = array<i32>} : memref<16x1024xf32, #tpu.memory_space<vmem>>, vector<1x16xf32>,
        %scan3A_536 = arith.constant 4 : i32
        %scan3A_537 = arith.addi %scan3A_292, %scan3A_536 : i32
        %jit3A_538 = arith.constant 64 : i32
        %div3A_539 = arith.divsi %scan3A_537, %jit3A_538 : i32
        %sign3A_540 = arith.constant 0 : i32
        %sign3A_541 = arith.cmpi sgt, %scan3A_537, %sign3A_540 : i32
        %sign3A_542 = arith.extui %sign3A_541 : i1 to i32
        %sign3A_543 = arith.constant 0 : i32
        %sign3A_544 = arith.cmpi slt, %scan3A_537, %sign3A_543 : i32
        %sign3A_545 = arith.extui %sign3A_544 : i1 to i32
        %sign3A_546 = arith.subi %sign3A_542, %sign3A_545 : i32
        %sign3A_547 = arith.constant 0 : i32
        %sign3A_548 = arith.cmpi sgt, %jit3A_538, %sign3A_547 : i32
        %sign3A_549 = arith.extui %sign3A_548 : i1 to i32
        %sign3A_550 = arith.constant 0 : i32
        %sign3A_551 = arith.cmpi slt, %jit3A_538, %sign3A_550 : i32
        %sign3A_552 = arith.extui %sign3A_551 : i1 to i32
        %sign3A_553 = arith.subi %sign3A_549, %sign3A_552 : i32
        %ne3A_554 = arith.cmpi ne, %sign3A_546, %sign3A_553 : i32
        %rem3A_555 = arith.remsi %scan3A_537, %jit3A_538 : i32
        %ne3A_556 = arith.constant 0 : i32
        %ne3A_557 = arith.cmpi ne, %rem3A_555, %ne3A_556 : i32
        %and3A_558 = arith.andi %ne3A_554, %ne3A_557 : i1
        %sub3A_559 = arith.constant 1 : i32
        %sub3A_560 = arith.subi %div3A_539, %sub3A_559 : i32
        %select_n3A_561 = arith.select %and3A_558, %sub3A_560, %div3A_539 : i32
        %jit3A_562 = arith.constant 64 : i32
        %eq3A_563 = arith.constant 0 : i32
        %eq3A_564 = arith.cmpi eq, %jit3A_562, %eq3A_563 : i32
        %jit3A_565 = arith.constant 1 : i32
        %select_n3A_566 = arith.select %eq3A_564, %jit3A_565, %jit3A_562 : i32
        %rem3A_567 = arith.remsi %scan3A_537, %select_n3A_566 : i32
        %ne3A_568 = arith.constant 0 : i32
        %ne3A_569 = arith.cmpi ne, %rem3A_567, %ne3A_568 : i32
        %lt3A_570 = arith.constant 0 : i32
        %lt3A_571 = arith.cmpi slt, %rem3A_567, %lt3A_570 : i32
        %lt3A_572 = arith.constant 0 : i32
        %lt3A_573 = arith.cmpi slt, %select_n3A_566, %lt3A_572 : i32
        %ne3A_574 = arith.xori %lt3A_571, %lt3A_573 : i1
        %and3A_575 = arith.andi %ne3A_574, %ne3A_569 : i1
        %add3A_576 = arith.addi %rem3A_567, %select_n3A_566 : i32
        %select_n3A_577 = arith.select %and3A_575, %add3A_576, %rem3A_567 : i32
        %mul3A_578 = arith.constant 16 : i32
        %mul3A_579 = arith.muli %select_n3A_577, %mul3A_578 : i32
        %get3A_580 = arith.constant 0 : i32
        %get3A_581 = arith.constant 0 : i32
        %get3A_582 = tpu.memref_slice %arg6[%scan3A_100, %get3A_580, %get3A_581] : memref<4x16x1024xf32, #tpu.memory_space<vmem>> -> memref<1x16x1024xf32, #tpu.memory_space<vmem>>
        %get3A_583 = tpu.memref_squeeze %get3A_582 : memref<1x16x1024xf32, #tpu.memory_space<vmem>> -> memref<16x1024xf32, #tpu.memory_space<vmem>>
        %get3A_584 = arith.index_cast %select_n3A_561 : i32 to index
        %get3A_585 = arith.index_cast %mul3A_579 : i32 to index
        %get3A_586 = tpu.vector_load %get3A_583[%get3A_584, %get3A_585] {strides = array<i32>} : memref<16x1024xf32, #tpu.memory_space<vmem>>, vector<1x16xf32>,
        %get3A_587 = vector.shape_cast %get3A_586 : vector<1x16xf32> to vector<16xf32>
        %mul3A_588 = arith.constant 3.200000e+01 : f32
        %mul3A_589 = vector.broadcast %mul3A_588 : f32 to vector<16xf32>
        %mul3A_590 = arith.mulf %get3A_587, %mul3A_589 : vector<16xf32>
        %swap3A_591 = arith.constant 0 : i32
        %swap3A_592 = arith.constant 0 : i32
        %swap3A_593 = tpu.memref_slice %arg7[%scan3A_101, %swap3A_591, %swap3A_592] : memref<2x16x1024xf32, #tpu.memory_space<vmem>> -> memref<1x16x1024xf32, #tpu.memory_space<vmem>>
        %swap3A_594 = tpu.memref_squeeze %swap3A_593 : memref<1x16x1024xf32, #tpu.memory_space<vmem>> -> memref<16x1024xf32, #tpu.memory_space<vmem>>
        %swap3A_595 = arith.index_cast %select_n3A_561 : i32 to index
        %swap3A_596 = arith.index_cast %mul3A_579 : i32 to index
        %swap3A_597 = tpu.vector_load %swap3A_594[%swap3A_595, %swap3A_596] {strides = array<i32>} : memref<16x1024xf32, #tpu.memory_space<vmem>>, vector<1x16xf32>,
        %swap3A_598 = vector.shape_cast %swap3A_597 : vector<1x16xf32> to vector<16xf32>
        %swap3A_599 = vector.shape_cast %mul3A_590 : vector<16xf32> to vector<1x16xf32>
        tpu.vector_store %swap3A_594[%swap3A_595, %swap3A_596], %swap3A_599 {strides = array<i32>} : memref<16x1024xf32, #tpu.memory_space<vmem>>, vector<1x16xf32>,
        %scan3A_600 = arith.constant 5 : i32
        %scan3A_601 = arith.addi %scan3A_292, %scan3A_600 : i32
        %jit3A_602 = arith.constant 64 : i32
        %div3A_603 = arith.divsi %scan3A_601, %jit3A_602 : i32
        %sign3A_604 = arith.constant 0 : i32
        %sign3A_605 = arith.cmpi sgt, %scan3A_601, %sign3A_604 : i32
        %sign3A_606 = arith.extui %sign3A_605 : i1 to i32
        %sign3A_607 = arith.constant 0 : i32
        %sign3A_608 = arith.cmpi slt, %scan3A_601, %sign3A_607 : i32
        %sign3A_609 = arith.extui %sign3A_608 : i1 to i32
        %sign3A_610 = arith.subi %sign3A_606, %sign3A_609 : i32
        %sign3A_611 = arith.constant 0 : i32
        %sign3A_612 = arith.cmpi sgt, %jit3A_602, %sign3A_611 : i32
        %sign3A_613 = arith.extui %sign3A_612 : i1 to i32
        %sign3A_614 = arith.constant 0 : i32
        %sign3A_615 = arith.cmpi slt, %jit3A_602, %sign3A_614 : i32
        %sign3A_616 = arith.extui %sign3A_615 : i1 to i32
        %sign3A_617 = arith.subi %sign3A_613, %sign3A_616 : i32
        %ne3A_618 = arith.cmpi ne, %sign3A_610, %sign3A_617 : i32
        %rem3A_619 = arith.remsi %scan3A_601, %jit3A_602 : i32
        %ne3A_620 = arith.constant 0 : i32
        %ne3A_621 = arith.cmpi ne, %rem3A_619, %ne3A_620 : i32
        %and3A_622 = arith.andi %ne3A_618, %ne3A_621 : i1
        %sub3A_623 = arith.constant 1 : i32
        %sub3A_624 = arith.subi %div3A_603, %sub3A_623 : i32
        %select_n3A_625 = arith.select %and3A_622, %sub3A_624, %div3A_603 : i32
        %jit3A_626 = arith.constant 64 : i32
        %eq3A_627 = arith.constant 0 : i32
        %eq3A_628 = arith.cmpi eq, %jit3A_626, %eq3A_627 : i32
        %jit3A_629 = arith.constant 1 : i32
        %select_n3A_630 = arith.select %eq3A_628, %jit3A_629, %jit3A_626 : i32
        %rem3A_631 = arith.remsi %scan3A_601, %select_n3A_630 : i32
        %ne3A_632 = arith.constant 0 : i32
        %ne3A_633 = arith.cmpi ne, %rem3A_631, %ne3A_632 : i32
        %lt3A_634 = arith.constant 0 : i32
        %lt3A_635 = arith.cmpi slt, %rem3A_631, %lt3A_634 : i32
        %lt3A_636 = arith.constant 0 : i32
        %lt3A_637 = arith.cmpi slt, %select_n3A_630, %lt3A_636 : i32
        %ne3A_638 = arith.xori %lt3A_635, %lt3A_637 : i1
        %and3A_639 = arith.andi %ne3A_638, %ne3A_633 : i1
        %add3A_640 = arith.addi %rem3A_631, %select_n3A_630 : i32
        %select_n3A_641 = arith.select %and3A_639, %add3A_640, %rem3A_631 : i32
        %mul3A_642 = arith.constant 16 : i32
        %mul3A_643 = arith.muli %select_n3A_641, %mul3A_642 : i32
        %get3A_644 = arith.constant 0 : i32
        %get3A_645 = arith.constant 0 : i32
        %get3A_646 = tpu.memref_slice %arg6[%scan3A_100, %get3A_644, %get3A_645] : memref<4x16x1024xf32, #tpu.memory_space<vmem>> -> memref<1x16x1024xf32, #tpu.memory_space<vmem>>
        %get3A_647 = tpu.memref_squeeze %get3A_646 : memref<1x16x1024xf32, #tpu.memory_space<vmem>> -> memref<16x1024xf32, #tpu.memory_space<vmem>>
        %get3A_648 = arith.index_cast %select_n3A_625 : i32 to index
        %get3A_649 = arith.index_cast %mul3A_643 : i32 to index
        %get3A_650 = tpu.vector_load %get3A_647[%get3A_648, %get3A_649] {strides = array<i32>} : memref<16x1024xf32, #tpu.memory_space<vmem>>, vector<1x16xf32>,
        %get3A_651 = vector.shape_cast %get3A_650 : vector<1x16xf32> to vector<16xf32>
        %mul3A_652 = arith.constant 3.200000e+01 : f32
        %mul3A_653 = vector.broadcast %mul3A_652 : f32 to vector<16xf32>
        %mul3A_654 = arith.mulf %get3A_651, %mul3A_653 : vector<16xf32>
        %swap3A_655 = arith.constant 0 : i32
        %swap3A_656 = arith.constant 0 : i32
        %swap3A_657 = tpu.memref_slice %arg7[%scan3A_101, %swap3A_655, %swap3A_656] : memref<2x16x1024xf32, #tpu.memory_space<vmem>> -> memref<1x16x1024xf32, #tpu.memory_space<vmem>>
        %swap3A_658 = tpu.memref_squeeze %swap3A_657 : memref<1x16x1024xf32, #tpu.memory_space<vmem>> -> memref<16x1024xf32, #tpu.memory_space<vmem>>
        %swap3A_659 = arith.index_cast %select_n3A_625 : i32 to index
        %swap3A_660 = arith.index_cast %mul3A_643 : i32 to index
        %swap3A_661 = tpu.vector_load %swap3A_658[%swap3A_659, %swap3A_660] {strides = array<i32>} : memref<16x1024xf32, #tpu.memory_space<vmem>>, vector<1x16xf32>,
        %swap3A_662 = vector.shape_cast %swap3A_661 : vector<1x16xf32> to vector<16xf32>
        %swap3A_663 = vector.shape_cast %mul3A_654 : vector<16xf32> to vector<1x16xf32>
        tpu.vector_store %swap3A_658[%swap3A_659, %swap3A_660], %swap3A_663 {strides = array<i32>} : memref<16x1024xf32, #tpu.memory_space<vmem>>, vector<1x16xf32>,
        %scan3A_664 = arith.constant 6 : i32
        %scan3A_665 = arith.addi %scan3A_292, %scan3A_664 : i32
        %jit3A_666 = arith.constant 64 : i32
        %div3A_667 = arith.divsi %scan3A_665, %jit3A_666 : i32
        %sign3A_668 = arith.constant 0 : i32
        %sign3A_669 = arith.cmpi sgt, %scan3A_665, %sign3A_668 : i32
        %sign3A_670 = arith.extui %sign3A_669 : i1 to i32
        %sign3A_671 = arith.constant 0 : i32
        %sign3A_672 = arith.cmpi slt, %scan3A_665, %sign3A_671 : i32
        %sign3A_673 = arith.extui %sign3A_672 : i1 to i32
        %sign3A_674 = arith.subi %sign3A_670, %sign3A_673 : i32
        %sign3A_675 = arith.constant 0 : i32
        %sign3A_676 = arith.cmpi sgt, %jit3A_666, %sign3A_675 : i32
        %sign3A_677 = arith.extui %sign3A_676 : i1 to i32
        %sign3A_678 = arith.constant 0 : i32
        %sign3A_679 = arith.cmpi slt, %jit3A_666, %sign3A_678 : i32
        %sign3A_680 = arith.extui %sign3A_679 : i1 to i32
        %sign3A_681 = arith.subi %sign3A_677, %sign3A_680 : i32
        %ne3A_682 = arith.cmpi ne, %sign3A_674, %sign3A_681 : i32
        %rem3A_683 = arith.remsi %scan3A_665, %jit3A_666 : i32
        %ne3A_684 = arith.constant 0 : i32
        %ne3A_685 = arith.cmpi ne, %rem3A_683, %ne3A_684 : i32
        %and3A_686 = arith.andi %ne3A_682, %ne3A_685 : i1
        %sub3A_687 = arith.constant 1 : i32
        %sub3A_688 = arith.subi %div3A_667, %sub3A_687 : i32
        %select_n3A_689 = arith.select %and3A_686, %sub3A_688, %div3A_667 : i32
        %jit3A_690 = arith.constant 64 : i32
        %eq3A_691 = arith.constant 0 : i32
        %eq3A_692 = arith.cmpi eq, %jit3A_690, %eq3A_691 : i32
        %jit3A_693 = arith.constant 1 : i32
        %select_n3A_694 = arith.select %eq3A_692, %jit3A_693, %jit3A_690 : i32
        %rem3A_695 = arith.remsi %scan3A_665, %select_n3A_694 : i32
        %ne3A_696 = arith.constant 0 : i32
        %ne3A_697 = arith.cmpi ne, %rem3A_695, %ne3A_696 : i32
        %lt3A_698 = arith.constant 0 : i32
        %lt3A_699 = arith.cmpi slt, %rem3A_695, %lt3A_698 : i32
        %lt3A_700 = arith.constant 0 : i32
        %lt3A_701 = arith.cmpi slt, %select_n3A_694, %lt3A_700 : i32
        %ne3A_702 = arith.xori %lt3A_699, %lt3A_701 : i1
        %and3A_703 = arith.andi %ne3A_702, %ne3A_697 : i1
        %add3A_704 = arith.addi %rem3A_695, %select_n3A_694 : i32
        %select_n3A_705 = arith.select %and3A_703, %add3A_704, %rem3A_695 : i32
        %mul3A_706 = arith.constant 16 : i32
        %mul3A_707 = arith.muli %select_n3A_705, %mul3A_706 : i32
        %get3A_708 = arith.constant 0 : i32
        %get3A_709 = arith.constant 0 : i32
        %get3A_710 = tpu.memref_slice %arg6[%scan3A_100, %get3A_708, %get3A_709] : memref<4x16x1024xf32, #tpu.memory_space<vmem>> -> memref<1x16x1024xf32, #tpu.memory_space<vmem>>
        %get3A_711 = tpu.memref_squeeze %get3A_710 : memref<1x16x1024xf32, #tpu.memory_space<vmem>> -> memref<16x1024xf32, #tpu.memory_space<vmem>>
        %get3A_712 = arith.index_cast %select_n3A_689 : i32 to index
        %get3A_713 = arith.index_cast %mul3A_707 : i32 to index
        %get3A_714 = tpu.vector_load %get3A_711[%get3A_712, %get3A_713] {strides = array<i32>} : memref<16x1024xf32, #tpu.memory_space<vmem>>, vector<1x16xf32>,
        %get3A_715 = vector.shape_cast %get3A_714 : vector<1x16xf32> to vector<16xf32>
        %mul3A_716 = arith.constant 3.200000e+01 : f32
        %mul3A_717 = vector.broadcast %mul3A_716 : f32 to vector<16xf32>
        %mul3A_718 = arith.mulf %get3A_715, %mul3A_717 : vector<16xf32>
        %swap3A_719 = arith.constant 0 : i32
        %swap3A_720 = arith.constant 0 : i32
        %swap3A_721 = tpu.memref_slice %arg7[%scan3A_101, %swap3A_719, %swap3A_720] : memref<2x16x1024xf32, #tpu.memory_space<vmem>> -> memref<1x16x1024xf32, #tpu.memory_space<vmem>>
        %swap3A_722 = tpu.memref_squeeze %swap3A_721 : memref<1x16x1024xf32, #tpu.memory_space<vmem>> -> memref<16x1024xf32, #tpu.memory_space<vmem>>
        %swap3A_723 = arith.index_cast %select_n3A_689 : i32 to index
        %swap3A_724 = arith.index_cast %mul3A_707 : i32 to index
        %swap3A_725 = tpu.vector_load %swap3A_722[%swap3A_723, %swap3A_724] {strides = array<i32>} : memref<16x1024xf32, #tpu.memory_space<vmem>>, vector<1x16xf32>,
        %swap3A_726 = vector.shape_cast %swap3A_725 : vector<1x16xf32> to vector<16xf32>
        %swap3A_727 = vector.shape_cast %mul3A_718 : vector<16xf32> to vector<1x16xf32>
        tpu.vector_store %swap3A_722[%swap3A_723, %swap3A_724], %swap3A_727 {strides = array<i32>} : memref<16x1024xf32, #tpu.memory_space<vmem>>, vector<1x16xf32>,
        %scan3A_728 = arith.constant 7 : i32
        %scan3A_729 = arith.addi %scan3A_292, %scan3A_728 : i32
        %jit3A_730 = arith.constant 64 : i32
        %div3A_731 = arith.divsi %scan3A_729, %jit3A_730 : i32
        %sign3A_732 = arith.constant 0 : i32
        %sign3A_733 = arith.cmpi sgt, %scan3A_729, %sign3A_732 : i32
        %sign3A_734 = arith.extui %sign3A_733 : i1 to i32
        %sign3A_735 = arith.constant 0 : i32
        %sign3A_736 = arith.cmpi slt, %scan3A_729, %sign3A_735 : i32
        %sign3A_737 = arith.extui %sign3A_736 : i1 to i32
        %sign3A_738 = arith.subi %sign3A_734, %sign3A_737 : i32
        %sign3A_739 = arith.constant 0 : i32
        %sign3A_740 = arith.cmpi sgt, %jit3A_730, %sign3A_739 : i32
        %sign3A_741 = arith.extui %sign3A_740 : i1 to i32
        %sign3A_742 = arith.constant 0 : i32
        %sign3A_743 = arith.cmpi slt, %jit3A_730, %sign3A_742 : i32
        %sign3A_744 = arith.extui %sign3A_743 : i1 to i32
        %sign3A_745 = arith.subi %sign3A_741, %sign3A_744 : i32
        %ne3A_746 = arith.cmpi ne, %sign3A_738, %sign3A_745 : i32
        %rem3A_747 = arith.remsi %scan3A_729, %jit3A_730 : i32
        %ne3A_748 = arith.constant 0 : i32
        %ne3A_749 = arith.cmpi ne, %rem3A_747, %ne3A_748 : i32
        %and3A_750 = arith.andi %ne3A_746, %ne3A_749 : i1
        %sub3A_751 = arith.constant 1 : i32
        %sub3A_752 = arith.subi %div3A_731, %sub3A_751 : i32
        %select_n3A_753 = arith.select %and3A_750, %sub3A_752, %div3A_731 : i32
        %jit3A_754 = arith.constant 64 : i32
        %eq3A_755 = arith.constant 0 : i32
        %eq3A_756 = arith.cmpi eq, %jit3A_754, %eq3A_755 : i32
        %jit3A_757 = arith.constant 1 : i32
        %select_n3A_758 = arith.select %eq3A_756, %jit3A_757, %jit3A_754 : i32
        %rem3A_759 = arith.remsi %scan3A_729, %select_n3A_758 : i32
        %ne3A_760 = arith.constant 0 : i32
        %ne3A_761 = arith.cmpi ne, %rem3A_759, %ne3A_760 : i32
        %lt3A_762 = arith.constant 0 : i32
        %lt3A_763 = arith.cmpi slt, %rem3A_759, %lt3A_762 : i32
        %lt3A_764 = arith.constant 0 : i32
        %lt3A_765 = arith.cmpi slt, %select_n3A_758, %lt3A_764 : i32
        %ne3A_766 = arith.xori %lt3A_763, %lt3A_765 : i1
        %and3A_767 = arith.andi %ne3A_766, %ne3A_761 : i1
        %add3A_768 = arith.addi %rem3A_759, %select_n3A_758 : i32
        %select_n3A_769 = arith.select %and3A_767, %add3A_768, %rem3A_759 : i32
        %mul3A_770 = arith.constant 16 : i32
        %mul3A_771 = arith.muli %select_n3A_769, %mul3A_770 : i32
        %get3A_772 = arith.constant 0 : i32
        %get3A_773 = arith.constant 0 : i32
        %get3A_774 = tpu.memref_slice %arg6[%scan3A_100, %get3A_772, %get3A_773] : memref<4x16x1024xf32, #tpu.memory_space<vmem>> -> memref<1x16x1024xf32, #tpu.memory_space<vmem>>
        %get3A_775 = tpu.memref_squeeze %get3A_774 : memref<1x16x1024xf32, #tpu.memory_space<vmem>> -> memref<16x1024xf32, #tpu.memory_space<vmem>>
        %get3A_776 = arith.index_cast %select_n3A_753 : i32 to index
        %get3A_777 = arith.index_cast %mul3A_771 : i32 to index
        %get3A_778 = tpu.vector_load %get3A_775[%get3A_776, %get3A_777] {strides = array<i32>} : memref<16x1024xf32, #tpu.memory_space<vmem>>, vector<1x16xf32>,
        %get3A_779 = vector.shape_cast %get3A_778 : vector<1x16xf32> to vector<16xf32>
        %mul3A_780 = arith.constant 3.200000e+01 : f32
        %mul3A_781 = vector.broadcast %mul3A_780 : f32 to vector<16xf32>
        %mul3A_782 = arith.mulf %get3A_779, %mul3A_781 : vector<16xf32>
        %swap3A_783 = arith.constant 0 : i32
        %swap3A_784 = arith.constant 0 : i32
        %swap3A_785 = tpu.memref_slice %arg7[%scan3A_101, %swap3A_783, %swap3A_784] : memref<2x16x1024xf32, #tpu.memory_space<vmem>> -> memref<1x16x1024xf32, #tpu.memory_space<vmem>>
        %swap3A_786 = tpu.memref_squeeze %swap3A_785 : memref<1x16x1024xf32, #tpu.memory_space<vmem>> -> memref<16x1024xf32, #tpu.memory_space<vmem>>
        %swap3A_787 = arith.index_cast %select_n3A_753 : i32 to index
        %swap3A_788 = arith.index_cast %mul3A_771 : i32 to index
        %swap3A_789 = tpu.vector_load %swap3A_786[%swap3A_787, %swap3A_788] {strides = array<i32>} : memref<16x1024xf32, #tpu.memory_space<vmem>>, vector<1x16xf32>,
        %swap3A_790 = vector.shape_cast %swap3A_789 : vector<1x16xf32> to vector<16xf32>
        %swap3A_791 = vector.shape_cast %mul3A_782 : vector<16xf32> to vector<1x16xf32>
        tpu.vector_store %swap3A_786[%swap3A_787, %swap3A_788], %swap3A_791 {strides = array<i32>} : memref<16x1024xf32, #tpu.memory_space<vmem>>, vector<1x16xf32>,
      }
      %scan3A_106 = arith.constant 1024 : i32
      %lt3A = arith.constant 7 : i32
      %lt3A_107 = arith.cmpi slt, %scan3A_76, %lt3A : i32
      %convert_element_type3A_108 = arith.extui %lt3A_107 : i1 to i32
      %cond3A_109 = arith.constant 0 : i32
      %cond3A_110 = arith.cmpi ne, %convert_element_type3A_108, %cond3A_109 : i32
      scf.if %cond3A_110 {
        %add3A_292 = arith.constant 4 : i32
        %add3A_293 = arith.addi %add3A_80, %add3A_292 : i32
        %mul3A_294 = arith.constant 16 : i32
        %mul3A_295 = arith.muli %add3A_293, %mul3A_294 : i32
        %dma_start3A_296 = arith.constant 0 : i32
        %dma_start3A_297 = arith.constant 0 : i32
        %dma_start3A_298 = arith.constant 0 : i32
        %dma_start3A_299 = tpu.memref_slice %arg6[%dma_start3A_296, %dma_start3A_297, %dma_start3A_298] : memref<4x16x1024xf32, #tpu.memory_space<vmem>> -> memref<1x16x1024xf32, #tpu.memory_space<vmem>>
        %dma_start3A_300 = tpu.memref_squeeze %dma_start3A_299 : memref<1x16x1024xf32, #tpu.memory_space<vmem>> -> memref<16x1024xf32, #tpu.memory_space<vmem>>
        %dma_start3A_301 = tpu.memref_slice %arg5[%mul3A_295] : memref<512xi32, #tpu.memory_space<vmem>> -> memref<16xi32, #tpu.memory_space<vmem>>
        %dma_start3A_302 = arith.constant 0 : i32
        %dma_start3A_303 = arith.constant 0 : i32
        %dma_start3A_304 = tpu.memref_slice %arg3[%dma_start3A_302, %dma_start3A_303] : memref<100000x1024xf32, #tpu.memory_space<hbm>> -> memref<100000x1024xf32, #tpu.memory_space<hbm>>
        tpu.enqueue_indirect_dma source(%dma_start3A_304 : memref<100000x1024xf32, #tpu.memory_space<hbm>>) target(%dma_start3A_300 : memref<16x1024xf32, #tpu.memory_space<vmem>>) offsets(%dma_start3A_301 : memref<16xi32, #tpu.memory_space<vmem>>) semaphore(%arg8 : memref<!tpu.dma_semaphore, #tpu.memory_space<semaphore_mem>>)
      } else {
      }
      %mul3A_111 = arith.constant 16 : i32
      %mul3A_112 = arith.muli %add3A_80, %mul3A_111 : i32
      %add3A_113 = arith.addi %mul3A_2, %mul3A_112 : i32
      %dma_start3A_114 = arith.constant 0 : i32
      %dma_start3A_115 = arith.constant 0 : i32
      %dma_start3A_116 = arith.constant 0 : i32
      %dma_start3A_117 = tpu.memref_slice %arg7[%dma_start3A_114, %dma_start3A_115, %dma_start3A_116] : memref<2x16x1024xf32, #tpu.memory_space<vmem>> -> memref<1x16x1024xf32, #tpu.memory_space<vmem>>
      %dma_start3A_118 = tpu.memref_squeeze %dma_start3A_117 : memref<1x16x1024xf32, #tpu.memory_space<vmem>> -> memref<16x1024xf32, #tpu.memory_space<vmem>>
      %dma_start3A_119 = arith.constant 0 : i32
      %dma_start3A_120 = tpu.memref_slice %arg4[%add3A_113, %dma_start3A_119] : memref<16384x1024xf32, #tpu.memory_space<hbm>> -> memref<16x1024xf32, #tpu.memory_space<hbm>>
      %dma_start3A_121 = arith.constant 0 : i32
      %dma_start3A_122 = tpu.memref_slice %arg4[%add3A_113, %dma_start3A_121] : memref<16384x1024xf32, #tpu.memory_space<hbm>> -> memref<16x1024xf32, #tpu.memory_space<hbm>>
      %dma_start3A_123 = arith.constant 0 : i32
      %dma_start3A_124 = arith.constant 0 : i32
      %dma_start3A_125 = tpu.memref_slice %arg7[%dma_start3A_114, %dma_start3A_123, %dma_start3A_124] : memref<2x16x1024xf32, #tpu.memory_space<vmem>> -> memref<1x16x1024xf32, #tpu.memory_space<vmem>>
      %dma_start3A_126 = tpu.memref_squeeze %dma_start3A_125 : memref<1x16x1024xf32, #tpu.memory_space<vmem>> -> memref<16x1024xf32, #tpu.memory_space<vmem>>
      tpu.enqueue_dma source(%dma_start3A_126 : memref<16x1024xf32, #tpu.memory_space<vmem>>) target(%dma_start3A_122 : memref<16x1024xf32, #tpu.memory_space<hbm>>) target_semaphore(%arg12 : memref<!tpu.dma_semaphore, #tpu.memory_space<semaphore_mem>>)
      %mul3A_127 = arith.constant 4 : i32
      %mul3A_128 = arith.muli %scan3A_76, %mul3A_127 : i32
      %add3A_129 = arith.constant 1 : i32
      %add3A_130 = arith.addi %mul3A_128, %add3A_129 : i32
      %dma_wait3A_131 = arith.constant 1 : i32
      %dma_wait3A_132 = arith.constant 0 : i32
      %dma_wait3A_133 = arith.constant 0 : i32
      %dma_wait3A_134 = tpu.memref_slice %arg6[%dma_wait3A_131, %dma_wait3A_132, %dma_wait3A_133] : memref<4x16x1024xf32, #tpu.memory_space<vmem>> -> memref<1x16x1024xf32, #tpu.memory_space<vmem>>
      %dma_wait3A_135 = tpu.memref_squeeze %dma_wait3A_134 : memref<1x16x1024xf32, #tpu.memory_space<vmem>> -> memref<16x1024xf32, #tpu.memory_space<vmem>>
      %dma_wait3A_136 = arith.constant 0 : i32
      %dma_wait3A_137 = arith.constant 0 : i32
      %dma_wait3A_138 = tpu.memref_slice %arg3[%dma_wait3A_136, %dma_wait3A_137] : memref<100000x1024xf32, #tpu.memory_space<hbm>> -> memref<16x1024xf32, #tpu.memory_space<hbm>>
      %dma_wait3A_139 = arith.constant 0 : i32
      %dma_wait3A_140 = arith.constant 0 : i32
      %dma_wait3A_141 = tpu.memref_slice %arg6[%dma_wait3A_131, %dma_wait3A_139, %dma_wait3A_140] : memref<4x16x1024xf32, #tpu.memory_space<vmem>> -> memref<1x16x1024xf32, #tpu.memory_space<vmem>>
      %dma_wait3A_142 = tpu.memref_squeeze %dma_wait3A_141 : memref<1x16x1024xf32, #tpu.memory_space<vmem>> -> memref<16x1024xf32, #tpu.memory_space<vmem>>
      %dma_wait3A_143 = arith.constant 0 : i32
      %dma_wait3A_144 = arith.constant 0 : i32
      %dma_wait3A_145 = tpu.memref_slice %arg3[%dma_wait3A_143, %dma_wait3A_144] : memref<100000x1024xf32, #tpu.memory_space<hbm>> -> memref<16x1024xf32, #tpu.memory_space<hbm>>
      tpu.wait_dma2 semaphore(%arg9 : memref<!tpu.dma_semaphore, #tpu.memory_space<semaphore_mem>>) src(%dma_wait3A_145 : memref<16x1024xf32, #tpu.memory_space<hbm>>) dst(%dma_wait3A_142 : memref<16x1024xf32, #tpu.memory_space<vmem>>)
      %gt3A_146 = arith.constant 0 : i32
      %gt3A_147 = arith.cmpi sgt, %scan3A_76, %gt3A_146 : i32
      %or3A_148 = arith.constant false
      %or3A_149 = arith.ori %gt3A_147, %or3A_148 : i1
      %convert_element_type3A_150 = arith.extui %or3A_149 : i1 to i32
      %cond3A_151 = arith.constant 0 : i32
      %cond3A_152 = arith.cmpi ne, %convert_element_type3A_150, %cond3A_151 : i32
      scf.if %cond3A_152 {
        %dma_wait3A_292 = arith.constant 1 : i32
        %dma_wait3A_293 = arith.constant 0 : i32
        %dma_wait3A_294 = arith.constant 0 : i32
        %dma_wait3A_295 = tpu.memref_slice %arg7[%dma_wait3A_292, %dma_wait3A_293, %dma_wait3A_294] : memref<2x16x1024xf32, #tpu.memory_space<vmem>> -> memref<1x16x1024xf32, #tpu.memory_space<vmem>>
        %dma_wait3A_296 = tpu.memref_squeeze %dma_wait3A_295 : memref<1x16x1024xf32, #tpu.memory_space<vmem>> -> memref<16x1024xf32, #tpu.memory_space<vmem>>
        %dma_wait3A_297 = arith.constant 0 : i32
        %dma_wait3A_298 = arith.constant 0 : i32
        %dma_wait3A_299 = tpu.memref_slice %arg4[%dma_wait3A_297, %dma_wait3A_298] : memref<16384x1024xf32, #tpu.memory_space<hbm>> -> memref<16x1024xf32, #tpu.memory_space<hbm>>
        %dma_wait3A_300 = arith.constant 0 : i32
        %dma_wait3A_301 = arith.constant 0 : i32
        %dma_wait3A_302 = tpu.memref_slice %arg4[%dma_wait3A_300, %dma_wait3A_301] : memref<16384x1024xf32, #tpu.memory_space<hbm>> -> memref<16x1024xf32, #tpu.memory_space<hbm>>
        %dma_wait3A_303 = arith.constant 0 : i32
        %dma_wait3A_304 = arith.constant 0 : i32
        %dma_wait3A_305 = tpu.memref_slice %arg7[%dma_wait3A_292, %dma_wait3A_303, %dma_wait3A_304] : memref<2x16x1024xf32, #tpu.memory_space<vmem>> -> memref<1x16x1024xf32, #tpu.memory_space<vmem>>
        %dma_wait3A_306 = tpu.memref_squeeze %dma_wait3A_305 : memref<1x16x1024xf32, #tpu.memory_space<vmem>> -> memref<16x1024xf32, #tpu.memory_space<vmem>>
        tpu.wait_dma2 semaphore(%arg13 : memref<!tpu.dma_semaphore, #tpu.memory_space<semaphore_mem>>) src(%dma_wait3A_306 : memref<16x1024xf32, #tpu.memory_space<vmem>>) dst(%dma_wait3A_302 : memref<16x1024xf32, #tpu.memory_space<hbm>>)
      } else {
      }
      %scan3A_153 = arith.constant 0 : i32
      %scan3A_154 = arith.constant 1 : i32
      %scan3A_155 = arith.constant 1 : i32
      %scan3A_156 = arith.constant 0 : i32
      %scan3A_157 = arith.constant 1024 : i32
      %scan3A_158 = arith.addi %scan3A_156, %scan3A_157 : i32
      %scan3A_159 = arith.constant 8 : i32
      scf.for %scan3A_292 = %scan3A_156 to %scan3A_158 step %scan3A_159  : i32 {
        %jit3A = arith.constant 64 : i32
        %div3A = arith.divsi %scan3A_292, %jit3A : i32
        %sign3A = arith.constant 0 : i32
        %sign3A_293 = arith.cmpi sgt, %scan3A_292, %sign3A : i32
        %sign3A_294 = arith.extui %sign3A_293 : i1 to i32
        %sign3A_295 = arith.constant 0 : i32
        %sign3A_296 = arith.cmpi slt, %scan3A_292, %sign3A_295 : i32
        %sign3A_297 = arith.extui %sign3A_296 : i1 to i32
        %sign3A_298 = arith.subi %sign3A_294, %sign3A_297 : i32
        %sign3A_299 = arith.constant 0 : i32
        %sign3A_300 = arith.cmpi sgt, %jit3A, %sign3A_299 : i32
        %sign3A_301 = arith.extui %sign3A_300 : i1 to i32
        %sign3A_302 = arith.constant 0 : i32
        %sign3A_303 = arith.cmpi slt, %jit3A, %sign3A_302 : i32
        %sign3A_304 = arith.extui %sign3A_303 : i1 to i32
        %sign3A_305 = arith.subi %sign3A_301, %sign3A_304 : i32
        %ne3A = arith.cmpi ne, %sign3A_298, %sign3A_305 : i32
        %rem3A = arith.remsi %scan3A_292, %jit3A : i32
        %ne3A_306 = arith.constant 0 : i32
        %ne3A_307 = arith.cmpi ne, %rem3A, %ne3A_306 : i32
        %and3A = arith.andi %ne3A, %ne3A_307 : i1
        %sub3A = arith.constant 1 : i32
        %sub3A_308 = arith.subi %div3A, %sub3A : i32
        %select_n3A = arith.select %and3A, %sub3A_308, %div3A : i32
        %jit3A_309 = arith.constant 64 : i32
        %eq3A = arith.constant 0 : i32
        %eq3A_310 = arith.cmpi eq, %jit3A_309, %eq3A : i32
        %jit3A_311 = arith.constant 1 : i32
        %select_n3A_312 = arith.select %eq3A_310, %jit3A_311, %jit3A_309 : i32
        %rem3A_313 = arith.remsi %scan3A_292, %select_n3A_312 : i32
        %ne3A_314 = arith.constant 0 : i32
        %ne3A_315 = arith.cmpi ne, %rem3A_313, %ne3A_314 : i32
        %lt3A_316 = arith.constant 0 : i32
        %lt3A_317 = arith.cmpi slt, %rem3A_313, %lt3A_316 : i32
        %lt3A_318 = arith.constant 0 : i32
        %lt3A_319 = arith.cmpi slt, %select_n3A_312, %lt3A_318 : i32
        %ne3A_320 = arith.xori %lt3A_317, %lt3A_319 : i1
        %and3A_321 = arith.andi %ne3A_320, %ne3A_315 : i1
        %add3A_322 = arith.addi %rem3A_313, %select_n3A_312 : i32
        %select_n3A_323 = arith.select %and3A_321, %add3A_322, %rem3A_313 : i32
        %mul3A_324 = arith.constant 16 : i32
        %mul3A_325 = arith.muli %select_n3A_323, %mul3A_324 : i32
        %get3A = arith.constant 0 : i32
        %get3A_326 = arith.constant 0 : i32
        %get3A_327 = tpu.memref_slice %arg6[%scan3A_154, %get3A, %get3A_326] : memref<4x16x1024xf32, #tpu.memory_space<vmem>> -> memref<1x16x1024xf32, #tpu.memory_space<vmem>>
        %get3A_328 = tpu.memref_squeeze %get3A_327 : memref<1x16x1024xf32, #tpu.memory_space<vmem>> -> memref<16x1024xf32, #tpu.memory_space<vmem>>
        %get3A_329 = arith.index_cast %select_n3A : i32 to index
        %get3A_330 = arith.index_cast %mul3A_325 : i32 to index
        %get3A_331 = tpu.vector_load %get3A_328[%get3A_329, %get3A_330] {strides = array<i32>} : memref<16x1024xf32, #tpu.memory_space<vmem>>, vector<1x16xf32>,
        %get3A_332 = vector.shape_cast %get3A_331 : vector<1x16xf32> to vector<16xf32>
        %mul3A_333 = arith.constant 3.200000e+01 : f32
        %mul3A_334 = vector.broadcast %mul3A_333 : f32 to vector<16xf32>
        %mul3A_335 = arith.mulf %get3A_332, %mul3A_334 : vector<16xf32>
        %swap3A = arith.constant 0 : i32
        %swap3A_336 = arith.constant 0 : i32
        %swap3A_337 = tpu.memref_slice %arg7[%scan3A_155, %swap3A, %swap3A_336] : memref<2x16x1024xf32, #tpu.memory_space<vmem>> -> memref<1x16x1024xf32, #tpu.memory_space<vmem>>
        %swap3A_338 = tpu.memref_squeeze %swap3A_337 : memref<1x16x1024xf32, #tpu.memory_space<vmem>> -> memref<16x1024xf32, #tpu.memory_space<vmem>>
        %swap3A_339 = arith.index_cast %select_n3A : i32 to index
        %swap3A_340 = arith.index_cast %mul3A_325 : i32 to index
        %swap3A_341 = tpu.vector_load %swap3A_338[%swap3A_339, %swap3A_340] {strides = array<i32>} : memref<16x1024xf32, #tpu.memory_space<vmem>>, vector<1x16xf32>,
        %swap3A_342 = vector.shape_cast %swap3A_341 : vector<1x16xf32> to vector<16xf32>
        %swap3A_343 = vector.shape_cast %mul3A_335 : vector<16xf32> to vector<1x16xf32>
        tpu.vector_store %swap3A_338[%swap3A_339, %swap3A_340], %swap3A_343 {strides = array<i32>} : memref<16x1024xf32, #tpu.memory_space<vmem>>, vector<1x16xf32>,
        %scan3A_344 = arith.constant 1 : i32
        %scan3A_345 = arith.addi %scan3A_292, %scan3A_344 : i32
        %jit3A_346 = arith.constant 64 : i32
        %div3A_347 = arith.divsi %scan3A_345, %jit3A_346 : i32
        %sign3A_348 = arith.constant 0 : i32
        %sign3A_349 = arith.cmpi sgt, %scan3A_345, %sign3A_348 : i32
        %sign3A_350 = arith.extui %sign3A_349 : i1 to i32
        %sign3A_351 = arith.constant 0 : i32
        %sign3A_352 = arith.cmpi slt, %scan3A_345, %sign3A_351 : i32
        %sign3A_353 = arith.extui %sign3A_352 : i1 to i32
        %sign3A_354 = arith.subi %sign3A_350, %sign3A_353 : i32
        %sign3A_355 = arith.constant 0 : i32
        %sign3A_356 = arith.cmpi sgt, %jit3A_346, %sign3A_355 : i32
        %sign3A_357 = arith.extui %sign3A_356 : i1 to i32
        %sign3A_358 = arith.constant 0 : i32
        %sign3A_359 = arith.cmpi slt, %jit3A_346, %sign3A_358 : i32
        %sign3A_360 = arith.extui %sign3A_359 : i1 to i32
        %sign3A_361 = arith.subi %sign3A_357, %sign3A_360 : i32
        %ne3A_362 = arith.cmpi ne, %sign3A_354, %sign3A_361 : i32
        %rem3A_363 = arith.remsi %scan3A_345, %jit3A_346 : i32
        %ne3A_364 = arith.constant 0 : i32
        %ne3A_365 = arith.cmpi ne, %rem3A_363, %ne3A_364 : i32
        %and3A_366 = arith.andi %ne3A_362, %ne3A_365 : i1
        %sub3A_367 = arith.constant 1 : i32
        %sub3A_368 = arith.subi %div3A_347, %sub3A_367 : i32
        %select_n3A_369 = arith.select %and3A_366, %sub3A_368, %div3A_347 : i32
        %jit3A_370 = arith.constant 64 : i32
        %eq3A_371 = arith.constant 0 : i32
        %eq3A_372 = arith.cmpi eq, %jit3A_370, %eq3A_371 : i32
        %jit3A_373 = arith.constant 1 : i32
        %select_n3A_374 = arith.select %eq3A_372, %jit3A_373, %jit3A_370 : i32
        %rem3A_375 = arith.remsi %scan3A_345, %select_n3A_374 : i32
        %ne3A_376 = arith.constant 0 : i32
        %ne3A_377 = arith.cmpi ne, %rem3A_375, %ne3A_376 : i32
        %lt3A_378 = arith.constant 0 : i32
        %lt3A_379 = arith.cmpi slt, %rem3A_375, %lt3A_378 : i32
        %lt3A_380 = arith.constant 0 : i32
        %lt3A_381 = arith.cmpi slt, %select_n3A_374, %lt3A_380 : i32
        %ne3A_382 = arith.xori %lt3A_379, %lt3A_381 : i1
        %and3A_383 = arith.andi %ne3A_382, %ne3A_377 : i1
        %add3A_384 = arith.addi %rem3A_375, %select_n3A_374 : i32
        %select_n3A_385 = arith.select %and3A_383, %add3A_384, %rem3A_375 : i32
        %mul3A_386 = arith.constant 16 : i32
        %mul3A_387 = arith.muli %select_n3A_385, %mul3A_386 : i32
        %get3A_388 = arith.constant 0 : i32
        %get3A_389 = arith.constant 0 : i32
        %get3A_390 = tpu.memref_slice %arg6[%scan3A_154, %get3A_388, %get3A_389] : memref<4x16x1024xf32, #tpu.memory_space<vmem>> -> memref<1x16x1024xf32, #tpu.memory_space<vmem>>
        %get3A_391 = tpu.memref_squeeze %get3A_390 : memref<1x16x1024xf32, #tpu.memory_space<vmem>> -> memref<16x1024xf32, #tpu.memory_space<vmem>>
        %get3A_392 = arith.index_cast %select_n3A_369 : i32 to index
        %get3A_393 = arith.index_cast %mul3A_387 : i32 to index
        %get3A_394 = tpu.vector_load %get3A_391[%get3A_392, %get3A_393] {strides = array<i32>} : memref<16x1024xf32, #tpu.memory_space<vmem>>, vector<1x16xf32>,
        %get3A_395 = vector.shape_cast %get3A_394 : vector<1x16xf32> to vector<16xf32>
        %mul3A_396 = arith.constant 3.200000e+01 : f32
        %mul3A_397 = vector.broadcast %mul3A_396 : f32 to vector<16xf32>
        %mul3A_398 = arith.mulf %get3A_395, %mul3A_397 : vector<16xf32>
        %swap3A_399 = arith.constant 0 : i32
        %swap3A_400 = arith.constant 0 : i32
        %swap3A_401 = tpu.memref_slice %arg7[%scan3A_155, %swap3A_399, %swap3A_400] : memref<2x16x1024xf32, #tpu.memory_space<vmem>> -> memref<1x16x1024xf32, #tpu.memory_space<vmem>>
        %swap3A_402 = tpu.memref_squeeze %swap3A_401 : memref<1x16x1024xf32, #tpu.memory_space<vmem>> -> memref<16x1024xf32, #tpu.memory_space<vmem>>
        %swap3A_403 = arith.index_cast %select_n3A_369 : i32 to index
        %swap3A_404 = arith.index_cast %mul3A_387 : i32 to index
        %swap3A_405 = tpu.vector_load %swap3A_402[%swap3A_403, %swap3A_404] {strides = array<i32>} : memref<16x1024xf32, #tpu.memory_space<vmem>>, vector<1x16xf32>,
        %swap3A_406 = vector.shape_cast %swap3A_405 : vector<1x16xf32> to vector<16xf32>
        %swap3A_407 = vector.shape_cast %mul3A_398 : vector<16xf32> to vector<1x16xf32>
        tpu.vector_store %swap3A_402[%swap3A_403, %swap3A_404], %swap3A_407 {strides = array<i32>} : memref<16x1024xf32, #tpu.memory_space<vmem>>, vector<1x16xf32>,
        %scan3A_408 = arith.constant 2 : i32
        %scan3A_409 = arith.addi %scan3A_292, %scan3A_408 : i32
        %jit3A_410 = arith.constant 64 : i32
        %div3A_411 = arith.divsi %scan3A_409, %jit3A_410 : i32
        %sign3A_412 = arith.constant 0 : i32
        %sign3A_413 = arith.cmpi sgt, %scan3A_409, %sign3A_412 : i32
        %sign3A_414 = arith.extui %sign3A_413 : i1 to i32
        %sign3A_415 = arith.constant 0 : i32
        %sign3A_416 = arith.cmpi slt, %scan3A_409, %sign3A_415 : i32
        %sign3A_417 = arith.extui %sign3A_416 : i1 to i32
        %sign3A_418 = arith.subi %sign3A_414, %sign3A_417 : i32
        %sign3A_419 = arith.constant 0 : i32
        %sign3A_420 = arith.cmpi sgt, %jit3A_410, %sign3A_419 : i32
        %sign3A_421 = arith.extui %sign3A_420 : i1 to i32
        %sign3A_422 = arith.constant 0 : i32
        %sign3A_423 = arith.cmpi slt, %jit3A_410, %sign3A_422 : i32
        %sign3A_424 = arith.extui %sign3A_423 : i1 to i32
        %sign3A_425 = arith.subi %sign3A_421, %sign3A_424 : i32
        %ne3A_426 = arith.cmpi ne, %sign3A_418, %sign3A_425 : i32
        %rem3A_427 = arith.remsi %scan3A_409, %jit3A_410 : i32
        %ne3A_428 = arith.constant 0 : i32
        %ne3A_429 = arith.cmpi ne, %rem3A_427, %ne3A_428 : i32
        %and3A_430 = arith.andi %ne3A_426, %ne3A_429 : i1
        %sub3A_431 = arith.constant 1 : i32
        %sub3A_432 = arith.subi %div3A_411, %sub3A_431 : i32
        %select_n3A_433 = arith.select %and3A_430, %sub3A_432, %div3A_411 : i32
        %jit3A_434 = arith.constant 64 : i32
        %eq3A_435 = arith.constant 0 : i32
        %eq3A_436 = arith.cmpi eq, %jit3A_434, %eq3A_435 : i32
        %jit3A_437 = arith.constant 1 : i32
        %select_n3A_438 = arith.select %eq3A_436, %jit3A_437, %jit3A_434 : i32
        %rem3A_439 = arith.remsi %scan3A_409, %select_n3A_438 : i32
        %ne3A_440 = arith.constant 0 : i32
        %ne3A_441 = arith.cmpi ne, %rem3A_439, %ne3A_440 : i32
        %lt3A_442 = arith.constant 0 : i32
        %lt3A_443 = arith.cmpi slt, %rem3A_439, %lt3A_442 : i32
        %lt3A_444 = arith.constant 0 : i32
        %lt3A_445 = arith.cmpi slt, %select_n3A_438, %lt3A_444 : i32
        %ne3A_446 = arith.xori %lt3A_443, %lt3A_445 : i1
        %and3A_447 = arith.andi %ne3A_446, %ne3A_441 : i1
        %add3A_448 = arith.addi %rem3A_439, %select_n3A_438 : i32
        %select_n3A_449 = arith.select %and3A_447, %add3A_448, %rem3A_439 : i32
        %mul3A_450 = arith.constant 16 : i32
        %mul3A_451 = arith.muli %select_n3A_449, %mul3A_450 : i32
        %get3A_452 = arith.constant 0 : i32
        %get3A_453 = arith.constant 0 : i32
        %get3A_454 = tpu.memref_slice %arg6[%scan3A_154, %get3A_452, %get3A_453] : memref<4x16x1024xf32, #tpu.memory_space<vmem>> -> memref<1x16x1024xf32, #tpu.memory_space<vmem>>
        %get3A_455 = tpu.memref_squeeze %get3A_454 : memref<1x16x1024xf32, #tpu.memory_space<vmem>> -> memref<16x1024xf32, #tpu.memory_space<vmem>>
        %get3A_456 = arith.index_cast %select_n3A_433 : i32 to index
        %get3A_457 = arith.index_cast %mul3A_451 : i32 to index
        %get3A_458 = tpu.vector_load %get3A_455[%get3A_456, %get3A_457] {strides = array<i32>} : memref<16x1024xf32, #tpu.memory_space<vmem>>, vector<1x16xf32>,
        %get3A_459 = vector.shape_cast %get3A_458 : vector<1x16xf32> to vector<16xf32>
        %mul3A_460 = arith.constant 3.200000e+01 : f32
        %mul3A_461 = vector.broadcast %mul3A_460 : f32 to vector<16xf32>
        %mul3A_462 = arith.mulf %get3A_459, %mul3A_461 : vector<16xf32>
        %swap3A_463 = arith.constant 0 : i32
        %swap3A_464 = arith.constant 0 : i32
        %swap3A_465 = tpu.memref_slice %arg7[%scan3A_155, %swap3A_463, %swap3A_464] : memref<2x16x1024xf32, #tpu.memory_space<vmem>> -> memref<1x16x1024xf32, #tpu.memory_space<vmem>>
        %swap3A_466 = tpu.memref_squeeze %swap3A_465 : memref<1x16x1024xf32, #tpu.memory_space<vmem>> -> memref<16x1024xf32, #tpu.memory_space<vmem>>
        %swap3A_467 = arith.index_cast %select_n3A_433 : i32 to index
        %swap3A_468 = arith.index_cast %mul3A_451 : i32 to index
        %swap3A_469 = tpu.vector_load %swap3A_466[%swap3A_467, %swap3A_468] {strides = array<i32>} : memref<16x1024xf32, #tpu.memory_space<vmem>>, vector<1x16xf32>,
        %swap3A_470 = vector.shape_cast %swap3A_469 : vector<1x16xf32> to vector<16xf32>
        %swap3A_471 = vector.shape_cast %mul3A_462 : vector<16xf32> to vector<1x16xf32>
        tpu.vector_store %swap3A_466[%swap3A_467, %swap3A_468], %swap3A_471 {strides = array<i32>} : memref<16x1024xf32, #tpu.memory_space<vmem>>, vector<1x16xf32>,
        %scan3A_472 = arith.constant 3 : i32
        %scan3A_473 = arith.addi %scan3A_292, %scan3A_472 : i32
        %jit3A_474 = arith.constant 64 : i32
        %div3A_475 = arith.divsi %scan3A_473, %jit3A_474 : i32
        %sign3A_476 = arith.constant 0 : i32
        %sign3A_477 = arith.cmpi sgt, %scan3A_473, %sign3A_476 : i32
        %sign3A_478 = arith.extui %sign3A_477 : i1 to i32
        %sign3A_479 = arith.constant 0 : i32
        %sign3A_480 = arith.cmpi slt, %scan3A_473, %sign3A_479 : i32
        %sign3A_481 = arith.extui %sign3A_480 : i1 to i32
        %sign3A_482 = arith.subi %sign3A_478, %sign3A_481 : i32
        %sign3A_483 = arith.constant 0 : i32
        %sign3A_484 = arith.cmpi sgt, %jit3A_474, %sign3A_483 : i32
        %sign3A_485 = arith.extui %sign3A_484 : i1 to i32
        %sign3A_486 = arith.constant 0 : i32
        %sign3A_487 = arith.cmpi slt, %jit3A_474, %sign3A_486 : i32
        %sign3A_488 = arith.extui %sign3A_487 : i1 to i32
        %sign3A_489 = arith.subi %sign3A_485, %sign3A_488 : i32
        %ne3A_490 = arith.cmpi ne, %sign3A_482, %sign3A_489 : i32
        %rem3A_491 = arith.remsi %scan3A_473, %jit3A_474 : i32
        %ne3A_492 = arith.constant 0 : i32
        %ne3A_493 = arith.cmpi ne, %rem3A_491, %ne3A_492 : i32
        %and3A_494 = arith.andi %ne3A_490, %ne3A_493 : i1
        %sub3A_495 = arith.constant 1 : i32
        %sub3A_496 = arith.subi %div3A_475, %sub3A_495 : i32
        %select_n3A_497 = arith.select %and3A_494, %sub3A_496, %div3A_475 : i32
        %jit3A_498 = arith.constant 64 : i32
        %eq3A_499 = arith.constant 0 : i32
        %eq3A_500 = arith.cmpi eq, %jit3A_498, %eq3A_499 : i32
        %jit3A_501 = arith.constant 1 : i32
        %select_n3A_502 = arith.select %eq3A_500, %jit3A_501, %jit3A_498 : i32
        %rem3A_503 = arith.remsi %scan3A_473, %select_n3A_502 : i32
        %ne3A_504 = arith.constant 0 : i32
        %ne3A_505 = arith.cmpi ne, %rem3A_503, %ne3A_504 : i32
        %lt3A_506 = arith.constant 0 : i32
        %lt3A_507 = arith.cmpi slt, %rem3A_503, %lt3A_506 : i32
        %lt3A_508 = arith.constant 0 : i32
        %lt3A_509 = arith.cmpi slt, %select_n3A_502, %lt3A_508 : i32
        %ne3A_510 = arith.xori %lt3A_507, %lt3A_509 : i1
        %and3A_511 = arith.andi %ne3A_510, %ne3A_505 : i1
        %add3A_512 = arith.addi %rem3A_503, %select_n3A_502 : i32
        %select_n3A_513 = arith.select %and3A_511, %add3A_512, %rem3A_503 : i32
        %mul3A_514 = arith.constant 16 : i32
        %mul3A_515 = arith.muli %select_n3A_513, %mul3A_514 : i32
        %get3A_516 = arith.constant 0 : i32
        %get3A_517 = arith.constant 0 : i32
        %get3A_518 = tpu.memref_slice %arg6[%scan3A_154, %get3A_516, %get3A_517] : memref<4x16x1024xf32, #tpu.memory_space<vmem>> -> memref<1x16x1024xf32, #tpu.memory_space<vmem>>
        %get3A_519 = tpu.memref_squeeze %get3A_518 : memref<1x16x1024xf32, #tpu.memory_space<vmem>> -> memref<16x1024xf32, #tpu.memory_space<vmem>>
        %get3A_520 = arith.index_cast %select_n3A_497 : i32 to index
        %get3A_521 = arith.index_cast %mul3A_515 : i32 to index
        %get3A_522 = tpu.vector_load %get3A_519[%get3A_520, %get3A_521] {strides = array<i32>} : memref<16x1024xf32, #tpu.memory_space<vmem>>, vector<1x16xf32>,
        %get3A_523 = vector.shape_cast %get3A_522 : vector<1x16xf32> to vector<16xf32>
        %mul3A_524 = arith.constant 3.200000e+01 : f32
        %mul3A_525 = vector.broadcast %mul3A_524 : f32 to vector<16xf32>
        %mul3A_526 = arith.mulf %get3A_523, %mul3A_525 : vector<16xf32>
        %swap3A_527 = arith.constant 0 : i32
        %swap3A_528 = arith.constant 0 : i32
        %swap3A_529 = tpu.memref_slice %arg7[%scan3A_155, %swap3A_527, %swap3A_528] : memref<2x16x1024xf32, #tpu.memory_space<vmem>> -> memref<1x16x1024xf32, #tpu.memory_space<vmem>>
        %swap3A_530 = tpu.memref_squeeze %swap3A_529 : memref<1x16x1024xf32, #tpu.memory_space<vmem>> -> memref<16x1024xf32, #tpu.memory_space<vmem>>
        %swap3A_531 = arith.index_cast %select_n3A_497 : i32 to index
        %swap3A_532 = arith.index_cast %mul3A_515 : i32 to index
        %swap3A_533 = tpu.vector_load %swap3A_530[%swap3A_531, %swap3A_532] {strides = array<i32>} : memref<16x1024xf32, #tpu.memory_space<vmem>>, vector<1x16xf32>,
        %swap3A_534 = vector.shape_cast %swap3A_533 : vector<1x16xf32> to vector<16xf32>
        %swap3A_535 = vector.shape_cast %mul3A_526 : vector<16xf32> to vector<1x16xf32>
        tpu.vector_store %swap3A_530[%swap3A_531, %swap3A_532], %swap3A_535 {strides = array<i32>} : memref<16x1024xf32, #tpu.memory_space<vmem>>, vector<1x16xf32>,
        %scan3A_536 = arith.constant 4 : i32
        %scan3A_537 = arith.addi %scan3A_292, %scan3A_536 : i32
        %jit3A_538 = arith.constant 64 : i32
        %div3A_539 = arith.divsi %scan3A_537, %jit3A_538 : i32
        %sign3A_540 = arith.constant 0 : i32
        %sign3A_541 = arith.cmpi sgt, %scan3A_537, %sign3A_540 : i32
        %sign3A_542 = arith.extui %sign3A_541 : i1 to i32
        %sign3A_543 = arith.constant 0 : i32
        %sign3A_544 = arith.cmpi slt, %scan3A_537, %sign3A_543 : i32
        %sign3A_545 = arith.extui %sign3A_544 : i1 to i32
        %sign3A_546 = arith.subi %sign3A_542, %sign3A_545 : i32
        %sign3A_547 = arith.constant 0 : i32
        %sign3A_548 = arith.cmpi sgt, %jit3A_538, %sign3A_547 : i32
        %sign3A_549 = arith.extui %sign3A_548 : i1 to i32
        %sign3A_550 = arith.constant 0 : i32
        %sign3A_551 = arith.cmpi slt, %jit3A_538, %sign3A_550 : i32
        %sign3A_552 = arith.extui %sign3A_551 : i1 to i32
        %sign3A_553 = arith.subi %sign3A_549, %sign3A_552 : i32
        %ne3A_554 = arith.cmpi ne, %sign3A_546, %sign3A_553 : i32
        %rem3A_555 = arith.remsi %scan3A_537, %jit3A_538 : i32
        %ne3A_556 = arith.constant 0 : i32
        %ne3A_557 = arith.cmpi ne, %rem3A_555, %ne3A_556 : i32
        %and3A_558 = arith.andi %ne3A_554, %ne3A_557 : i1
        %sub3A_559 = arith.constant 1 : i32
        %sub3A_560 = arith.subi %div3A_539, %sub3A_559 : i32
        %select_n3A_561 = arith.select %and3A_558, %sub3A_560, %div3A_539 : i32
        %jit3A_562 = arith.constant 64 : i32
        %eq3A_563 = arith.constant 0 : i32
        %eq3A_564 = arith.cmpi eq, %jit3A_562, %eq3A_563 : i32
        %jit3A_565 = arith.constant 1 : i32
        %select_n3A_566 = arith.select %eq3A_564, %jit3A_565, %jit3A_562 : i32
        %rem3A_567 = arith.remsi %scan3A_537, %select_n3A_566 : i32
        %ne3A_568 = arith.constant 0 : i32
        %ne3A_569 = arith.cmpi ne, %rem3A_567, %ne3A_568 : i32
        %lt3A_570 = arith.constant 0 : i32
        %lt3A_571 = arith.cmpi slt, %rem3A_567, %lt3A_570 : i32
        %lt3A_572 = arith.constant 0 : i32
        %lt3A_573 = arith.cmpi slt, %select_n3A_566, %lt3A_572 : i32
        %ne3A_574 = arith.xori %lt3A_571, %lt3A_573 : i1
        %and3A_575 = arith.andi %ne3A_574, %ne3A_569 : i1
        %add3A_576 = arith.addi %rem3A_567, %select_n3A_566 : i32
        %select_n3A_577 = arith.select %and3A_575, %add3A_576, %rem3A_567 : i32
        %mul3A_578 = arith.constant 16 : i32
        %mul3A_579 = arith.muli %select_n3A_577, %mul3A_578 : i32
        %get3A_580 = arith.constant 0 : i32
        %get3A_581 = arith.constant 0 : i32
        %get3A_582 = tpu.memref_slice %arg6[%scan3A_154, %get3A_580, %get3A_581] : memref<4x16x1024xf32, #tpu.memory_space<vmem>> -> memref<1x16x1024xf32, #tpu.memory_space<vmem>>
        %get3A_583 = tpu.memref_squeeze %get3A_582 : memref<1x16x1024xf32, #tpu.memory_space<vmem>> -> memref<16x1024xf32, #tpu.memory_space<vmem>>
        %get3A_584 = arith.index_cast %select_n3A_561 : i32 to index
        %get3A_585 = arith.index_cast %mul3A_579 : i32 to index
        %get3A_586 = tpu.vector_load %get3A_583[%get3A_584, %get3A_585] {strides = array<i32>} : memref<16x1024xf32, #tpu.memory_space<vmem>>, vector<1x16xf32>,
        %get3A_587 = vector.shape_cast %get3A_586 : vector<1x16xf32> to vector<16xf32>
        %mul3A_588 = arith.constant 3.200000e+01 : f32
        %mul3A_589 = vector.broadcast %mul3A_588 : f32 to vector<16xf32>
        %mul3A_590 = arith.mulf %get3A_587, %mul3A_589 : vector<16xf32>
        %swap3A_591 = arith.constant 0 : i32
        %swap3A_592 = arith.constant 0 : i32
        %swap3A_593 = tpu.memref_slice %arg7[%scan3A_155, %swap3A_591, %swap3A_592] : memref<2x16x1024xf32, #tpu.memory_space<vmem>> -> memref<1x16x1024xf32, #tpu.memory_space<vmem>>
        %swap3A_594 = tpu.memref_squeeze %swap3A_593 : memref<1x16x1024xf32, #tpu.memory_space<vmem>> -> memref<16x1024xf32, #tpu.memory_space<vmem>>
        %swap3A_595 = arith.index_cast %select_n3A_561 : i32 to index
        %swap3A_596 = arith.index_cast %mul3A_579 : i32 to index
        %swap3A_597 = tpu.vector_load %swap3A_594[%swap3A_595, %swap3A_596] {strides = array<i32>} : memref<16x1024xf32, #tpu.memory_space<vmem>>, vector<1x16xf32>,
        %swap3A_598 = vector.shape_cast %swap3A_597 : vector<1x16xf32> to vector<16xf32>
        %swap3A_599 = vector.shape_cast %mul3A_590 : vector<16xf32> to vector<1x16xf32>
        tpu.vector_store %swap3A_594[%swap3A_595, %swap3A_596], %swap3A_599 {strides = array<i32>} : memref<16x1024xf32, #tpu.memory_space<vmem>>, vector<1x16xf32>,
        %scan3A_600 = arith.constant 5 : i32
        %scan3A_601 = arith.addi %scan3A_292, %scan3A_600 : i32
        %jit3A_602 = arith.constant 64 : i32
        %div3A_603 = arith.divsi %scan3A_601, %jit3A_602 : i32
        %sign3A_604 = arith.constant 0 : i32
        %sign3A_605 = arith.cmpi sgt, %scan3A_601, %sign3A_604 : i32
        %sign3A_606 = arith.extui %sign3A_605 : i1 to i32
        %sign3A_607 = arith.constant 0 : i32
        %sign3A_608 = arith.cmpi slt, %scan3A_601, %sign3A_607 : i32
        %sign3A_609 = arith.extui %sign3A_608 : i1 to i32
        %sign3A_610 = arith.subi %sign3A_606, %sign3A_609 : i32
        %sign3A_611 = arith.constant 0 : i32
        %sign3A_612 = arith.cmpi sgt, %jit3A_602, %sign3A_611 : i32
        %sign3A_613 = arith.extui %sign3A_612 : i1 to i32
        %sign3A_614 = arith.constant 0 : i32
        %sign3A_615 = arith.cmpi slt, %jit3A_602, %sign3A_614 : i32
        %sign3A_616 = arith.extui %sign3A_615 : i1 to i32
        %sign3A_617 = arith.subi %sign3A_613, %sign3A_616 : i32
        %ne3A_618 = arith.cmpi ne, %sign3A_610, %sign3A_617 : i32
        %rem3A_619 = arith.remsi %scan3A_601, %jit3A_602 : i32
        %ne3A_620 = arith.constant 0 : i32
        %ne3A_621 = arith.cmpi ne, %rem3A_619, %ne3A_620 : i32
        %and3A_622 = arith.andi %ne3A_618, %ne3A_621 : i1
        %sub3A_623 = arith.constant 1 : i32
        %sub3A_624 = arith.subi %div3A_603, %sub3A_623 : i32
        %select_n3A_625 = arith.select %and3A_622, %sub3A_624, %div3A_603 : i32
        %jit3A_626 = arith.constant 64 : i32
        %eq3A_627 = arith.constant 0 : i32
        %eq3A_628 = arith.cmpi eq, %jit3A_626, %eq3A_627 : i32
        %jit3A_629 = arith.constant 1 : i32
        %select_n3A_630 = arith.select %eq3A_628, %jit3A_629, %jit3A_626 : i32
        %rem3A_631 = arith.remsi %scan3A_601, %select_n3A_630 : i32
        %ne3A_632 = arith.constant 0 : i32
        %ne3A_633 = arith.cmpi ne, %rem3A_631, %ne3A_632 : i32
        %lt3A_634 = arith.constant 0 : i32
        %lt3A_635 = arith.cmpi slt, %rem3A_631, %lt3A_634 : i32
        %lt3A_636 = arith.constant 0 : i32
        %lt3A_637 = arith.cmpi slt, %select_n3A_630, %lt3A_636 : i32
        %ne3A_638 = arith.xori %lt3A_635, %lt3A_637 : i1
        %and3A_639 = arith.andi %ne3A_638, %ne3A_633 : i1
        %add3A_640 = arith.addi %rem3A_631, %select_n3A_630 : i32
        %select_n3A_641 = arith.select %and3A_639, %add3A_640, %rem3A_631 : i32
        %mul3A_642 = arith.constant 16 : i32
        %mul3A_643 = arith.muli %select_n3A_641, %mul3A_642 : i32
        %get3A_644 = arith.constant 0 : i32
        %get3A_645 = arith.constant 0 : i32
        %get3A_646 = tpu.memref_slice %arg6[%scan3A_154, %get3A_644, %get3A_645] : memref<4x16x1024xf32, #tpu.memory_space<vmem>> -> memref<1x16x1024xf32, #tpu.memory_space<vmem>>
        %get3A_647 = tpu.memref_squeeze %get3A_646 : memref<1x16x1024xf32, #tpu.memory_space<vmem>> -> memref<16x1024xf32, #tpu.memory_space<vmem>>
        %get3A_648 = arith.index_cast %select_n3A_625 : i32 to index
        %get3A_649 = arith.index_cast %mul3A_643 : i32 to index
        %get3A_650 = tpu.vector_load %get3A_647[%get3A_648, %get3A_649] {strides = array<i32>} : memref<16x1024xf32, #tpu.memory_space<vmem>>, vector<1x16xf32>,
        %get3A_651 = vector.shape_cast %get3A_650 : vector<1x16xf32> to vector<16xf32>
        %mul3A_652 = arith.constant 3.200000e+01 : f32
        %mul3A_653 = vector.broadcast %mul3A_652 : f32 to vector<16xf32>
        %mul3A_654 = arith.mulf %get3A_651, %mul3A_653 : vector<16xf32>
        %swap3A_655 = arith.constant 0 : i32
        %swap3A_656 = arith.constant 0 : i32
        %swap3A_657 = tpu.memref_slice %arg7[%scan3A_155, %swap3A_655, %swap3A_656] : memref<2x16x1024xf32, #tpu.memory_space<vmem>> -> memref<1x16x1024xf32, #tpu.memory_space<vmem>>
        %swap3A_658 = tpu.memref_squeeze %swap3A_657 : memref<1x16x1024xf32, #tpu.memory_space<vmem>> -> memref<16x1024xf32, #tpu.memory_space<vmem>>
        %swap3A_659 = arith.index_cast %select_n3A_625 : i32 to index
        %swap3A_660 = arith.index_cast %mul3A_643 : i32 to index
        %swap3A_661 = tpu.vector_load %swap3A_658[%swap3A_659, %swap3A_660] {strides = array<i32>} : memref<16x1024xf32, #tpu.memory_space<vmem>>, vector<1x16xf32>,
        %swap3A_662 = vector.shape_cast %swap3A_661 : vector<1x16xf32> to vector<16xf32>
        %swap3A_663 = vector.shape_cast %mul3A_654 : vector<16xf32> to vector<1x16xf32>
        tpu.vector_store %swap3A_658[%swap3A_659, %swap3A_660], %swap3A_663 {strides = array<i32>} : memref<16x1024xf32, #tpu.memory_space<vmem>>, vector<1x16xf32>,
        %scan3A_664 = arith.constant 6 : i32
        %scan3A_665 = arith.addi %scan3A_292, %scan3A_664 : i32
        %jit3A_666 = arith.constant 64 : i32
        %div3A_667 = arith.divsi %scan3A_665, %jit3A_666 : i32
        %sign3A_668 = arith.constant 0 : i32
        %sign3A_669 = arith.cmpi sgt, %scan3A_665, %sign3A_668 : i32
        %sign3A_670 = arith.extui %sign3A_669 : i1 to i32
        %sign3A_671 = arith.constant 0 : i32
        %sign3A_672 = arith.cmpi slt, %scan3A_665, %sign3A_671 : i32
        %sign3A_673 = arith.extui %sign3A_672 : i1 to i32
        %sign3A_674 = arith.subi %sign3A_670, %sign3A_673 : i32
        %sign3A_675 = arith.constant 0 : i32
        %sign3A_676 = arith.cmpi sgt, %jit3A_666, %sign3A_675 : i32
        %sign3A_677 = arith.extui %sign3A_676 : i1 to i32
        %sign3A_678 = arith.constant 0 : i32
        %sign3A_679 = arith.cmpi slt, %jit3A_666, %sign3A_678 : i32
        %sign3A_680 = arith.extui %sign3A_679 : i1 to i32
        %sign3A_681 = arith.subi %sign3A_677, %sign3A_680 : i32
        %ne3A_682 = arith.cmpi ne, %sign3A_674, %sign3A_681 : i32
        %rem3A_683 = arith.remsi %scan3A_665, %jit3A_666 : i32
        %ne3A_684 = arith.constant 0 : i32
        %ne3A_685 = arith.cmpi ne, %rem3A_683, %ne3A_684 : i32
        %and3A_686 = arith.andi %ne3A_682, %ne3A_685 : i1
        %sub3A_687 = arith.constant 1 : i32
        %sub3A_688 = arith.subi %div3A_667, %sub3A_687 : i32
        %select_n3A_689 = arith.select %and3A_686, %sub3A_688, %div3A_667 : i32
        %jit3A_690 = arith.constant 64 : i32
        %eq3A_691 = arith.constant 0 : i32
        %eq3A_692 = arith.cmpi eq, %jit3A_690, %eq3A_691 : i32
        %jit3A_693 = arith.constant 1 : i32
        %select_n3A_694 = arith.select %eq3A_692, %jit3A_693, %jit3A_690 : i32
        %rem3A_695 = arith.remsi %scan3A_665, %select_n3A_694 : i32
        %ne3A_696 = arith.constant 0 : i32
        %ne3A_697 = arith.cmpi ne, %rem3A_695, %ne3A_696 : i32
        %lt3A_698 = arith.constant 0 : i32
        %lt3A_699 = arith.cmpi slt, %rem3A_695, %lt3A_698 : i32
        %lt3A_700 = arith.constant 0 : i32
        %lt3A_701 = arith.cmpi slt, %select_n3A_694, %lt3A_700 : i32
        %ne3A_702 = arith.xori %lt3A_699, %lt3A_701 : i1
        %and3A_703 = arith.andi %ne3A_702, %ne3A_697 : i1
        %add3A_704 = arith.addi %rem3A_695, %select_n3A_694 : i32
        %select_n3A_705 = arith.select %and3A_703, %add3A_704, %rem3A_695 : i32
        %mul3A_706 = arith.constant 16 : i32
        %mul3A_707 = arith.muli %select_n3A_705, %mul3A_706 : i32
        %get3A_708 = arith.constant 0 : i32
        %get3A_709 = arith.constant 0 : i32
        %get3A_710 = tpu.memref_slice %arg6[%scan3A_154, %get3A_708, %get3A_709] : memref<4x16x1024xf32, #tpu.memory_space<vmem>> -> memref<1x16x1024xf32, #tpu.memory_space<vmem>>
        %get3A_711 = tpu.memref_squeeze %get3A_710 : memref<1x16x1024xf32, #tpu.memory_space<vmem>> -> memref<16x1024xf32, #tpu.memory_space<vmem>>
        %get3A_712 = arith.index_cast %select_n3A_689 : i32 to index
        %get3A_713 = arith.index_cast %mul3A_707 : i32 to index
        %get3A_714 = tpu.vector_load %get3A_711[%get3A_712, %get3A_713] {strides = array<i32>} : memref<16x1024xf32, #tpu.memory_space<vmem>>, vector<1x16xf32>,
        %get3A_715 = vector.shape_cast %get3A_714 : vector<1x16xf32> to vector<16xf32>
        %mul3A_716 = arith.constant 3.200000e+01 : f32
        %mul3A_717 = vector.broadcast %mul3A_716 : f32 to vector<16xf32>
        %mul3A_718 = arith.mulf %get3A_715, %mul3A_717 : vector<16xf32>
        %swap3A_719 = arith.constant 0 : i32
        %swap3A_720 = arith.constant 0 : i32
        %swap3A_721 = tpu.memref_slice %arg7[%scan3A_155, %swap3A_719, %swap3A_720] : memref<2x16x1024xf32, #tpu.memory_space<vmem>> -> memref<1x16x1024xf32, #tpu.memory_space<vmem>>
        %swap3A_722 = tpu.memref_squeeze %swap3A_721 : memref<1x16x1024xf32, #tpu.memory_space<vmem>> -> memref<16x1024xf32, #tpu.memory_space<vmem>>
        %swap3A_723 = arith.index_cast %select_n3A_689 : i32 to index
        %swap3A_724 = arith.index_cast %mul3A_707 : i32 to index
        %swap3A_725 = tpu.vector_load %swap3A_722[%swap3A_723, %swap3A_724] {strides = array<i32>} : memref<16x1024xf32, #tpu.memory_space<vmem>>, vector<1x16xf32>,
        %swap3A_726 = vector.shape_cast %swap3A_725 : vector<1x16xf32> to vector<16xf32>
        %swap3A_727 = vector.shape_cast %mul3A_718 : vector<16xf32> to vector<1x16xf32>
        tpu.vector_store %swap3A_722[%swap3A_723, %swap3A_724], %swap3A_727 {strides = array<i32>} : memref<16x1024xf32, #tpu.memory_space<vmem>>, vector<1x16xf32>,
        %scan3A_728 = arith.constant 7 : i32
        %scan3A_729 = arith.addi %scan3A_292, %scan3A_728 : i32
        %jit3A_730 = arith.constant 64 : i32
        %div3A_731 = arith.divsi %scan3A_729, %jit3A_730 : i32
        %sign3A_732 = arith.constant 0 : i32
        %sign3A_733 = arith.cmpi sgt, %scan3A_729, %sign3A_732 : i32
        %sign3A_734 = arith.extui %sign3A_733 : i1 to i32
        %sign3A_735 = arith.constant 0 : i32
        %sign3A_736 = arith.cmpi slt, %scan3A_729, %sign3A_735 : i32
        %sign3A_737 = arith.extui %sign3A_736 : i1 to i32
        %sign3A_738 = arith.subi %sign3A_734, %sign3A_737 : i32
        %sign3A_739 = arith.constant 0 : i32
        %sign3A_740 = arith.cmpi sgt, %jit3A_730, %sign3A_739 : i32
        %sign3A_741 = arith.extui %sign3A_740 : i1 to i32
        %sign3A_742 = arith.constant 0 : i32
        %sign3A_743 = arith.cmpi slt, %jit3A_730, %sign3A_742 : i32
        %sign3A_744 = arith.extui %sign3A_743 : i1 to i32
        %sign3A_745 = arith.subi %sign3A_741, %sign3A_744 : i32
        %ne3A_746 = arith.cmpi ne, %sign3A_738, %sign3A_745 : i32
        %rem3A_747 = arith.remsi %scan3A_729, %jit3A_730 : i32
        %ne3A_748 = arith.constant 0 : i32
        %ne3A_749 = arith.cmpi ne, %rem3A_747, %ne3A_748 : i32
        %and3A_750 = arith.andi %ne3A_746, %ne3A_749 : i1
        %sub3A_751 = arith.constant 1 : i32
        %sub3A_752 = arith.subi %div3A_731, %sub3A_751 : i32
        %select_n3A_753 = arith.select %and3A_750, %sub3A_752, %div3A_731 : i32
        %jit3A_754 = arith.constant 64 : i32
        %eq3A_755 = arith.constant 0 : i32
        %eq3A_756 = arith.cmpi eq, %jit3A_754, %eq3A_755 : i32
        %jit3A_757 = arith.constant 1 : i32
        %select_n3A_758 = arith.select %eq3A_756, %jit3A_757, %jit3A_754 : i32
        %rem3A_759 = arith.remsi %scan3A_729, %select_n3A_758 : i32
        %ne3A_760 = arith.constant 0 : i32
        %ne3A_761 = arith.cmpi ne, %rem3A_759, %ne3A_760 : i32
        %lt3A_762 = arith.constant 0 : i32
        %lt3A_763 = arith.cmpi slt, %rem3A_759, %lt3A_762 : i32
        %lt3A_764 = arith.constant 0 : i32
        %lt3A_765 = arith.cmpi slt, %select_n3A_758, %lt3A_764 : i32
        %ne3A_766 = arith.xori %lt3A_763, %lt3A_765 : i1
        %and3A_767 = arith.andi %ne3A_766, %ne3A_761 : i1
        %add3A_768 = arith.addi %rem3A_759, %select_n3A_758 : i32
        %select_n3A_769 = arith.select %and3A_767, %add3A_768, %rem3A_759 : i32
        %mul3A_770 = arith.constant 16 : i32
        %mul3A_771 = arith.muli %select_n3A_769, %mul3A_770 : i32
        %get3A_772 = arith.constant 0 : i32
        %get3A_773 = arith.constant 0 : i32
        %get3A_774 = tpu.memref_slice %arg6[%scan3A_154, %get3A_772, %get3A_773] : memref<4x16x1024xf32, #tpu.memory_space<vmem>> -> memref<1x16x1024xf32, #tpu.memory_space<vmem>>
        %get3A_775 = tpu.memref_squeeze %get3A_774 : memref<1x16x1024xf32, #tpu.memory_space<vmem>> -> memref<16x1024xf32, #tpu.memory_space<vmem>>
        %get3A_776 = arith.index_cast %select_n3A_753 : i32 to index
        %get3A_777 = arith.index_cast %mul3A_771 : i32 to index
        %get3A_778 = tpu.vector_load %get3A_775[%get3A_776, %get3A_777] {strides = array<i32>} : memref<16x1024xf32, #tpu.memory_space<vmem>>, vector<1x16xf32>,
        %get3A_779 = vector.shape_cast %get3A_778 : vector<1x16xf32> to vector<16xf32>
        %mul3A_780 = arith.constant 3.200000e+01 : f32
        %mul3A_781 = vector.broadcast %mul3A_780 : f32 to vector<16xf32>
        %mul3A_782 = arith.mulf %get3A_779, %mul3A_781 : vector<16xf32>
        %swap3A_783 = arith.constant 0 : i32
        %swap3A_784 = arith.constant 0 : i32
        %swap3A_785 = tpu.memref_slice %arg7[%scan3A_155, %swap3A_783, %swap3A_784] : memref<2x16x1024xf32, #tpu.memory_space<vmem>> -> memref<1x16x1024xf32, #tpu.memory_space<vmem>>
        %swap3A_786 = tpu.memref_squeeze %swap3A_785 : memref<1x16x1024xf32, #tpu.memory_space<vmem>> -> memref<16x1024xf32, #tpu.memory_space<vmem>>
        %swap3A_787 = arith.index_cast %select_n3A_753 : i32 to index
        %swap3A_788 = arith.index_cast %mul3A_771 : i32 to index
        %swap3A_789 = tpu.vector_load %swap3A_786[%swap3A_787, %swap3A_788] {strides = array<i32>} : memref<16x1024xf32, #tpu.memory_space<vmem>>, vector<1x16xf32>,
        %swap3A_790 = vector.shape_cast %swap3A_789 : vector<1x16xf32> to vector<16xf32>
        %swap3A_791 = vector.shape_cast %mul3A_782 : vector<16xf32> to vector<1x16xf32>
        tpu.vector_store %swap3A_786[%swap3A_787, %swap3A_788], %swap3A_791 {strides = array<i32>} : memref<16x1024xf32, #tpu.memory_space<vmem>>, vector<1x16xf32>,
      }
      %scan3A_160 = arith.constant 1024 : i32
      %lt3A_161 = arith.constant 7 : i32
      %lt3A_162 = arith.cmpi slt, %scan3A_76, %lt3A_161 : i32
      %convert_element_type3A_163 = arith.extui %lt3A_162 : i1 to i32
      %cond3A_164 = arith.constant 0 : i32
      %cond3A_165 = arith.cmpi ne, %convert_element_type3A_163, %cond3A_164 : i32
      scf.if %cond3A_165 {
        %add3A_292 = arith.constant 4 : i32
        %add3A_293 = arith.addi %add3A_130, %add3A_292 : i32
        %mul3A_294 = arith.constant 16 : i32
        %mul3A_295 = arith.muli %add3A_293, %mul3A_294 : i32
        %dma_start3A_296 = arith.constant 1 : i32
        %dma_start3A_297 = arith.constant 0 : i32
        %dma_start3A_298 = arith.constant 0 : i32
        %dma_start3A_299 = tpu.memref_slice %arg6[%dma_start3A_296, %dma_start3A_297, %dma_start3A_298] : memref<4x16x1024xf32, #tpu.memory_space<vmem>> -> memref<1x16x1024xf32, #tpu.memory_space<vmem>>
        %dma_start3A_300 = tpu.memref_squeeze %dma_start3A_299 : memref<1x16x1024xf32, #tpu.memory_space<vmem>> -> memref<16x1024xf32, #tpu.memory_space<vmem>>
        %dma_start3A_301 = tpu.memref_slice %arg5[%mul3A_295] : memref<512xi32, #tpu.memory_space<vmem>> -> memref<16xi32, #tpu.memory_space<vmem>>
        %dma_start3A_302 = arith.constant 0 : i32
        %dma_start3A_303 = arith.constant 0 : i32
        %dma_start3A_304 = tpu.memref_slice %arg3[%dma_start3A_302, %dma_start3A_303] : memref<100000x1024xf32, #tpu.memory_space<hbm>> -> memref<100000x1024xf32, #tpu.memory_space<hbm>>
        tpu.enqueue_indirect_dma source(%dma_start3A_304 : memref<100000x1024xf32, #tpu.memory_space<hbm>>) target(%dma_start3A_300 : memref<16x1024xf32, #tpu.memory_space<vmem>>) offsets(%dma_start3A_301 : memref<16xi32, #tpu.memory_space<vmem>>) semaphore(%arg9 : memref<!tpu.dma_semaphore, #tpu.memory_space<semaphore_mem>>)
      } else {
      }
      %mul3A_166 = arith.constant 16 : i32
      %mul3A_167 = arith.muli %add3A_130, %mul3A_166 : i32
      %add3A_168 = arith.addi %mul3A_2, %mul3A_167 : i32
      %dma_start3A_169 = arith.constant 1 : i32
      %dma_start3A_170 = arith.constant 0 : i32
      %dma_start3A_171 = arith.constant 0 : i32
      %dma_start3A_172 = tpu.memref_slice %arg7[%dma_start3A_169, %dma_start3A_170, %dma_start3A_171] : memref<2x16x1024xf32, #tpu.memory_space<vmem>> -> memref<1x16x1024xf32, #tpu.memory_space<vmem>>
      %dma_start3A_173 = tpu.memref_squeeze %dma_start3A_172 : memref<1x16x1024xf32, #tpu.memory_space<vmem>> -> memref<16x1024xf32, #tpu.memory_space<vmem>>
      %dma_start3A_174 = arith.constant 0 : i32
      %dma_start3A_175 = tpu.memref_slice %arg4[%add3A_168, %dma_start3A_174] : memref<16384x1024xf32, #tpu.memory_space<hbm>> -> memref<16x1024xf32, #tpu.memory_space<hbm>>
      %dma_start3A_176 = arith.constant 0 : i32
      %dma_start3A_177 = tpu.memref_slice %arg4[%add3A_168, %dma_start3A_176] : memref<16384x1024xf32, #tpu.memory_space<hbm>> -> memref<16x1024xf32, #tpu.memory_space<hbm>>
      %dma_start3A_178 = arith.constant 0 : i32
      %dma_start3A_179 = arith.constant 0 : i32
      %dma_start3A_180 = tpu.memref_slice %arg7[%dma_start3A_169, %dma_start3A_178, %dma_start3A_179] : memref<2x16x1024xf32, #tpu.memory_space<vmem>> -> memref<1x16x1024xf32, #tpu.memory_space<vmem>>
      %dma_start3A_181 = tpu.memref_squeeze %dma_start3A_180 : memref<1x16x1024xf32, #tpu.memory_space<vmem>> -> memref<16x1024xf32, #tpu.memory_space<vmem>>
      tpu.enqueue_dma source(%dma_start3A_181 : memref<16x1024xf32, #tpu.memory_space<vmem>>) target(%dma_start3A_177 : memref<16x1024xf32, #tpu.memory_space<hbm>>) target_semaphore(%arg13 : memref<!tpu.dma_semaphore, #tpu.memory_space<semaphore_mem>>)
      %mul3A_182 = arith.constant 4 : i32
      %mul3A_183 = arith.muli %scan3A_76, %mul3A_182 : i32
      %add3A_184 = arith.constant 2 : i32
      %add3A_185 = arith.addi %mul3A_183, %add3A_184 : i32
      %dma_wait3A_186 = arith.constant 2 : i32
      %dma_wait3A_187 = arith.constant 0 : i32
      %dma_wait3A_188 = arith.constant 0 : i32
      %dma_wait3A_189 = tpu.memref_slice %arg6[%dma_wait3A_186, %dma_wait3A_187, %dma_wait3A_188] : memref<4x16x1024xf32, #tpu.memory_space<vmem>> -> memref<1x16x1024xf32, #tpu.memory_space<vmem>>
      %dma_wait3A_190 = tpu.memref_squeeze %dma_wait3A_189 : memref<1x16x1024xf32, #tpu.memory_space<vmem>> -> memref<16x1024xf32, #tpu.memory_space<vmem>>
      %dma_wait3A_191 = arith.constant 0 : i32
      %dma_wait3A_192 = arith.constant 0 : i32
      %dma_wait3A_193 = tpu.memref_slice %arg3[%dma_wait3A_191, %dma_wait3A_192] : memref<100000x1024xf32, #tpu.memory_space<hbm>> -> memref<16x1024xf32, #tpu.memory_space<hbm>>
      %dma_wait3A_194 = arith.constant 0 : i32
      %dma_wait3A_195 = arith.constant 0 : i32
      %dma_wait3A_196 = tpu.memref_slice %arg6[%dma_wait3A_186, %dma_wait3A_194, %dma_wait3A_195] : memref<4x16x1024xf32, #tpu.memory_space<vmem>> -> memref<1x16x1024xf32, #tpu.memory_space<vmem>>
      %dma_wait3A_197 = tpu.memref_squeeze %dma_wait3A_196 : memref<1x16x1024xf32, #tpu.memory_space<vmem>> -> memref<16x1024xf32, #tpu.memory_space<vmem>>
      %dma_wait3A_198 = arith.constant 0 : i32
      %dma_wait3A_199 = arith.constant 0 : i32
      %dma_wait3A_200 = tpu.memref_slice %arg3[%dma_wait3A_198, %dma_wait3A_199] : memref<100000x1024xf32, #tpu.memory_space<hbm>> -> memref<16x1024xf32, #tpu.memory_space<hbm>>
      tpu.wait_dma2 semaphore(%arg10 : memref<!tpu.dma_semaphore, #tpu.memory_space<semaphore_mem>>) src(%dma_wait3A_200 : memref<16x1024xf32, #tpu.memory_space<hbm>>) dst(%dma_wait3A_197 : memref<16x1024xf32, #tpu.memory_space<vmem>>)
      %gt3A_201 = arith.constant 0 : i32
      %gt3A_202 = arith.cmpi sgt, %scan3A_76, %gt3A_201 : i32
      %or3A_203 = arith.constant true
      %or3A_204 = arith.ori %gt3A_202, %or3A_203 : i1
      %convert_element_type3A_205 = arith.extui %or3A_204 : i1 to i32
      %cond3A_206 = arith.constant 0 : i32
      %cond3A_207 = arith.cmpi ne, %convert_element_type3A_205, %cond3A_206 : i32
      scf.if %cond3A_207 {
        %dma_wait3A_292 = arith.constant 0 : i32
        %dma_wait3A_293 = arith.constant 0 : i32
        %dma_wait3A_294 = arith.constant 0 : i32
        %dma_wait3A_295 = tpu.memref_slice %arg7[%dma_wait3A_292, %dma_wait3A_293, %dma_wait3A_294] : memref<2x16x1024xf32, #tpu.memory_space<vmem>> -> memref<1x16x1024xf32, #tpu.memory_space<vmem>>
        %dma_wait3A_296 = tpu.memref_squeeze %dma_wait3A_295 : memref<1x16x1024xf32, #tpu.memory_space<vmem>> -> memref<16x1024xf32, #tpu.memory_space<vmem>>
        %dma_wait3A_297 = arith.constant 0 : i32
        %dma_wait3A_298 = arith.constant 0 : i32
        %dma_wait3A_299 = tpu.memref_slice %arg4[%dma_wait3A_297, %dma_wait3A_298] : memref<16384x1024xf32, #tpu.memory_space<hbm>> -> memref<16x1024xf32, #tpu.memory_space<hbm>>
        %dma_wait3A_300 = arith.constant 0 : i32
        %dma_wait3A_301 = arith.constant 0 : i32
        %dma_wait3A_302 = tpu.memref_slice %arg4[%dma_wait3A_300, %dma_wait3A_301] : memref<16384x1024xf32, #tpu.memory_space<hbm>> -> memref<16x1024xf32, #tpu.memory_space<hbm>>
        %dma_wait3A_303 = arith.constant 0 : i32
        %dma_wait3A_304 = arith.constant 0 : i32
        %dma_wait3A_305 = tpu.memref_slice %arg7[%dma_wait3A_292, %dma_wait3A_303, %dma_wait3A_304] : memref<2x16x1024xf32, #tpu.memory_space<vmem>> -> memref<1x16x1024xf32, #tpu.memory_space<vmem>>
        %dma_wait3A_306 = tpu.memref_squeeze %dma_wait3A_305 : memref<1x16x1024xf32, #tpu.memory_space<vmem>> -> memref<16x1024xf32, #tpu.memory_space<vmem>>
        tpu.wait_dma2 semaphore(%arg12 : memref<!tpu.dma_semaphore, #tpu.memory_space<semaphore_mem>>) src(%dma_wait3A_306 : memref<16x1024xf32, #tpu.memory_space<vmem>>) dst(%dma_wait3A_302 : memref<16x1024xf32, #tpu.memory_space<hbm>>)
      } else {
      }
      %scan3A_208 = arith.constant 0 : i32
      %scan3A_209 = arith.constant 2 : i32
      %scan3A_210 = arith.constant 0 : i32
      %scan3A_211 = arith.constant 0 : i32
      %scan3A_212 = arith.constant 1024 : i32
      %scan3A_213 = arith.addi %scan3A_211, %scan3A_212 : i32
      %scan3A_214 = arith.constant 8 : i32
      scf.for %scan3A_292 = %scan3A_211 to %scan3A_213 step %scan3A_214  : i32 {
        %jit3A = arith.constant 64 : i32
        %div3A = arith.divsi %scan3A_292, %jit3A : i32
        %sign3A = arith.constant 0 : i32
        %sign3A_293 = arith.cmpi sgt, %scan3A_292, %sign3A : i32
        %sign3A_294 = arith.extui %sign3A_293 : i1 to i32
        %sign3A_295 = arith.constant 0 : i32
        %sign3A_296 = arith.cmpi slt, %scan3A_292, %sign3A_295 : i32
        %sign3A_297 = arith.extui %sign3A_296 : i1 to i32
        %sign3A_298 = arith.subi %sign3A_294, %sign3A_297 : i32
        %sign3A_299 = arith.constant 0 : i32
        %sign3A_300 = arith.cmpi sgt, %jit3A, %sign3A_299 : i32
        %sign3A_301 = arith.extui %sign3A_300 : i1 to i32
        %sign3A_302 = arith.constant 0 : i32
        %sign3A_303 = arith.cmpi slt, %jit3A, %sign3A_302 : i32
        %sign3A_304 = arith.extui %sign3A_303 : i1 to i32
        %sign3A_305 = arith.subi %sign3A_301, %sign3A_304 : i32
        %ne3A = arith.cmpi ne, %sign3A_298, %sign3A_305 : i32
        %rem3A = arith.remsi %scan3A_292, %jit3A : i32
        %ne3A_306 = arith.constant 0 : i32
        %ne3A_307 = arith.cmpi ne, %rem3A, %ne3A_306 : i32
        %and3A = arith.andi %ne3A, %ne3A_307 : i1
        %sub3A = arith.constant 1 : i32
        %sub3A_308 = arith.subi %div3A, %sub3A : i32
        %select_n3A = arith.select %and3A, %sub3A_308, %div3A : i32
        %jit3A_309 = arith.constant 64 : i32
        %eq3A = arith.constant 0 : i32
        %eq3A_310 = arith.cmpi eq, %jit3A_309, %eq3A : i32
        %jit3A_311 = arith.constant 1 : i32
        %select_n3A_312 = arith.select %eq3A_310, %jit3A_311, %jit3A_309 : i32
        %rem3A_313 = arith.remsi %scan3A_292, %select_n3A_312 : i32
        %ne3A_314 = arith.constant 0 : i32
        %ne3A_315 = arith.cmpi ne, %rem3A_313, %ne3A_314 : i32
        %lt3A_316 = arith.constant 0 : i32
        %lt3A_317 = arith.cmpi slt, %rem3A_313, %lt3A_316 : i32
        %lt3A_318 = arith.constant 0 : i32
        %lt3A_319 = arith.cmpi slt, %select_n3A_312, %lt3A_318 : i32
        %ne3A_320 = arith.xori %lt3A_317, %lt3A_319 : i1
        %and3A_321 = arith.andi %ne3A_320, %ne3A_315 : i1
        %add3A_322 = arith.addi %rem3A_313, %select_n3A_312 : i32
        %select_n3A_323 = arith.select %and3A_321, %add3A_322, %rem3A_313 : i32
        %mul3A_324 = arith.constant 16 : i32
        %mul3A_325 = arith.muli %select_n3A_323, %mul3A_324 : i32
        %get3A = arith.constant 0 : i32
        %get3A_326 = arith.constant 0 : i32
        %get3A_327 = tpu.memref_slice %arg6[%scan3A_209, %get3A, %get3A_326] : memref<4x16x1024xf32, #tpu.memory_space<vmem>> -> memref<1x16x1024xf32, #tpu.memory_space<vmem>>
        %get3A_328 = tpu.memref_squeeze %get3A_327 : memref<1x16x1024xf32, #tpu.memory_space<vmem>> -> memref<16x1024xf32, #tpu.memory_space<vmem>>
        %get3A_329 = arith.index_cast %select_n3A : i32 to index
        %get3A_330 = arith.index_cast %mul3A_325 : i32 to index
        %get3A_331 = tpu.vector_load %get3A_328[%get3A_329, %get3A_330] {strides = array<i32>} : memref<16x1024xf32, #tpu.memory_space<vmem>>, vector<1x16xf32>,
        %get3A_332 = vector.shape_cast %get3A_331 : vector<1x16xf32> to vector<16xf32>
        %mul3A_333 = arith.constant 3.200000e+01 : f32
        %mul3A_334 = vector.broadcast %mul3A_333 : f32 to vector<16xf32>
        %mul3A_335 = arith.mulf %get3A_332, %mul3A_334 : vector<16xf32>
        %swap3A = arith.constant 0 : i32
        %swap3A_336 = arith.constant 0 : i32
        %swap3A_337 = tpu.memref_slice %arg7[%scan3A_210, %swap3A, %swap3A_336] : memref<2x16x1024xf32, #tpu.memory_space<vmem>> -> memref<1x16x1024xf32, #tpu.memory_space<vmem>>
        %swap3A_338 = tpu.memref_squeeze %swap3A_337 : memref<1x16x1024xf32, #tpu.memory_space<vmem>> -> memref<16x1024xf32, #tpu.memory_space<vmem>>
        %swap3A_339 = arith.index_cast %select_n3A : i32 to index
        %swap3A_340 = arith.index_cast %mul3A_325 : i32 to index
        %swap3A_341 = tpu.vector_load %swap3A_338[%swap3A_339, %swap3A_340] {strides = array<i32>} : memref<16x1024xf32, #tpu.memory_space<vmem>>, vector<1x16xf32>,
        %swap3A_342 = vector.shape_cast %swap3A_341 : vector<1x16xf32> to vector<16xf32>
        %swap3A_343 = vector.shape_cast %mul3A_335 : vector<16xf32> to vector<1x16xf32>
        tpu.vector_store %swap3A_338[%swap3A_339, %swap3A_340], %swap3A_343 {strides = array<i32>} : memref<16x1024xf32, #tpu.memory_space<vmem>>, vector<1x16xf32>,
        %scan3A_344 = arith.constant 1 : i32
        %scan3A_345 = arith.addi %scan3A_292, %scan3A_344 : i32
        %jit3A_346 = arith.constant 64 : i32
        %div3A_347 = arith.divsi %scan3A_345, %jit3A_346 : i32
        %sign3A_348 = arith.constant 0 : i32
        %sign3A_349 = arith.cmpi sgt, %scan3A_345, %sign3A_348 : i32
        %sign3A_350 = arith.extui %sign3A_349 : i1 to i32
        %sign3A_351 = arith.constant 0 : i32
        %sign3A_352 = arith.cmpi slt, %scan3A_345, %sign3A_351 : i32
        %sign3A_353 = arith.extui %sign3A_352 : i1 to i32
        %sign3A_354 = arith.subi %sign3A_350, %sign3A_353 : i32
        %sign3A_355 = arith.constant 0 : i32
        %sign3A_356 = arith.cmpi sgt, %jit3A_346, %sign3A_355 : i32
        %sign3A_357 = arith.extui %sign3A_356 : i1 to i32
        %sign3A_358 = arith.constant 0 : i32
        %sign3A_359 = arith.cmpi slt, %jit3A_346, %sign3A_358 : i32
        %sign3A_360 = arith.extui %sign3A_359 : i1 to i32
        %sign3A_361 = arith.subi %sign3A_357, %sign3A_360 : i32
        %ne3A_362 = arith.cmpi ne, %sign3A_354, %sign3A_361 : i32
        %rem3A_363 = arith.remsi %scan3A_345, %jit3A_346 : i32
        %ne3A_364 = arith.constant 0 : i32
        %ne3A_365 = arith.cmpi ne, %rem3A_363, %ne3A_364 : i32
        %and3A_366 = arith.andi %ne3A_362, %ne3A_365 : i1
        %sub3A_367 = arith.constant 1 : i32
        %sub3A_368 = arith.subi %div3A_347, %sub3A_367 : i32
        %select_n3A_369 = arith.select %and3A_366, %sub3A_368, %div3A_347 : i32
        %jit3A_370 = arith.constant 64 : i32
        %eq3A_371 = arith.constant 0 : i32
        %eq3A_372 = arith.cmpi eq, %jit3A_370, %eq3A_371 : i32
        %jit3A_373 = arith.constant 1 : i32
        %select_n3A_374 = arith.select %eq3A_372, %jit3A_373, %jit3A_370 : i32
        %rem3A_375 = arith.remsi %scan3A_345, %select_n3A_374 : i32
        %ne3A_376 = arith.constant 0 : i32
        %ne3A_377 = arith.cmpi ne, %rem3A_375, %ne3A_376 : i32
        %lt3A_378 = arith.constant 0 : i32
        %lt3A_379 = arith.cmpi slt, %rem3A_375, %lt3A_378 : i32
        %lt3A_380 = arith.constant 0 : i32
        %lt3A_381 = arith.cmpi slt, %select_n3A_374, %lt3A_380 : i32
        %ne3A_382 = arith.xori %lt3A_379, %lt3A_381 : i1
        %and3A_383 = arith.andi %ne3A_382, %ne3A_377 : i1
        %add3A_384 = arith.addi %rem3A_375, %select_n3A_374 : i32
        %select_n3A_385 = arith.select %and3A_383, %add3A_384, %rem3A_375 : i32
        %mul3A_386 = arith.constant 16 : i32
        %mul3A_387 = arith.muli %select_n3A_385, %mul3A_386 : i32
        %get3A_388 = arith.constant 0 : i32
        %get3A_389 = arith.constant 0 : i32
        %get3A_390 = tpu.memref_slice %arg6[%scan3A_209, %get3A_388, %get3A_389] : memref<4x16x1024xf32, #tpu.memory_space<vmem>> -> memref<1x16x1024xf32, #tpu.memory_space<vmem>>
        %get3A_391 = tpu.memref_squeeze %get3A_390 : memref<1x16x1024xf32, #tpu.memory_space<vmem>> -> memref<16x1024xf32, #tpu.memory_space<vmem>>
        %get3A_392 = arith.index_cast %select_n3A_369 : i32 to index
        %get3A_393 = arith.index_cast %mul3A_387 : i32 to index
        %get3A_394 = tpu.vector_load %get3A_391[%get3A_392, %get3A_393] {strides = array<i32>} : memref<16x1024xf32, #tpu.memory_space<vmem>>, vector<1x16xf32>,
        %get3A_395 = vector.shape_cast %get3A_394 : vector<1x16xf32> to vector<16xf32>
        %mul3A_396 = arith.constant 3.200000e+01 : f32
        %mul3A_397 = vector.broadcast %mul3A_396 : f32 to vector<16xf32>
        %mul3A_398 = arith.mulf %get3A_395, %mul3A_397 : vector<16xf32>
        %swap3A_399 = arith.constant 0 : i32
        %swap3A_400 = arith.constant 0 : i32
        %swap3A_401 = tpu.memref_slice %arg7[%scan3A_210, %swap3A_399, %swap3A_400] : memref<2x16x1024xf32, #tpu.memory_space<vmem>> -> memref<1x16x1024xf32, #tpu.memory_space<vmem>>
        %swap3A_402 = tpu.memref_squeeze %swap3A_401 : memref<1x16x1024xf32, #tpu.memory_space<vmem>> -> memref<16x1024xf32, #tpu.memory_space<vmem>>
        %swap3A_403 = arith.index_cast %select_n3A_369 : i32 to index
        %swap3A_404 = arith.index_cast %mul3A_387 : i32 to index
        %swap3A_405 = tpu.vector_load %swap3A_402[%swap3A_403, %swap3A_404] {strides = array<i32>} : memref<16x1024xf32, #tpu.memory_space<vmem>>, vector<1x16xf32>,
        %swap3A_406 = vector.shape_cast %swap3A_405 : vector<1x16xf32> to vector<16xf32>
        %swap3A_407 = vector.shape_cast %mul3A_398 : vector<16xf32> to vector<1x16xf32>
        tpu.vector_store %swap3A_402[%swap3A_403, %swap3A_404], %swap3A_407 {strides = array<i32>} : memref<16x1024xf32, #tpu.memory_space<vmem>>, vector<1x16xf32>,
        %scan3A_408 = arith.constant 2 : i32
        %scan3A_409 = arith.addi %scan3A_292, %scan3A_408 : i32
        %jit3A_410 = arith.constant 64 : i32
        %div3A_411 = arith.divsi %scan3A_409, %jit3A_410 : i32
        %sign3A_412 = arith.constant 0 : i32
        %sign3A_413 = arith.cmpi sgt, %scan3A_409, %sign3A_412 : i32
        %sign3A_414 = arith.extui %sign3A_413 : i1 to i32
        %sign3A_415 = arith.constant 0 : i32
        %sign3A_416 = arith.cmpi slt, %scan3A_409, %sign3A_415 : i32
        %sign3A_417 = arith.extui %sign3A_416 : i1 to i32
        %sign3A_418 = arith.subi %sign3A_414, %sign3A_417 : i32
        %sign3A_419 = arith.constant 0 : i32
        %sign3A_420 = arith.cmpi sgt, %jit3A_410, %sign3A_419 : i32
        %sign3A_421 = arith.extui %sign3A_420 : i1 to i32
        %sign3A_422 = arith.constant 0 : i32
        %sign3A_423 = arith.cmpi slt, %jit3A_410, %sign3A_422 : i32
        %sign3A_424 = arith.extui %sign3A_423 : i1 to i32
        %sign3A_425 = arith.subi %sign3A_421, %sign3A_424 : i32
        %ne3A_426 = arith.cmpi ne, %sign3A_418, %sign3A_425 : i32
        %rem3A_427 = arith.remsi %scan3A_409, %jit3A_410 : i32
        %ne3A_428 = arith.constant 0 : i32
        %ne3A_429 = arith.cmpi ne, %rem3A_427, %ne3A_428 : i32
        %and3A_430 = arith.andi %ne3A_426, %ne3A_429 : i1
        %sub3A_431 = arith.constant 1 : i32
        %sub3A_432 = arith.subi %div3A_411, %sub3A_431 : i32
        %select_n3A_433 = arith.select %and3A_430, %sub3A_432, %div3A_411 : i32
        %jit3A_434 = arith.constant 64 : i32
        %eq3A_435 = arith.constant 0 : i32
        %eq3A_436 = arith.cmpi eq, %jit3A_434, %eq3A_435 : i32
        %jit3A_437 = arith.constant 1 : i32
        %select_n3A_438 = arith.select %eq3A_436, %jit3A_437, %jit3A_434 : i32
        %rem3A_439 = arith.remsi %scan3A_409, %select_n3A_438 : i32
        %ne3A_440 = arith.constant 0 : i32
        %ne3A_441 = arith.cmpi ne, %rem3A_439, %ne3A_440 : i32
        %lt3A_442 = arith.constant 0 : i32
        %lt3A_443 = arith.cmpi slt, %rem3A_439, %lt3A_442 : i32
        %lt3A_444 = arith.constant 0 : i32
        %lt3A_445 = arith.cmpi slt, %select_n3A_438, %lt3A_444 : i32
        %ne3A_446 = arith.xori %lt3A_443, %lt3A_445 : i1
        %and3A_447 = arith.andi %ne3A_446, %ne3A_441 : i1
        %add3A_448 = arith.addi %rem3A_439, %select_n3A_438 : i32
        %select_n3A_449 = arith.select %and3A_447, %add3A_448, %rem3A_439 : i32
        %mul3A_450 = arith.constant 16 : i32
        %mul3A_451 = arith.muli %select_n3A_449, %mul3A_450 : i32
        %get3A_452 = arith.constant 0 : i32
        %get3A_453 = arith.constant 0 : i32
        %get3A_454 = tpu.memref_slice %arg6[%scan3A_209, %get3A_452, %get3A_453] : memref<4x16x1024xf32, #tpu.memory_space<vmem>> -> memref<1x16x1024xf32, #tpu.memory_space<vmem>>
        %get3A_455 = tpu.memref_squeeze %get3A_454 : memref<1x16x1024xf32, #tpu.memory_space<vmem>> -> memref<16x1024xf32, #tpu.memory_space<vmem>>
        %get3A_456 = arith.index_cast %select_n3A_433 : i32 to index
        %get3A_457 = arith.index_cast %mul3A_451 : i32 to index
        %get3A_458 = tpu.vector_load %get3A_455[%get3A_456, %get3A_457] {strides = array<i32>} : memref<16x1024xf32, #tpu.memory_space<vmem>>, vector<1x16xf32>,
        %get3A_459 = vector.shape_cast %get3A_458 : vector<1x16xf32> to vector<16xf32>
        %mul3A_460 = arith.constant 3.200000e+01 : f32
        %mul3A_461 = vector.broadcast %mul3A_460 : f32 to vector<16xf32>
        %mul3A_462 = arith.mulf %get3A_459, %mul3A_461 : vector<16xf32>
        %swap3A_463 = arith.constant 0 : i32
        %swap3A_464 = arith.constant 0 : i32
        %swap3A_465 = tpu.memref_slice %arg7[%scan3A_210, %swap3A_463, %swap3A_464] : memref<2x16x1024xf32, #tpu.memory_space<vmem>> -> memref<1x16x1024xf32, #tpu.memory_space<vmem>>
        %swap3A_466 = tpu.memref_squeeze %swap3A_465 : memref<1x16x1024xf32, #tpu.memory_space<vmem>> -> memref<16x1024xf32, #tpu.memory_space<vmem>>
        %swap3A_467 = arith.index_cast %select_n3A_433 : i32 to index
        %swap3A_468 = arith.index_cast %mul3A_451 : i32 to index
        %swap3A_469 = tpu.vector_load %swap3A_466[%swap3A_467, %swap3A_468] {strides = array<i32>} : memref<16x1024xf32, #tpu.memory_space<vmem>>, vector<1x16xf32>,
        %swap3A_470 = vector.shape_cast %swap3A_469 : vector<1x16xf32> to vector<16xf32>
        %swap3A_471 = vector.shape_cast %mul3A_462 : vector<16xf32> to vector<1x16xf32>
        tpu.vector_store %swap3A_466[%swap3A_467, %swap3A_468], %swap3A_471 {strides = array<i32>} : memref<16x1024xf32, #tpu.memory_space<vmem>>, vector<1x16xf32>,
        %scan3A_472 = arith.constant 3 : i32
        %scan3A_473 = arith.addi %scan3A_292, %scan3A_472 : i32
        %jit3A_474 = arith.constant 64 : i32
        %div3A_475 = arith.divsi %scan3A_473, %jit3A_474 : i32
        %sign3A_476 = arith.constant 0 : i32
        %sign3A_477 = arith.cmpi sgt, %scan3A_473, %sign3A_476 : i32
        %sign3A_478 = arith.extui %sign3A_477 : i1 to i32
        %sign3A_479 = arith.constant 0 : i32
        %sign3A_480 = arith.cmpi slt, %scan3A_473, %sign3A_479 : i32
        %sign3A_481 = arith.extui %sign3A_480 : i1 to i32
        %sign3A_482 = arith.subi %sign3A_478, %sign3A_481 : i32
        %sign3A_483 = arith.constant 0 : i32
        %sign3A_484 = arith.cmpi sgt, %jit3A_474, %sign3A_483 : i32
        %sign3A_485 = arith.extui %sign3A_484 : i1 to i32
        %sign3A_486 = arith.constant 0 : i32
        %sign3A_487 = arith.cmpi slt, %jit3A_474, %sign3A_486 : i32
        %sign3A_488 = arith.extui %sign3A_487 : i1 to i32
        %sign3A_489 = arith.subi %sign3A_485, %sign3A_488 : i32
        %ne3A_490 = arith.cmpi ne, %sign3A_482, %sign3A_489 : i32
        %rem3A_491 = arith.remsi %scan3A_473, %jit3A_474 : i32
        %ne3A_492 = arith.constant 0 : i32
        %ne3A_493 = arith.cmpi ne, %rem3A_491, %ne3A_492 : i32
        %and3A_494 = arith.andi %ne3A_490, %ne3A_493 : i1
        %sub3A_495 = arith.constant 1 : i32
        %sub3A_496 = arith.subi %div3A_475, %sub3A_495 : i32
        %select_n3A_497 = arith.select %and3A_494, %sub3A_496, %div3A_475 : i32
        %jit3A_498 = arith.constant 64 : i32
        %eq3A_499 = arith.constant 0 : i32
        %eq3A_500 = arith.cmpi eq, %jit3A_498, %eq3A_499 : i32
        %jit3A_501 = arith.constant 1 : i32
        %select_n3A_502 = arith.select %eq3A_500, %jit3A_501, %jit3A_498 : i32
        %rem3A_503 = arith.remsi %scan3A_473, %select_n3A_502 : i32
        %ne3A_504 = arith.constant 0 : i32
        %ne3A_505 = arith.cmpi ne, %rem3A_503, %ne3A_504 : i32
        %lt3A_506 = arith.constant 0 : i32
        %lt3A_507 = arith.cmpi slt, %rem3A_503, %lt3A_506 : i32
        %lt3A_508 = arith.constant 0 : i32
        %lt3A_509 = arith.cmpi slt, %select_n3A_502, %lt3A_508 : i32
        %ne3A_510 = arith.xori %lt3A_507, %lt3A_509 : i1
        %and3A_511 = arith.andi %ne3A_510, %ne3A_505 : i1
        %add3A_512 = arith.addi %rem3A_503, %select_n3A_502 : i32
        %select_n3A_513 = arith.select %and3A_511, %add3A_512, %rem3A_503 : i32
        %mul3A_514 = arith.constant 16 : i32
        %mul3A_515 = arith.muli %select_n3A_513, %mul3A_514 : i32
        %get3A_516 = arith.constant 0 : i32
        %get3A_517 = arith.constant 0 : i32
        %get3A_518 = tpu.memref_slice %arg6[%scan3A_209, %get3A_516, %get3A_517] : memref<4x16x1024xf32, #tpu.memory_space<vmem>> -> memref<1x16x1024xf32, #tpu.memory_space<vmem>>
        %get3A_519 = tpu.memref_squeeze %get3A_518 : memref<1x16x1024xf32, #tpu.memory_space<vmem>> -> memref<16x1024xf32, #tpu.memory_space<vmem>>
        %get3A_520 = arith.index_cast %select_n3A_497 : i32 to index
        %get3A_521 = arith.index_cast %mul3A_515 : i32 to index
        %get3A_522 = tpu.vector_load %get3A_519[%get3A_520, %get3A_521] {strides = array<i32>} : memref<16x1024xf32, #tpu.memory_space<vmem>>, vector<1x16xf32>,
        %get3A_523 = vector.shape_cast %get3A_522 : vector<1x16xf32> to vector<16xf32>
        %mul3A_524 = arith.constant 3.200000e+01 : f32
        %mul3A_525 = vector.broadcast %mul3A_524 : f32 to vector<16xf32>
        %mul3A_526 = arith.mulf %get3A_523, %mul3A_525 : vector<16xf32>
        %swap3A_527 = arith.constant 0 : i32
        %swap3A_528 = arith.constant 0 : i32
        %swap3A_529 = tpu.memref_slice %arg7[%scan3A_210, %swap3A_527, %swap3A_528] : memref<2x16x1024xf32, #tpu.memory_space<vmem>> -> memref<1x16x1024xf32, #tpu.memory_space<vmem>>
        %swap3A_530 = tpu.memref_squeeze %swap3A_529 : memref<1x16x1024xf32, #tpu.memory_space<vmem>> -> memref<16x1024xf32, #tpu.memory_space<vmem>>
        %swap3A_531 = arith.index_cast %select_n3A_497 : i32 to index
        %swap3A_532 = arith.index_cast %mul3A_515 : i32 to index
        %swap3A_533 = tpu.vector_load %swap3A_530[%swap3A_531, %swap3A_532] {strides = array<i32>} : memref<16x1024xf32, #tpu.memory_space<vmem>>, vector<1x16xf32>,
        %swap3A_534 = vector.shape_cast %swap3A_533 : vector<1x16xf32> to vector<16xf32>
        %swap3A_535 = vector.shape_cast %mul3A_526 : vector<16xf32> to vector<1x16xf32>
        tpu.vector_store %swap3A_530[%swap3A_531, %swap3A_532], %swap3A_535 {strides = array<i32>} : memref<16x1024xf32, #tpu.memory_space<vmem>>, vector<1x16xf32>,
        %scan3A_536 = arith.constant 4 : i32
        %scan3A_537 = arith.addi %scan3A_292, %scan3A_536 : i32
        %jit3A_538 = arith.constant 64 : i32
        %div3A_539 = arith.divsi %scan3A_537, %jit3A_538 : i32
        %sign3A_540 = arith.constant 0 : i32
        %sign3A_541 = arith.cmpi sgt, %scan3A_537, %sign3A_540 : i32
        %sign3A_542 = arith.extui %sign3A_541 : i1 to i32
        %sign3A_543 = arith.constant 0 : i32
        %sign3A_544 = arith.cmpi slt, %scan3A_537, %sign3A_543 : i32
        %sign3A_545 = arith.extui %sign3A_544 : i1 to i32
        %sign3A_546 = arith.subi %sign3A_542, %sign3A_545 : i32
        %sign3A_547 = arith.constant 0 : i32
        %sign3A_548 = arith.cmpi sgt, %jit3A_538, %sign3A_547 : i32
        %sign3A_549 = arith.extui %sign3A_548 : i1 to i32
        %sign3A_550 = arith.constant 0 : i32
        %sign3A_551 = arith.cmpi slt, %jit3A_538, %sign3A_550 : i32
        %sign3A_552 = arith.extui %sign3A_551 : i1 to i32
        %sign3A_553 = arith.subi %sign3A_549, %sign3A_552 : i32
        %ne3A_554 = arith.cmpi ne, %sign3A_546, %sign3A_553 : i32
        %rem3A_555 = arith.remsi %scan3A_537, %jit3A_538 : i32
        %ne3A_556 = arith.constant 0 : i32
        %ne3A_557 = arith.cmpi ne, %rem3A_555, %ne3A_556 : i32
        %and3A_558 = arith.andi %ne3A_554, %ne3A_557 : i1
        %sub3A_559 = arith.constant 1 : i32
        %sub3A_560 = arith.subi %div3A_539, %sub3A_559 : i32
        %select_n3A_561 = arith.select %and3A_558, %sub3A_560, %div3A_539 : i32
        %jit3A_562 = arith.constant 64 : i32
        %eq3A_563 = arith.constant 0 : i32
        %eq3A_564 = arith.cmpi eq, %jit3A_562, %eq3A_563 : i32
        %jit3A_565 = arith.constant 1 : i32
        %select_n3A_566 = arith.select %eq3A_564, %jit3A_565, %jit3A_562 : i32
        %rem3A_567 = arith.remsi %scan3A_537, %select_n3A_566 : i32
        %ne3A_568 = arith.constant 0 : i32
        %ne3A_569 = arith.cmpi ne, %rem3A_567, %ne3A_568 : i32
        %lt3A_570 = arith.constant 0 : i32
        %lt3A_571 = arith.cmpi slt, %rem3A_567, %lt3A_570 : i32
        %lt3A_572 = arith.constant 0 : i32
        %lt3A_573 = arith.cmpi slt, %select_n3A_566, %lt3A_572 : i32
        %ne3A_574 = arith.xori %lt3A_571, %lt3A_573 : i1
        %and3A_575 = arith.andi %ne3A_574, %ne3A_569 : i1
        %add3A_576 = arith.addi %rem3A_567, %select_n3A_566 : i32
        %select_n3A_577 = arith.select %and3A_575, %add3A_576, %rem3A_567 : i32
        %mul3A_578 = arith.constant 16 : i32
        %mul3A_579 = arith.muli %select_n3A_577, %mul3A_578 : i32
        %get3A_580 = arith.constant 0 : i32
        %get3A_581 = arith.constant 0 : i32
        %get3A_582 = tpu.memref_slice %arg6[%scan3A_209, %get3A_580, %get3A_581] : memref<4x16x1024xf32, #tpu.memory_space<vmem>> -> memref<1x16x1024xf32, #tpu.memory_space<vmem>>
        %get3A_583 = tpu.memref_squeeze %get3A_582 : memref<1x16x1024xf32, #tpu.memory_space<vmem>> -> memref<16x1024xf32, #tpu.memory_space<vmem>>
        %get3A_584 = arith.index_cast %select_n3A_561 : i32 to index
        %get3A_585 = arith.index_cast %mul3A_579 : i32 to index
        %get3A_586 = tpu.vector_load %get3A_583[%get3A_584, %get3A_585] {strides = array<i32>} : memref<16x1024xf32, #tpu.memory_space<vmem>>, vector<1x16xf32>,
        %get3A_587 = vector.shape_cast %get3A_586 : vector<1x16xf32> to vector<16xf32>
        %mul3A_588 = arith.constant 3.200000e+01 : f32
        %mul3A_589 = vector.broadcast %mul3A_588 : f32 to vector<16xf32>
        %mul3A_590 = arith.mulf %get3A_587, %mul3A_589 : vector<16xf32>
        %swap3A_591 = arith.constant 0 : i32
        %swap3A_592 = arith.constant 0 : i32
        %swap3A_593 = tpu.memref_slice %arg7[%scan3A_210, %swap3A_591, %swap3A_592] : memref<2x16x1024xf32, #tpu.memory_space<vmem>> -> memref<1x16x1024xf32, #tpu.memory_space<vmem>>
        %swap3A_594 = tpu.memref_squeeze %swap3A_593 : memref<1x16x1024xf32, #tpu.memory_space<vmem>> -> memref<16x1024xf32, #tpu.memory_space<vmem>>
        %swap3A_595 = arith.index_cast %select_n3A_561 : i32 to index
        %swap3A_596 = arith.index_cast %mul3A_579 : i32 to index
        %swap3A_597 = tpu.vector_load %swap3A_594[%swap3A_595, %swap3A_596] {strides = array<i32>} : memref<16x1024xf32, #tpu.memory_space<vmem>>, vector<1x16xf32>,
        %swap3A_598 = vector.shape_cast %swap3A_597 : vector<1x16xf32> to vector<16xf32>
        %swap3A_599 = vector.shape_cast %mul3A_590 : vector<16xf32> to vector<1x16xf32>
        tpu.vector_store %swap3A_594[%swap3A_595, %swap3A_596], %swap3A_599 {strides = array<i32>} : memref<16x1024xf32, #tpu.memory_space<vmem>>, vector<1x16xf32>,
        %scan3A_600 = arith.constant 5 : i32
        %scan3A_601 = arith.addi %scan3A_292, %scan3A_600 : i32
        %jit3A_602 = arith.constant 64 : i32
        %div3A_603 = arith.divsi %scan3A_601, %jit3A_602 : i32
        %sign3A_604 = arith.constant 0 : i32
        %sign3A_605 = arith.cmpi sgt, %scan3A_601, %sign3A_604 : i32
        %sign3A_606 = arith.extui %sign3A_605 : i1 to i32
        %sign3A_607 = arith.constant 0 : i32
        %sign3A_608 = arith.cmpi slt, %scan3A_601, %sign3A_607 : i32
        %sign3A_609 = arith.extui %sign3A_608 : i1 to i32
        %sign3A_610 = arith.subi %sign3A_606, %sign3A_609 : i32
        %sign3A_611 = arith.constant 0 : i32
        %sign3A_612 = arith.cmpi sgt, %jit3A_602, %sign3A_611 : i32
        %sign3A_613 = arith.extui %sign3A_612 : i1 to i32
        %sign3A_614 = arith.constant 0 : i32
        %sign3A_615 = arith.cmpi slt, %jit3A_602, %sign3A_614 : i32
        %sign3A_616 = arith.extui %sign3A_615 : i1 to i32
        %sign3A_617 = arith.subi %sign3A_613, %sign3A_616 : i32
        %ne3A_618 = arith.cmpi ne, %sign3A_610, %sign3A_617 : i32
        %rem3A_619 = arith.remsi %scan3A_601, %jit3A_602 : i32
        %ne3A_620 = arith.constant 0 : i32
        %ne3A_621 = arith.cmpi ne, %rem3A_619, %ne3A_620 : i32
        %and3A_622 = arith.andi %ne3A_618, %ne3A_621 : i1
        %sub3A_623 = arith.constant 1 : i32
        %sub3A_624 = arith.subi %div3A_603, %sub3A_623 : i32
        %select_n3A_625 = arith.select %and3A_622, %sub3A_624, %div3A_603 : i32
        %jit3A_626 = arith.constant 64 : i32
        %eq3A_627 = arith.constant 0 : i32
        %eq3A_628 = arith.cmpi eq, %jit3A_626, %eq3A_627 : i32
        %jit3A_629 = arith.constant 1 : i32
        %select_n3A_630 = arith.select %eq3A_628, %jit3A_629, %jit3A_626 : i32
        %rem3A_631 = arith.remsi %scan3A_601, %select_n3A_630 : i32
        %ne3A_632 = arith.constant 0 : i32
        %ne3A_633 = arith.cmpi ne, %rem3A_631, %ne3A_632 : i32
        %lt3A_634 = arith.constant 0 : i32
        %lt3A_635 = arith.cmpi slt, %rem3A_631, %lt3A_634 : i32
        %lt3A_636 = arith.constant 0 : i32
        %lt3A_637 = arith.cmpi slt, %select_n3A_630, %lt3A_636 : i32
        %ne3A_638 = arith.xori %lt3A_635, %lt3A_637 : i1
        %and3A_639 = arith.andi %ne3A_638, %ne3A_633 : i1
        %add3A_640 = arith.addi %rem3A_631, %select_n3A_630 : i32
        %select_n3A_641 = arith.select %and3A_639, %add3A_640, %rem3A_631 : i32
        %mul3A_642 = arith.constant 16 : i32
        %mul3A_643 = arith.muli %select_n3A_641, %mul3A_642 : i32
        %get3A_644 = arith.constant 0 : i32
        %get3A_645 = arith.constant 0 : i32
        %get3A_646 = tpu.memref_slice %arg6[%scan3A_209, %get3A_644, %get3A_645] : memref<4x16x1024xf32, #tpu.memory_space<vmem>> -> memref<1x16x1024xf32, #tpu.memory_space<vmem>>
        %get3A_647 = tpu.memref_squeeze %get3A_646 : memref<1x16x1024xf32, #tpu.memory_space<vmem>> -> memref<16x1024xf32, #tpu.memory_space<vmem>>
        %get3A_648 = arith.index_cast %select_n3A_625 : i32 to index
        %get3A_649 = arith.index_cast %mul3A_643 : i32 to index
        %get3A_650 = tpu.vector_load %get3A_647[%get3A_648, %get3A_649] {strides = array<i32>} : memref<16x1024xf32, #tpu.memory_space<vmem>>, vector<1x16xf32>,
        %get3A_651 = vector.shape_cast %get3A_650 : vector<1x16xf32> to vector<16xf32>
        %mul3A_652 = arith.constant 3.200000e+01 : f32
        %mul3A_653 = vector.broadcast %mul3A_652 : f32 to vector<16xf32>
        %mul3A_654 = arith.mulf %get3A_651, %mul3A_653 : vector<16xf32>
        %swap3A_655 = arith.constant 0 : i32
        %swap3A_656 = arith.constant 0 : i32
        %swap3A_657 = tpu.memref_slice %arg7[%scan3A_210, %swap3A_655, %swap3A_656] : memref<2x16x1024xf32, #tpu.memory_space<vmem>> -> memref<1x16x1024xf32, #tpu.memory_space<vmem>>
        %swap3A_658 = tpu.memref_squeeze %swap3A_657 : memref<1x16x1024xf32, #tpu.memory_space<vmem>> -> memref<16x1024xf32, #tpu.memory_space<vmem>>
        %swap3A_659 = arith.index_cast %select_n3A_625 : i32 to index
        %swap3A_660 = arith.index_cast %mul3A_643 : i32 to index
        %swap3A_661 = tpu.vector_load %swap3A_658[%swap3A_659, %swap3A_660] {strides = array<i32>} : memref<16x1024xf32, #tpu.memory_space<vmem>>, vector<1x16xf32>,
        %swap3A_662 = vector.shape_cast %swap3A_661 : vector<1x16xf32> to vector<16xf32>
        %swap3A_663 = vector.shape_cast %mul3A_654 : vector<16xf32> to vector<1x16xf32>
        tpu.vector_store %swap3A_658[%swap3A_659, %swap3A_660], %swap3A_663 {strides = array<i32>} : memref<16x1024xf32, #tpu.memory_space<vmem>>, vector<1x16xf32>,
        %scan3A_664 = arith.constant 6 : i32
        %scan3A_665 = arith.addi %scan3A_292, %scan3A_664 : i32
        %jit3A_666 = arith.constant 64 : i32
        %div3A_667 = arith.divsi %scan3A_665, %jit3A_666 : i32
        %sign3A_668 = arith.constant 0 : i32
        %sign3A_669 = arith.cmpi sgt, %scan3A_665, %sign3A_668 : i32
        %sign3A_670 = arith.extui %sign3A_669 : i1 to i32
        %sign3A_671 = arith.constant 0 : i32
        %sign3A_672 = arith.cmpi slt, %scan3A_665, %sign3A_671 : i32
        %sign3A_673 = arith.extui %sign3A_672 : i1 to i32
        %sign3A_674 = arith.subi %sign3A_670, %sign3A_673 : i32
        %sign3A_675 = arith.constant 0 : i32
        %sign3A_676 = arith.cmpi sgt, %jit3A_666, %sign3A_675 : i32
        %sign3A_677 = arith.extui %sign3A_676 : i1 to i32
        %sign3A_678 = arith.constant 0 : i32
        %sign3A_679 = arith.cmpi slt, %jit3A_666, %sign3A_678 : i32
        %sign3A_680 = arith.extui %sign3A_679 : i1 to i32
        %sign3A_681 = arith.subi %sign3A_677, %sign3A_680 : i32
        %ne3A_682 = arith.cmpi ne, %sign3A_674, %sign3A_681 : i32
        %rem3A_683 = arith.remsi %scan3A_665, %jit3A_666 : i32
        %ne3A_684 = arith.constant 0 : i32
        %ne3A_685 = arith.cmpi ne, %rem3A_683, %ne3A_684 : i32
        %and3A_686 = arith.andi %ne3A_682, %ne3A_685 : i1
        %sub3A_687 = arith.constant 1 : i32
        %sub3A_688 = arith.subi %div3A_667, %sub3A_687 : i32
        %select_n3A_689 = arith.select %and3A_686, %sub3A_688, %div3A_667 : i32
        %jit3A_690 = arith.constant 64 : i32
        %eq3A_691 = arith.constant 0 : i32
        %eq3A_692 = arith.cmpi eq, %jit3A_690, %eq3A_691 : i32
        %jit3A_693 = arith.constant 1 : i32
        %select_n3A_694 = arith.select %eq3A_692, %jit3A_693, %jit3A_690 : i32
        %rem3A_695 = arith.remsi %scan3A_665, %select_n3A_694 : i32
        %ne3A_696 = arith.constant 0 : i32
        %ne3A_697 = arith.cmpi ne, %rem3A_695, %ne3A_696 : i32
        %lt3A_698 = arith.constant 0 : i32
        %lt3A_699 = arith.cmpi slt, %rem3A_695, %lt3A_698 : i32
        %lt3A_700 = arith.constant 0 : i32
        %lt3A_701 = arith.cmpi slt, %select_n3A_694, %lt3A_700 : i32
        %ne3A_702 = arith.xori %lt3A_699, %lt3A_701 : i1
        %and3A_703 = arith.andi %ne3A_702, %ne3A_697 : i1
        %add3A_704 = arith.addi %rem3A_695, %select_n3A_694 : i32
        %select_n3A_705 = arith.select %and3A_703, %add3A_704, %rem3A_695 : i32
        %mul3A_706 = arith.constant 16 : i32
        %mul3A_707 = arith.muli %select_n3A_705, %mul3A_706 : i32
        %get3A_708 = arith.constant 0 : i32
        %get3A_709 = arith.constant 0 : i32
        %get3A_710 = tpu.memref_slice %arg6[%scan3A_209, %get3A_708, %get3A_709] : memref<4x16x1024xf32, #tpu.memory_space<vmem>> -> memref<1x16x1024xf32, #tpu.memory_space<vmem>>
        %get3A_711 = tpu.memref_squeeze %get3A_710 : memref<1x16x1024xf32, #tpu.memory_space<vmem>> -> memref<16x1024xf32, #tpu.memory_space<vmem>>
        %get3A_712 = arith.index_cast %select_n3A_689 : i32 to index
        %get3A_713 = arith.index_cast %mul3A_707 : i32 to index
        %get3A_714 = tpu.vector_load %get3A_711[%get3A_712, %get3A_713] {strides = array<i32>} : memref<16x1024xf32, #tpu.memory_space<vmem>>, vector<1x16xf32>,
        %get3A_715 = vector.shape_cast %get3A_714 : vector<1x16xf32> to vector<16xf32>
        %mul3A_716 = arith.constant 3.200000e+01 : f32
        %mul3A_717 = vector.broadcast %mul3A_716 : f32 to vector<16xf32>
        %mul3A_718 = arith.mulf %get3A_715, %mul3A_717 : vector<16xf32>
        %swap3A_719 = arith.constant 0 : i32
        %swap3A_720 = arith.constant 0 : i32
        %swap3A_721 = tpu.memref_slice %arg7[%scan3A_210, %swap3A_719, %swap3A_720] : memref<2x16x1024xf32, #tpu.memory_space<vmem>> -> memref<1x16x1024xf32, #tpu.memory_space<vmem>>
        %swap3A_722 = tpu.memref_squeeze %swap3A_721 : memref<1x16x1024xf32, #tpu.memory_space<vmem>> -> memref<16x1024xf32, #tpu.memory_space<vmem>>
        %swap3A_723 = arith.index_cast %select_n3A_689 : i32 to index
        %swap3A_724 = arith.index_cast %mul3A_707 : i32 to index
        %swap3A_725 = tpu.vector_load %swap3A_722[%swap3A_723, %swap3A_724] {strides = array<i32>} : memref<16x1024xf32, #tpu.memory_space<vmem>>, vector<1x16xf32>,
        %swap3A_726 = vector.shape_cast %swap3A_725 : vector<1x16xf32> to vector<16xf32>
        %swap3A_727 = vector.shape_cast %mul3A_718 : vector<16xf32> to vector<1x16xf32>
        tpu.vector_store %swap3A_722[%swap3A_723, %swap3A_724], %swap3A_727 {strides = array<i32>} : memref<16x1024xf32, #tpu.memory_space<vmem>>, vector<1x16xf32>,
        %scan3A_728 = arith.constant 7 : i32
        %scan3A_729 = arith.addi %scan3A_292, %scan3A_728 : i32
        %jit3A_730 = arith.constant 64 : i32
        %div3A_731 = arith.divsi %scan3A_729, %jit3A_730 : i32
        %sign3A_732 = arith.constant 0 : i32
        %sign3A_733 = arith.cmpi sgt, %scan3A_729, %sign3A_732 : i32
        %sign3A_734 = arith.extui %sign3A_733 : i1 to i32
        %sign3A_735 = arith.constant 0 : i32
        %sign3A_736 = arith.cmpi slt, %scan3A_729, %sign3A_735 : i32
        %sign3A_737 = arith.extui %sign3A_736 : i1 to i32
        %sign3A_738 = arith.subi %sign3A_734, %sign3A_737 : i32
        %sign3A_739 = arith.constant 0 : i32
        %sign3A_740 = arith.cmpi sgt, %jit3A_730, %sign3A_739 : i32
        %sign3A_741 = arith.extui %sign3A_740 : i1 to i32
        %sign3A_742 = arith.constant 0 : i32
        %sign3A_743 = arith.cmpi slt, %jit3A_730, %sign3A_742 : i32
        %sign3A_744 = arith.extui %sign3A_743 : i1 to i32
        %sign3A_745 = arith.subi %sign3A_741, %sign3A_744 : i32
        %ne3A_746 = arith.cmpi ne, %sign3A_738, %sign3A_745 : i32
        %rem3A_747 = arith.remsi %scan3A_729, %jit3A_730 : i32
        %ne3A_748 = arith.constant 0 : i32
        %ne3A_749 = arith.cmpi ne, %rem3A_747, %ne3A_748 : i32
        %and3A_750 = arith.andi %ne3A_746, %ne3A_749 : i1
        %sub3A_751 = arith.constant 1 : i32
        %sub3A_752 = arith.subi %div3A_731, %sub3A_751 : i32
        %select_n3A_753 = arith.select %and3A_750, %sub3A_752, %div3A_731 : i32
        %jit3A_754 = arith.constant 64 : i32
        %eq3A_755 = arith.constant 0 : i32
        %eq3A_756 = arith.cmpi eq, %jit3A_754, %eq3A_755 : i32
        %jit3A_757 = arith.constant 1 : i32
        %select_n3A_758 = arith.select %eq3A_756, %jit3A_757, %jit3A_754 : i32
        %rem3A_759 = arith.remsi %scan3A_729, %select_n3A_758 : i32
        %ne3A_760 = arith.constant 0 : i32
        %ne3A_761 = arith.cmpi ne, %rem3A_759, %ne3A_760 : i32
        %lt3A_762 = arith.constant 0 : i32
        %lt3A_763 = arith.cmpi slt, %rem3A_759, %lt3A_762 : i32
        %lt3A_764 = arith.constant 0 : i32
        %lt3A_765 = arith.cmpi slt, %select_n3A_758, %lt3A_764 : i32
        %ne3A_766 = arith.xori %lt3A_763, %lt3A_765 : i1
        %and3A_767 = arith.andi %ne3A_766, %ne3A_761 : i1
        %add3A_768 = arith.addi %rem3A_759, %select_n3A_758 : i32
        %select_n3A_769 = arith.select %and3A_767, %add3A_768, %rem3A_759 : i32
        %mul3A_770 = arith.constant 16 : i32
        %mul3A_771 = arith.muli %select_n3A_769, %mul3A_770 : i32
        %get3A_772 = arith.constant 0 : i32
        %get3A_773 = arith.constant 0 : i32
        %get3A_774 = tpu.memref_slice %arg6[%scan3A_209, %get3A_772, %get3A_773] : memref<4x16x1024xf32, #tpu.memory_space<vmem>> -> memref<1x16x1024xf32, #tpu.memory_space<vmem>>
        %get3A_775 = tpu.memref_squeeze %get3A_774 : memref<1x16x1024xf32, #tpu.memory_space<vmem>> -> memref<16x1024xf32, #tpu.memory_space<vmem>>
        %get3A_776 = arith.index_cast %select_n3A_753 : i32 to index
        %get3A_777 = arith.index_cast %mul3A_771 : i32 to index
        %get3A_778 = tpu.vector_load %get3A_775[%get3A_776, %get3A_777] {strides = array<i32>} : memref<16x1024xf32, #tpu.memory_space<vmem>>, vector<1x16xf32>,
        %get3A_779 = vector.shape_cast %get3A_778 : vector<1x16xf32> to vector<16xf32>
        %mul3A_780 = arith.constant 3.200000e+01 : f32
        %mul3A_781 = vector.broadcast %mul3A_780 : f32 to vector<16xf32>
        %mul3A_782 = arith.mulf %get3A_779, %mul3A_781 : vector<16xf32>
        %swap3A_783 = arith.constant 0 : i32
        %swap3A_784 = arith.constant 0 : i32
        %swap3A_785 = tpu.memref_slice %arg7[%scan3A_210, %swap3A_783, %swap3A_784] : memref<2x16x1024xf32, #tpu.memory_space<vmem>> -> memref<1x16x1024xf32, #tpu.memory_space<vmem>>
        %swap3A_786 = tpu.memref_squeeze %swap3A_785 : memref<1x16x1024xf32, #tpu.memory_space<vmem>> -> memref<16x1024xf32, #tpu.memory_space<vmem>>
        %swap3A_787 = arith.index_cast %select_n3A_753 : i32 to index
        %swap3A_788 = arith.index_cast %mul3A_771 : i32 to index
        %swap3A_789 = tpu.vector_load %swap3A_786[%swap3A_787, %swap3A_788] {strides = array<i32>} : memref<16x1024xf32, #tpu.memory_space<vmem>>, vector<1x16xf32>,
        %swap3A_790 = vector.shape_cast %swap3A_789 : vector<1x16xf32> to vector<16xf32>
        %swap3A_791 = vector.shape_cast %mul3A_782 : vector<16xf32> to vector<1x16xf32>
        tpu.vector_store %swap3A_786[%swap3A_787, %swap3A_788], %swap3A_791 {strides = array<i32>} : memref<16x1024xf32, #tpu.memory_space<vmem>>, vector<1x16xf32>,
      }
      %scan3A_215 = arith.constant 1024 : i32
      %lt3A_216 = arith.constant 7 : i32
      %lt3A_217 = arith.cmpi slt, %scan3A_76, %lt3A_216 : i32
      %convert_element_type3A_218 = arith.extui %lt3A_217 : i1 to i32
      %cond3A_219 = arith.constant 0 : i32
      %cond3A_220 = arith.cmpi ne, %convert_element_type3A_218, %cond3A_219 : i32
      scf.if %cond3A_220 {
        %add3A_292 = arith.constant 4 : i32
        %add3A_293 = arith.addi %add3A_185, %add3A_292 : i32
        %mul3A_294 = arith.constant 16 : i32
        %mul3A_295 = arith.muli %add3A_293, %mul3A_294 : i32
        %dma_start3A_296 = arith.constant 2 : i32
        %dma_start3A_297 = arith.constant 0 : i32
        %dma_start3A_298 = arith.constant 0 : i32
        %dma_start3A_299 = tpu.memref_slice %arg6[%dma_start3A_296, %dma_start3A_297, %dma_start3A_298] : memref<4x16x1024xf32, #tpu.memory_space<vmem>> -> memref<1x16x1024xf32, #tpu.memory_space<vmem>>
        %dma_start3A_300 = tpu.memref_squeeze %dma_start3A_299 : memref<1x16x1024xf32, #tpu.memory_space<vmem>> -> memref<16x1024xf32, #tpu.memory_space<vmem>>
        %dma_start3A_301 = tpu.memref_slice %arg5[%mul3A_295] : memref<512xi32, #tpu.memory_space<vmem>> -> memref<16xi32, #tpu.memory_space<vmem>>
        %dma_start3A_302 = arith.constant 0 : i32
        %dma_start3A_303 = arith.constant 0 : i32
        %dma_start3A_304 = tpu.memref_slice %arg3[%dma_start3A_302, %dma_start3A_303] : memref<100000x1024xf32, #tpu.memory_space<hbm>> -> memref<100000x1024xf32, #tpu.memory_space<hbm>>
        tpu.enqueue_indirect_dma source(%dma_start3A_304 : memref<100000x1024xf32, #tpu.memory_space<hbm>>) target(%dma_start3A_300 : memref<16x1024xf32, #tpu.memory_space<vmem>>) offsets(%dma_start3A_301 : memref<16xi32, #tpu.memory_space<vmem>>) semaphore(%arg10 : memref<!tpu.dma_semaphore, #tpu.memory_space<semaphore_mem>>)
      } else {
      }
      %mul3A_221 = arith.constant 16 : i32
      %mul3A_222 = arith.muli %add3A_185, %mul3A_221 : i32
      %add3A_223 = arith.addi %mul3A_2, %mul3A_222 : i32
      %dma_start3A_224 = arith.constant 0 : i32
      %dma_start3A_225 = arith.constant 0 : i32
      %dma_start3A_226 = arith.constant 0 : i32
      %dma_start3A_227 = tpu.memref_slice %arg7[%dma_start3A_224, %dma_start3A_225, %dma_start3A_226] : memref<2x16x1024xf32, #tpu.memory_space<vmem>> -> memref<1x16x1024xf32, #tpu.memory_space<vmem>>
      %dma_start3A_228 = tpu.memref_squeeze %dma_start3A_227 : memref<1x16x1024xf32, #tpu.memory_space<vmem>> -> memref<16x1024xf32, #tpu.memory_space<vmem>>
      %dma_start3A_229 = arith.constant 0 : i32
      %dma_start3A_230 = tpu.memref_slice %arg4[%add3A_223, %dma_start3A_229] : memref<16384x1024xf32, #tpu.memory_space<hbm>> -> memref<16x1024xf32, #tpu.memory_space<hbm>>
      %dma_start3A_231 = arith.constant 0 : i32
      %dma_start3A_232 = tpu.memref_slice %arg4[%add3A_223, %dma_start3A_231] : memref<16384x1024xf32, #tpu.memory_space<hbm>> -> memref<16x1024xf32, #tpu.memory_space<hbm>>
      %dma_start3A_233 = arith.constant 0 : i32
      %dma_start3A_234 = arith.constant 0 : i32
      %dma_start3A_235 = tpu.memref_slice %arg7[%dma_start3A_224, %dma_start3A_233, %dma_start3A_234] : memref<2x16x1024xf32, #tpu.memory_space<vmem>> -> memref<1x16x1024xf32, #tpu.memory_space<vmem>>
      %dma_start3A_236 = tpu.memref_squeeze %dma_start3A_235 : memref<1x16x1024xf32, #tpu.memory_space<vmem>> -> memref<16x1024xf32, #tpu.memory_space<vmem>>
      tpu.enqueue_dma source(%dma_start3A_236 : memref<16x1024xf32, #tpu.memory_space<vmem>>) target(%dma_start3A_232 : memref<16x1024xf32, #tpu.memory_space<hbm>>) target_semaphore(%arg12 : memref<!tpu.dma_semaphore, #tpu.memory_space<semaphore_mem>>)
      %mul3A_237 = arith.constant 4 : i32
      %mul3A_238 = arith.muli %scan3A_76, %mul3A_237 : i32
      %add3A_239 = arith.constant 3 : i32
      %add3A_240 = arith.addi %mul3A_238, %add3A_239 : i32
      %dma_wait3A_241 = arith.constant 3 : i32
      %dma_wait3A_242 = arith.constant 0 : i32
      %dma_wait3A_243 = arith.constant 0 : i32
      %dma_wait3A_244 = tpu.memref_slice %arg6[%dma_wait3A_241, %dma_wait3A_242, %dma_wait3A_243] : memref<4x16x1024xf32, #tpu.memory_space<vmem>> -> memref<1x16x1024xf32, #tpu.memory_space<vmem>>
      %dma_wait3A_245 = tpu.memref_squeeze %dma_wait3A_244 : memref<1x16x1024xf32, #tpu.memory_space<vmem>> -> memref<16x1024xf32, #tpu.memory_space<vmem>>
      %dma_wait3A_246 = arith.constant 0 : i32
      %dma_wait3A_247 = arith.constant 0 : i32
      %dma_wait3A_248 = tpu.memref_slice %arg3[%dma_wait3A_246, %dma_wait3A_247] : memref<100000x1024xf32, #tpu.memory_space<hbm>> -> memref<16x1024xf32, #tpu.memory_space<hbm>>
      %dma_wait3A_249 = arith.constant 0 : i32
      %dma_wait3A_250 = arith.constant 0 : i32
      %dma_wait3A_251 = tpu.memref_slice %arg6[%dma_wait3A_241, %dma_wait3A_249, %dma_wait3A_250] : memref<4x16x1024xf32, #tpu.memory_space<vmem>> -> memref<1x16x1024xf32, #tpu.memory_space<vmem>>
      %dma_wait3A_252 = tpu.memref_squeeze %dma_wait3A_251 : memref<1x16x1024xf32, #tpu.memory_space<vmem>> -> memref<16x1024xf32, #tpu.memory_space<vmem>>
      %dma_wait3A_253 = arith.constant 0 : i32
      %dma_wait3A_254 = arith.constant 0 : i32
      %dma_wait3A_255 = tpu.memref_slice %arg3[%dma_wait3A_253, %dma_wait3A_254] : memref<100000x1024xf32, #tpu.memory_space<hbm>> -> memref<16x1024xf32, #tpu.memory_space<hbm>>
      tpu.wait_dma2 semaphore(%arg11 : memref<!tpu.dma_semaphore, #tpu.memory_space<semaphore_mem>>) src(%dma_wait3A_255 : memref<16x1024xf32, #tpu.memory_space<hbm>>) dst(%dma_wait3A_252 : memref<16x1024xf32, #tpu.memory_space<vmem>>)
      %gt3A_256 = arith.constant 0 : i32
      %gt3A_257 = arith.cmpi sgt, %scan3A_76, %gt3A_256 : i32
      %or3A_258 = arith.constant true
      %or3A_259 = arith.ori %gt3A_257, %or3A_258 : i1
      %convert_element_type3A_260 = arith.extui %or3A_259 : i1 to i32
      %cond3A_261 = arith.constant 0 : i32
      %cond3A_262 = arith.cmpi ne, %convert_element_type3A_260, %cond3A_261 : i32
      scf.if %cond3A_262 {
        %dma_wait3A_292 = arith.constant 1 : i32
        %dma_wait3A_293 = arith.constant 0 : i32
        %dma_wait3A_294 = arith.constant 0 : i32
        %dma_wait3A_295 = tpu.memref_slice %arg7[%dma_wait3A_292, %dma_wait3A_293, %dma_wait3A_294] : memref<2x16x1024xf32, #tpu.memory_space<vmem>> -> memref<1x16x1024xf32, #tpu.memory_space<vmem>>
        %dma_wait3A_296 = tpu.memref_squeeze %dma_wait3A_295 : memref<1x16x1024xf32, #tpu.memory_space<vmem>> -> memref<16x1024xf32, #tpu.memory_space<vmem>>
        %dma_wait3A_297 = arith.constant 0 : i32
        %dma_wait3A_298 = arith.constant 0 : i32
        %dma_wait3A_299 = tpu.memref_slice %arg4[%dma_wait3A_297, %dma_wait3A_298] : memref<16384x1024xf32, #tpu.memory_space<hbm>> -> memref<16x1024xf32, #tpu.memory_space<hbm>>
        %dma_wait3A_300 = arith.constant 0 : i32
        %dma_wait3A_301 = arith.constant 0 : i32
        %dma_wait3A_302 = tpu.memref_slice %arg4[%dma_wait3A_300, %dma_wait3A_301] : memref<16384x1024xf32, #tpu.memory_space<hbm>> -> memref<16x1024xf32, #tpu.memory_space<hbm>>
        %dma_wait3A_303 = arith.constant 0 : i32
        %dma_wait3A_304 = arith.constant 0 : i32
        %dma_wait3A_305 = tpu.memref_slice %arg7[%dma_wait3A_292, %dma_wait3A_303, %dma_wait3A_304] : memref<2x16x1024xf32, #tpu.memory_space<vmem>> -> memref<1x16x1024xf32, #tpu.memory_space<vmem>>
        %dma_wait3A_306 = tpu.memref_squeeze %dma_wait3A_305 : memref<1x16x1024xf32, #tpu.memory_space<vmem>> -> memref<16x1024xf32, #tpu.memory_space<vmem>>
        tpu.wait_dma2 semaphore(%arg13 : memref<!tpu.dma_semaphore, #tpu.memory_space<semaphore_mem>>) src(%dma_wait3A_306 : memref<16x1024xf32, #tpu.memory_space<vmem>>) dst(%dma_wait3A_302 : memref<16x1024xf32, #tpu.memory_space<hbm>>)
      } else {
      }
      %scan3A_263 = arith.constant 0 : i32
      %scan3A_264 = arith.constant 3 : i32
      %scan3A_265 = arith.constant 1 : i32
      %scan3A_266 = arith.constant 0 : i32
      %scan3A_267 = arith.constant 1024 : i32
      %scan3A_268 = arith.addi %scan3A_266, %scan3A_267 : i32
      %scan3A_269 = arith.constant 8 : i32
      scf.for %scan3A_292 = %scan3A_266 to %scan3A_268 step %scan3A_269  : i32 {
        %jit3A = arith.constant 64 : i32
        %div3A = arith.divsi %scan3A_292, %jit3A : i32
        %sign3A = arith.constant 0 : i32
        %sign3A_293 = arith.cmpi sgt, %scan3A_292, %sign3A : i32
        %sign3A_294 = arith.extui %sign3A_293 : i1 to i32
        %sign3A_295 = arith.constant 0 : i32
        %sign3A_296 = arith.cmpi slt, %scan3A_292, %sign3A_295 : i32
        %sign3A_297 = arith.extui %sign3A_296 : i1 to i32
        %sign3A_298 = arith.subi %sign3A_294, %sign3A_297 : i32
        %sign3A_299 = arith.constant 0 : i32
        %sign3A_300 = arith.cmpi sgt, %jit3A, %sign3A_299 : i32
        %sign3A_301 = arith.extui %sign3A_300 : i1 to i32
        %sign3A_302 = arith.constant 0 : i32
        %sign3A_303 = arith.cmpi slt, %jit3A, %sign3A_302 : i32
        %sign3A_304 = arith.extui %sign3A_303 : i1 to i32
        %sign3A_305 = arith.subi %sign3A_301, %sign3A_304 : i32
        %ne3A = arith.cmpi ne, %sign3A_298, %sign3A_305 : i32
        %rem3A = arith.remsi %scan3A_292, %jit3A : i32
        %ne3A_306 = arith.constant 0 : i32
        %ne3A_307 = arith.cmpi ne, %rem3A, %ne3A_306 : i32
        %and3A = arith.andi %ne3A, %ne3A_307 : i1
        %sub3A = arith.constant 1 : i32
        %sub3A_308 = arith.subi %div3A, %sub3A : i32
        %select_n3A = arith.select %and3A, %sub3A_308, %div3A : i32
        %jit3A_309 = arith.constant 64 : i32
        %eq3A = arith.constant 0 : i32
        %eq3A_310 = arith.cmpi eq, %jit3A_309, %eq3A : i32
        %jit3A_311 = arith.constant 1 : i32
        %select_n3A_312 = arith.select %eq3A_310, %jit3A_311, %jit3A_309 : i32
        %rem3A_313 = arith.remsi %scan3A_292, %select_n3A_312 : i32
        %ne3A_314 = arith.constant 0 : i32
        %ne3A_315 = arith.cmpi ne, %rem3A_313, %ne3A_314 : i32
        %lt3A_316 = arith.constant 0 : i32
        %lt3A_317 = arith.cmpi slt, %rem3A_313, %lt3A_316 : i32
        %lt3A_318 = arith.constant 0 : i32
        %lt3A_319 = arith.cmpi slt, %select_n3A_312, %lt3A_318 : i32
        %ne3A_320 = arith.xori %lt3A_317, %lt3A_319 : i1
        %and3A_321 = arith.andi %ne3A_320, %ne3A_315 : i1
        %add3A_322 = arith.addi %rem3A_313, %select_n3A_312 : i32
        %select_n3A_323 = arith.select %and3A_321, %add3A_322, %rem3A_313 : i32
        %mul3A_324 = arith.constant 16 : i32
        %mul3A_325 = arith.muli %select_n3A_323, %mul3A_324 : i32
        %get3A = arith.constant 0 : i32
        %get3A_326 = arith.constant 0 : i32
        %get3A_327 = tpu.memref_slice %arg6[%scan3A_264, %get3A, %get3A_326] : memref<4x16x1024xf32, #tpu.memory_space<vmem>> -> memref<1x16x1024xf32, #tpu.memory_space<vmem>>
        %get3A_328 = tpu.memref_squeeze %get3A_327 : memref<1x16x1024xf32, #tpu.memory_space<vmem>> -> memref<16x1024xf32, #tpu.memory_space<vmem>>
        %get3A_329 = arith.index_cast %select_n3A : i32 to index
        %get3A_330 = arith.index_cast %mul3A_325 : i32 to index
        %get3A_331 = tpu.vector_load %get3A_328[%get3A_329, %get3A_330] {strides = array<i32>} : memref<16x1024xf32, #tpu.memory_space<vmem>>, vector<1x16xf32>,
        %get3A_332 = vector.shape_cast %get3A_331 : vector<1x16xf32> to vector<16xf32>
        %mul3A_333 = arith.constant 3.200000e+01 : f32
        %mul3A_334 = vector.broadcast %mul3A_333 : f32 to vector<16xf32>
        %mul3A_335 = arith.mulf %get3A_332, %mul3A_334 : vector<16xf32>
        %swap3A = arith.constant 0 : i32
        %swap3A_336 = arith.constant 0 : i32
        %swap3A_337 = tpu.memref_slice %arg7[%scan3A_265, %swap3A, %swap3A_336] : memref<2x16x1024xf32, #tpu.memory_space<vmem>> -> memref<1x16x1024xf32, #tpu.memory_space<vmem>>
        %swap3A_338 = tpu.memref_squeeze %swap3A_337 : memref<1x16x1024xf32, #tpu.memory_space<vmem>> -> memref<16x1024xf32, #tpu.memory_space<vmem>>
        %swap3A_339 = arith.index_cast %select_n3A : i32 to index
        %swap3A_340 = arith.index_cast %mul3A_325 : i32 to index
        %swap3A_341 = tpu.vector_load %swap3A_338[%swap3A_339, %swap3A_340] {strides = array<i32>} : memref<16x1024xf32, #tpu.memory_space<vmem>>, vector<1x16xf32>,
        %swap3A_342 = vector.shape_cast %swap3A_341 : vector<1x16xf32> to vector<16xf32>
        %swap3A_343 = vector.shape_cast %mul3A_335 : vector<16xf32> to vector<1x16xf32>
        tpu.vector_store %swap3A_338[%swap3A_339, %swap3A_340], %swap3A_343 {strides = array<i32>} : memref<16x1024xf32, #tpu.memory_space<vmem>>, vector<1x16xf32>,
        %scan3A_344 = arith.constant 1 : i32
        %scan3A_345 = arith.addi %scan3A_292, %scan3A_344 : i32
        %jit3A_346 = arith.constant 64 : i32
        %div3A_347 = arith.divsi %scan3A_345, %jit3A_346 : i32
        %sign3A_348 = arith.constant 0 : i32
        %sign3A_349 = arith.cmpi sgt, %scan3A_345, %sign3A_348 : i32
        %sign3A_350 = arith.extui %sign3A_349 : i1 to i32
        %sign3A_351 = arith.constant 0 : i32
        %sign3A_352 = arith.cmpi slt, %scan3A_345, %sign3A_351 : i32
        %sign3A_353 = arith.extui %sign3A_352 : i1 to i32
        %sign3A_354 = arith.subi %sign3A_350, %sign3A_353 : i32
        %sign3A_355 = arith.constant 0 : i32
        %sign3A_356 = arith.cmpi sgt, %jit3A_346, %sign3A_355 : i32
        %sign3A_357 = arith.extui %sign3A_356 : i1 to i32
        %sign3A_358 = arith.constant 0 : i32
        %sign3A_359 = arith.cmpi slt, %jit3A_346, %sign3A_358 : i32
        %sign3A_360 = arith.extui %sign3A_359 : i1 to i32
        %sign3A_361 = arith.subi %sign3A_357, %sign3A_360 : i32
        %ne3A_362 = arith.cmpi ne, %sign3A_354, %sign3A_361 : i32
        %rem3A_363 = arith.remsi %scan3A_345, %jit3A_346 : i32
        %ne3A_364 = arith.constant 0 : i32
        %ne3A_365 = arith.cmpi ne, %rem3A_363, %ne3A_364 : i32
        %and3A_366 = arith.andi %ne3A_362, %ne3A_365 : i1
        %sub3A_367 = arith.constant 1 : i32
        %sub3A_368 = arith.subi %div3A_347, %sub3A_367 : i32
        %select_n3A_369 = arith.select %and3A_366, %sub3A_368, %div3A_347 : i32
        %jit3A_370 = arith.constant 64 : i32
        %eq3A_371 = arith.constant 0 : i32
        %eq3A_372 = arith.cmpi eq, %jit3A_370, %eq3A_371 : i32
        %jit3A_373 = arith.constant 1 : i32
        %select_n3A_374 = arith.select %eq3A_372, %jit3A_373, %jit3A_370 : i32
        %rem3A_375 = arith.remsi %scan3A_345, %select_n3A_374 : i32
        %ne3A_376 = arith.constant 0 : i32
        %ne3A_377 = arith.cmpi ne, %rem3A_375, %ne3A_376 : i32
        %lt3A_378 = arith.constant 0 : i32
        %lt3A_379 = arith.cmpi slt, %rem3A_375, %lt3A_378 : i32
        %lt3A_380 = arith.constant 0 : i32
        %lt3A_381 = arith.cmpi slt, %select_n3A_374, %lt3A_380 : i32
        %ne3A_382 = arith.xori %lt3A_379, %lt3A_381 : i1
        %and3A_383 = arith.andi %ne3A_382, %ne3A_377 : i1
        %add3A_384 = arith.addi %rem3A_375, %select_n3A_374 : i32
        %select_n3A_385 = arith.select %and3A_383, %add3A_384, %rem3A_375 : i32
        %mul3A_386 = arith.constant 16 : i32
        %mul3A_387 = arith.muli %select_n3A_385, %mul3A_386 : i32
        %get3A_388 = arith.constant 0 : i32
        %get3A_389 = arith.constant 0 : i32
        %get3A_390 = tpu.memref_slice %arg6[%scan3A_264, %get3A_388, %get3A_389] : memref<4x16x1024xf32, #tpu.memory_space<vmem>> -> memref<1x16x1024xf32, #tpu.memory_space<vmem>>
        %get3A_391 = tpu.memref_squeeze %get3A_390 : memref<1x16x1024xf32, #tpu.memory_space<vmem>> -> memref<16x1024xf32, #tpu.memory_space<vmem>>
        %get3A_392 = arith.index_cast %select_n3A_369 : i32 to index
        %get3A_393 = arith.index_cast %mul3A_387 : i32 to index
        %get3A_394 = tpu.vector_load %get3A_391[%get3A_392, %get3A_393] {strides = array<i32>} : memref<16x1024xf32, #tpu.memory_space<vmem>>, vector<1x16xf32>,
        %get3A_395 = vector.shape_cast %get3A_394 : vector<1x16xf32> to vector<16xf32>
        %mul3A_396 = arith.constant 3.200000e+01 : f32
        %mul3A_397 = vector.broadcast %mul3A_396 : f32 to vector<16xf32>
        %mul3A_398 = arith.mulf %get3A_395, %mul3A_397 : vector<16xf32>
        %swap3A_399 = arith.constant 0 : i32
        %swap3A_400 = arith.constant 0 : i32
        %swap3A_401 = tpu.memref_slice %arg7[%scan3A_265, %swap3A_399, %swap3A_400] : memref<2x16x1024xf32, #tpu.memory_space<vmem>> -> memref<1x16x1024xf32, #tpu.memory_space<vmem>>
        %swap3A_402 = tpu.memref_squeeze %swap3A_401 : memref<1x16x1024xf32, #tpu.memory_space<vmem>> -> memref<16x1024xf32, #tpu.memory_space<vmem>>
        %swap3A_403 = arith.index_cast %select_n3A_369 : i32 to index
        %swap3A_404 = arith.index_cast %mul3A_387 : i32 to index
        %swap3A_405 = tpu.vector_load %swap3A_402[%swap3A_403, %swap3A_404] {strides = array<i32>} : memref<16x1024xf32, #tpu.memory_space<vmem>>, vector<1x16xf32>,
        %swap3A_406 = vector.shape_cast %swap3A_405 : vector<1x16xf32> to vector<16xf32>
        %swap3A_407 = vector.shape_cast %mul3A_398 : vector<16xf32> to vector<1x16xf32>
        tpu.vector_store %swap3A_402[%swap3A_403, %swap3A_404], %swap3A_407 {strides = array<i32>} : memref<16x1024xf32, #tpu.memory_space<vmem>>, vector<1x16xf32>,
        %scan3A_408 = arith.constant 2 : i32
        %scan3A_409 = arith.addi %scan3A_292, %scan3A_408 : i32
        %jit3A_410 = arith.constant 64 : i32
        %div3A_411 = arith.divsi %scan3A_409, %jit3A_410 : i32
        %sign3A_412 = arith.constant 0 : i32
        %sign3A_413 = arith.cmpi sgt, %scan3A_409, %sign3A_412 : i32
        %sign3A_414 = arith.extui %sign3A_413 : i1 to i32
        %sign3A_415 = arith.constant 0 : i32
        %sign3A_416 = arith.cmpi slt, %scan3A_409, %sign3A_415 : i32
        %sign3A_417 = arith.extui %sign3A_416 : i1 to i32
        %sign3A_418 = arith.subi %sign3A_414, %sign3A_417 : i32
        %sign3A_419 = arith.constant 0 : i32
        %sign3A_420 = arith.cmpi sgt, %jit3A_410, %sign3A_419 : i32
        %sign3A_421 = arith.extui %sign3A_420 : i1 to i32
        %sign3A_422 = arith.constant 0 : i32
        %sign3A_423 = arith.cmpi slt, %jit3A_410, %sign3A_422 : i32
        %sign3A_424 = arith.extui %sign3A_423 : i1 to i32
        %sign3A_425 = arith.subi %sign3A_421, %sign3A_424 : i32
        %ne3A_426 = arith.cmpi ne, %sign3A_418, %sign3A_425 : i32
        %rem3A_427 = arith.remsi %scan3A_409, %jit3A_410 : i32
        %ne3A_428 = arith.constant 0 : i32
        %ne3A_429 = arith.cmpi ne, %rem3A_427, %ne3A_428 : i32
        %and3A_430 = arith.andi %ne3A_426, %ne3A_429 : i1
        %sub3A_431 = arith.constant 1 : i32
        %sub3A_432 = arith.subi %div3A_411, %sub3A_431 : i32
        %select_n3A_433 = arith.select %and3A_430, %sub3A_432, %div3A_411 : i32
        %jit3A_434 = arith.constant 64 : i32
        %eq3A_435 = arith.constant 0 : i32
        %eq3A_436 = arith.cmpi eq, %jit3A_434, %eq3A_435 : i32
        %jit3A_437 = arith.constant 1 : i32
        %select_n3A_438 = arith.select %eq3A_436, %jit3A_437, %jit3A_434 : i32
        %rem3A_439 = arith.remsi %scan3A_409, %select_n3A_438 : i32
        %ne3A_440 = arith.constant 0 : i32
        %ne3A_441 = arith.cmpi ne, %rem3A_439, %ne3A_440 : i32
        %lt3A_442 = arith.constant 0 : i32
        %lt3A_443 = arith.cmpi slt, %rem3A_439, %lt3A_442 : i32
        %lt3A_444 = arith.constant 0 : i32
        %lt3A_445 = arith.cmpi slt, %select_n3A_438, %lt3A_444 : i32
        %ne3A_446 = arith.xori %lt3A_443, %lt3A_445 : i1
        %and3A_447 = arith.andi %ne3A_446, %ne3A_441 : i1
        %add3A_448 = arith.addi %rem3A_439, %select_n3A_438 : i32
        %select_n3A_449 = arith.select %and3A_447, %add3A_448, %rem3A_439 : i32
        %mul3A_450 = arith.constant 16 : i32
        %mul3A_451 = arith.muli %select_n3A_449, %mul3A_450 : i32
        %get3A_452 = arith.constant 0 : i32
        %get3A_453 = arith.constant 0 : i32
        %get3A_454 = tpu.memref_slice %arg6[%scan3A_264, %get3A_452, %get3A_453] : memref<4x16x1024xf32, #tpu.memory_space<vmem>> -> memref<1x16x1024xf32, #tpu.memory_space<vmem>>
        %get3A_455 = tpu.memref_squeeze %get3A_454 : memref<1x16x1024xf32, #tpu.memory_space<vmem>> -> memref<16x1024xf32, #tpu.memory_space<vmem>>
        %get3A_456 = arith.index_cast %select_n3A_433 : i32 to index
        %get3A_457 = arith.index_cast %mul3A_451 : i32 to index
        %get3A_458 = tpu.vector_load %get3A_455[%get3A_456, %get3A_457] {strides = array<i32>} : memref<16x1024xf32, #tpu.memory_space<vmem>>, vector<1x16xf32>,
        %get3A_459 = vector.shape_cast %get3A_458 : vector<1x16xf32> to vector<16xf32>
        %mul3A_460 = arith.constant 3.200000e+01 : f32
        %mul3A_461 = vector.broadcast %mul3A_460 : f32 to vector<16xf32>
        %mul3A_462 = arith.mulf %get3A_459, %mul3A_461 : vector<16xf32>
        %swap3A_463 = arith.constant 0 : i32
        %swap3A_464 = arith.constant 0 : i32
        %swap3A_465 = tpu.memref_slice %arg7[%scan3A_265, %swap3A_463, %swap3A_464] : memref<2x16x1024xf32, #tpu.memory_space<vmem>> -> memref<1x16x1024xf32, #tpu.memory_space<vmem>>
        %swap3A_466 = tpu.memref_squeeze %swap3A_465 : memref<1x16x1024xf32, #tpu.memory_space<vmem>> -> memref<16x1024xf32, #tpu.memory_space<vmem>>
        %swap3A_467 = arith.index_cast %select_n3A_433 : i32 to index
        %swap3A_468 = arith.index_cast %mul3A_451 : i32 to index
        %swap3A_469 = tpu.vector_load %swap3A_466[%swap3A_467, %swap3A_468] {strides = array<i32>} : memref<16x1024xf32, #tpu.memory_space<vmem>>, vector<1x16xf32>,
        %swap3A_470 = vector.shape_cast %swap3A_469 : vector<1x16xf32> to vector<16xf32>
        %swap3A_471 = vector.shape_cast %mul3A_462 : vector<16xf32> to vector<1x16xf32>
        tpu.vector_store %swap3A_466[%swap3A_467, %swap3A_468], %swap3A_471 {strides = array<i32>} : memref<16x1024xf32, #tpu.memory_space<vmem>>, vector<1x16xf32>,
        %scan3A_472 = arith.constant 3 : i32
        %scan3A_473 = arith.addi %scan3A_292, %scan3A_472 : i32
        %jit3A_474 = arith.constant 64 : i32
        %div3A_475 = arith.divsi %scan3A_473, %jit3A_474 : i32
        %sign3A_476 = arith.constant 0 : i32
        %sign3A_477 = arith.cmpi sgt, %scan3A_473, %sign3A_476 : i32
        %sign3A_478 = arith.extui %sign3A_477 : i1 to i32
        %sign3A_479 = arith.constant 0 : i32
        %sign3A_480 = arith.cmpi slt, %scan3A_473, %sign3A_479 : i32
        %sign3A_481 = arith.extui %sign3A_480 : i1 to i32
        %sign3A_482 = arith.subi %sign3A_478, %sign3A_481 : i32
        %sign3A_483 = arith.constant 0 : i32
        %sign3A_484 = arith.cmpi sgt, %jit3A_474, %sign3A_483 : i32
        %sign3A_485 = arith.extui %sign3A_484 : i1 to i32
        %sign3A_486 = arith.constant 0 : i32
        %sign3A_487 = arith.cmpi slt, %jit3A_474, %sign3A_486 : i32
        %sign3A_488 = arith.extui %sign3A_487 : i1 to i32
        %sign3A_489 = arith.subi %sign3A_485, %sign3A_488 : i32
        %ne3A_490 = arith.cmpi ne, %sign3A_482, %sign3A_489 : i32
        %rem3A_491 = arith.remsi %scan3A_473, %jit3A_474 : i32
        %ne3A_492 = arith.constant 0 : i32
        %ne3A_493 = arith.cmpi ne, %rem3A_491, %ne3A_492 : i32
        %and3A_494 = arith.andi %ne3A_490, %ne3A_493 : i1
        %sub3A_495 = arith.constant 1 : i32
        %sub3A_496 = arith.subi %div3A_475, %sub3A_495 : i32
        %select_n3A_497 = arith.select %and3A_494, %sub3A_496, %div3A_475 : i32
        %jit3A_498 = arith.constant 64 : i32
        %eq3A_499 = arith.constant 0 : i32
        %eq3A_500 = arith.cmpi eq, %jit3A_498, %eq3A_499 : i32
        %jit3A_501 = arith.constant 1 : i32
        %select_n3A_502 = arith.select %eq3A_500, %jit3A_501, %jit3A_498 : i32
        %rem3A_503 = arith.remsi %scan3A_473, %select_n3A_502 : i32
        %ne3A_504 = arith.constant 0 : i32
        %ne3A_505 = arith.cmpi ne, %rem3A_503, %ne3A_504 : i32
        %lt3A_506 = arith.constant 0 : i32
        %lt3A_507 = arith.cmpi slt, %rem3A_503, %lt3A_506 : i32
        %lt3A_508 = arith.constant 0 : i32
        %lt3A_509 = arith.cmpi slt, %select_n3A_502, %lt3A_508 : i32
        %ne3A_510 = arith.xori %lt3A_507, %lt3A_509 : i1
        %and3A_511 = arith.andi %ne3A_510, %ne3A_505 : i1
        %add3A_512 = arith.addi %rem3A_503, %select_n3A_502 : i32
        %select_n3A_513 = arith.select %and3A_511, %add3A_512, %rem3A_503 : i32
        %mul3A_514 = arith.constant 16 : i32
        %mul3A_515 = arith.muli %select_n3A_513, %mul3A_514 : i32
        %get3A_516 = arith.constant 0 : i32
        %get3A_517 = arith.constant 0 : i32
        %get3A_518 = tpu.memref_slice %arg6[%scan3A_264, %get3A_516, %get3A_517] : memref<4x16x1024xf32, #tpu.memory_space<vmem>> -> memref<1x16x1024xf32, #tpu.memory_space<vmem>>
        %get3A_519 = tpu.memref_squeeze %get3A_518 : memref<1x16x1024xf32, #tpu.memory_space<vmem>> -> memref<16x1024xf32, #tpu.memory_space<vmem>>
        %get3A_520 = arith.index_cast %select_n3A_497 : i32 to index
        %get3A_521 = arith.index_cast %mul3A_515 : i32 to index
        %get3A_522 = tpu.vector_load %get3A_519[%get3A_520, %get3A_521] {strides = array<i32>} : memref<16x1024xf32, #tpu.memory_space<vmem>>, vector<1x16xf32>,
        %get3A_523 = vector.shape_cast %get3A_522 : vector<1x16xf32> to vector<16xf32>
        %mul3A_524 = arith.constant 3.200000e+01 : f32
        %mul3A_525 = vector.broadcast %mul3A_524 : f32 to vector<16xf32>
        %mul3A_526 = arith.mulf %get3A_523, %mul3A_525 : vector<16xf32>
        %swap3A_527 = arith.constant 0 : i32
        %swap3A_528 = arith.constant 0 : i32
        %swap3A_529 = tpu.memref_slice %arg7[%scan3A_265, %swap3A_527, %swap3A_528] : memref<2x16x1024xf32, #tpu.memory_space<vmem>> -> memref<1x16x1024xf32, #tpu.memory_space<vmem>>
        %swap3A_530 = tpu.memref_squeeze %swap3A_529 : memref<1x16x1024xf32, #tpu.memory_space<vmem>> -> memref<16x1024xf32, #tpu.memory_space<vmem>>
        %swap3A_531 = arith.index_cast %select_n3A_497 : i32 to index
        %swap3A_532 = arith.index_cast %mul3A_515 : i32 to index
        %swap3A_533 = tpu.vector_load %swap3A_530[%swap3A_531, %swap3A_532] {strides = array<i32>} : memref<16x1024xf32, #tpu.memory_space<vmem>>, vector<1x16xf32>,
        %swap3A_534 = vector.shape_cast %swap3A_533 : vector<1x16xf32> to vector<16xf32>
        %swap3A_535 = vector.shape_cast %mul3A_526 : vector<16xf32> to vector<1x16xf32>
        tpu.vector_store %swap3A_530[%swap3A_531, %swap3A_532], %swap3A_535 {strides = array<i32>} : memref<16x1024xf32, #tpu.memory_space<vmem>>, vector<1x16xf32>,
        %scan3A_536 = arith.constant 4 : i32
        %scan3A_537 = arith.addi %scan3A_292, %scan3A_536 : i32
        %jit3A_538 = arith.constant 64 : i32
        %div3A_539 = arith.divsi %scan3A_537, %jit3A_538 : i32
        %sign3A_540 = arith.constant 0 : i32
        %sign3A_541 = arith.cmpi sgt, %scan3A_537, %sign3A_540 : i32
        %sign3A_542 = arith.extui %sign3A_541 : i1 to i32
        %sign3A_543 = arith.constant 0 : i32
        %sign3A_544 = arith.cmpi slt, %scan3A_537, %sign3A_543 : i32
        %sign3A_545 = arith.extui %sign3A_544 : i1 to i32
        %sign3A_546 = arith.subi %sign3A_542, %sign3A_545 : i32
        %sign3A_547 = arith.constant 0 : i32
        %sign3A_548 = arith.cmpi sgt, %jit3A_538, %sign3A_547 : i32
        %sign3A_549 = arith.extui %sign3A_548 : i1 to i32
        %sign3A_550 = arith.constant 0 : i32
        %sign3A_551 = arith.cmpi slt, %jit3A_538, %sign3A_550 : i32
        %sign3A_552 = arith.extui %sign3A_551 : i1 to i32
        %sign3A_553 = arith.subi %sign3A_549, %sign3A_552 : i32
        %ne3A_554 = arith.cmpi ne, %sign3A_546, %sign3A_553 : i32
        %rem3A_555 = arith.remsi %scan3A_537, %jit3A_538 : i32
        %ne3A_556 = arith.constant 0 : i32
        %ne3A_557 = arith.cmpi ne, %rem3A_555, %ne3A_556 : i32
        %and3A_558 = arith.andi %ne3A_554, %ne3A_557 : i1
        %sub3A_559 = arith.constant 1 : i32
        %sub3A_560 = arith.subi %div3A_539, %sub3A_559 : i32
        %select_n3A_561 = arith.select %and3A_558, %sub3A_560, %div3A_539 : i32
        %jit3A_562 = arith.constant 64 : i32
        %eq3A_563 = arith.constant 0 : i32
        %eq3A_564 = arith.cmpi eq, %jit3A_562, %eq3A_563 : i32
        %jit3A_565 = arith.constant 1 : i32
        %select_n3A_566 = arith.select %eq3A_564, %jit3A_565, %jit3A_562 : i32
        %rem3A_567 = arith.remsi %scan3A_537, %select_n3A_566 : i32
        %ne3A_568 = arith.constant 0 : i32
        %ne3A_569 = arith.cmpi ne, %rem3A_567, %ne3A_568 : i32
        %lt3A_570 = arith.constant 0 : i32
        %lt3A_571 = arith.cmpi slt, %rem3A_567, %lt3A_570 : i32
        %lt3A_572 = arith.constant 0 : i32
        %lt3A_573 = arith.cmpi slt, %select_n3A_566, %lt3A_572 : i32
        %ne3A_574 = arith.xori %lt3A_571, %lt3A_573 : i1
        %and3A_575 = arith.andi %ne3A_574, %ne3A_569 : i1
        %add3A_576 = arith.addi %rem3A_567, %select_n3A_566 : i32
        %select_n3A_577 = arith.select %and3A_575, %add3A_576, %rem3A_567 : i32
        %mul3A_578 = arith.constant 16 : i32
        %mul3A_579 = arith.muli %select_n3A_577, %mul3A_578 : i32
        %get3A_580 = arith.constant 0 : i32
        %get3A_581 = arith.constant 0 : i32
        %get3A_582 = tpu.memref_slice %arg6[%scan3A_264, %get3A_580, %get3A_581] : memref<4x16x1024xf32, #tpu.memory_space<vmem>> -> memref<1x16x1024xf32, #tpu.memory_space<vmem>>
        %get3A_583 = tpu.memref_squeeze %get3A_582 : memref<1x16x1024xf32, #tpu.memory_space<vmem>> -> memref<16x1024xf32, #tpu.memory_space<vmem>>
        %get3A_584 = arith.index_cast %select_n3A_561 : i32 to index
        %get3A_585 = arith.index_cast %mul3A_579 : i32 to index
        %get3A_586 = tpu.vector_load %get3A_583[%get3A_584, %get3A_585] {strides = array<i32>} : memref<16x1024xf32, #tpu.memory_space<vmem>>, vector<1x16xf32>,
        %get3A_587 = vector.shape_cast %get3A_586 : vector<1x16xf32> to vector<16xf32>
        %mul3A_588 = arith.constant 3.200000e+01 : f32
        %mul3A_589 = vector.broadcast %mul3A_588 : f32 to vector<16xf32>
        %mul3A_590 = arith.mulf %get3A_587, %mul3A_589 : vector<16xf32>
        %swap3A_591 = arith.constant 0 : i32
        %swap3A_592 = arith.constant 0 : i32
        %swap3A_593 = tpu.memref_slice %arg7[%scan3A_265, %swap3A_591, %swap3A_592] : memref<2x16x1024xf32, #tpu.memory_space<vmem>> -> memref<1x16x1024xf32, #tpu.memory_space<vmem>>
        %swap3A_594 = tpu.memref_squeeze %swap3A_593 : memref<1x16x1024xf32, #tpu.memory_space<vmem>> -> memref<16x1024xf32, #tpu.memory_space<vmem>>
        %swap3A_595 = arith.index_cast %select_n3A_561 : i32 to index
        %swap3A_596 = arith.index_cast %mul3A_579 : i32 to index
        %swap3A_597 = tpu.vector_load %swap3A_594[%swap3A_595, %swap3A_596] {strides = array<i32>} : memref<16x1024xf32, #tpu.memory_space<vmem>>, vector<1x16xf32>,
        %swap3A_598 = vector.shape_cast %swap3A_597 : vector<1x16xf32> to vector<16xf32>
        %swap3A_599 = vector.shape_cast %mul3A_590 : vector<16xf32> to vector<1x16xf32>
        tpu.vector_store %swap3A_594[%swap3A_595, %swap3A_596], %swap3A_599 {strides = array<i32>} : memref<16x1024xf32, #tpu.memory_space<vmem>>, vector<1x16xf32>,
        %scan3A_600 = arith.constant 5 : i32
        %scan3A_601 = arith.addi %scan3A_292, %scan3A_600 : i32
        %jit3A_602 = arith.constant 64 : i32
        %div3A_603 = arith.divsi %scan3A_601, %jit3A_602 : i32
        %sign3A_604 = arith.constant 0 : i32
        %sign3A_605 = arith.cmpi sgt, %scan3A_601, %sign3A_604 : i32
        %sign3A_606 = arith.extui %sign3A_605 : i1 to i32
        %sign3A_607 = arith.constant 0 : i32
        %sign3A_608 = arith.cmpi slt, %scan3A_601, %sign3A_607 : i32
        %sign3A_609 = arith.extui %sign3A_608 : i1 to i32
        %sign3A_610 = arith.subi %sign3A_606, %sign3A_609 : i32
        %sign3A_611 = arith.constant 0 : i32
        %sign3A_612 = arith.cmpi sgt, %jit3A_602, %sign3A_611 : i32
        %sign3A_613 = arith.extui %sign3A_612 : i1 to i32
        %sign3A_614 = arith.constant 0 : i32
        %sign3A_615 = arith.cmpi slt, %jit3A_602, %sign3A_614 : i32
        %sign3A_616 = arith.extui %sign3A_615 : i1 to i32
        %sign3A_617 = arith.subi %sign3A_613, %sign3A_616 : i32
        %ne3A_618 = arith.cmpi ne, %sign3A_610, %sign3A_617 : i32
        %rem3A_619 = arith.remsi %scan3A_601, %jit3A_602 : i32
        %ne3A_620 = arith.constant 0 : i32
        %ne3A_621 = arith.cmpi ne, %rem3A_619, %ne3A_620 : i32
        %and3A_622 = arith.andi %ne3A_618, %ne3A_621 : i1
        %sub3A_623 = arith.constant 1 : i32
        %sub3A_624 = arith.subi %div3A_603, %sub3A_623 : i32
        %select_n3A_625 = arith.select %and3A_622, %sub3A_624, %div3A_603 : i32
        %jit3A_626 = arith.constant 64 : i32
        %eq3A_627 = arith.constant 0 : i32
        %eq3A_628 = arith.cmpi eq, %jit3A_626, %eq3A_627 : i32
        %jit3A_629 = arith.constant 1 : i32
        %select_n3A_630 = arith.select %eq3A_628, %jit3A_629, %jit3A_626 : i32
        %rem3A_631 = arith.remsi %scan3A_601, %select_n3A_630 : i32
        %ne3A_632 = arith.constant 0 : i32
        %ne3A_633 = arith.cmpi ne, %rem3A_631, %ne3A_632 : i32
        %lt3A_634 = arith.constant 0 : i32
        %lt3A_635 = arith.cmpi slt, %rem3A_631, %lt3A_634 : i32
        %lt3A_636 = arith.constant 0 : i32
        %lt3A_637 = arith.cmpi slt, %select_n3A_630, %lt3A_636 : i32
        %ne3A_638 = arith.xori %lt3A_635, %lt3A_637 : i1
        %and3A_639 = arith.andi %ne3A_638, %ne3A_633 : i1
        %add3A_640 = arith.addi %rem3A_631, %select_n3A_630 : i32
        %select_n3A_641 = arith.select %and3A_639, %add3A_640, %rem3A_631 : i32
        %mul3A_642 = arith.constant 16 : i32
        %mul3A_643 = arith.muli %select_n3A_641, %mul3A_642 : i32
        %get3A_644 = arith.constant 0 : i32
        %get3A_645 = arith.constant 0 : i32
        %get3A_646 = tpu.memref_slice %arg6[%scan3A_264, %get3A_644, %get3A_645] : memref<4x16x1024xf32, #tpu.memory_space<vmem>> -> memref<1x16x1024xf32, #tpu.memory_space<vmem>>
        %get3A_647 = tpu.memref_squeeze %get3A_646 : memref<1x16x1024xf32, #tpu.memory_space<vmem>> -> memref<16x1024xf32, #tpu.memory_space<vmem>>
        %get3A_648 = arith.index_cast %select_n3A_625 : i32 to index
        %get3A_649 = arith.index_cast %mul3A_643 : i32 to index
        %get3A_650 = tpu.vector_load %get3A_647[%get3A_648, %get3A_649] {strides = array<i32>} : memref<16x1024xf32, #tpu.memory_space<vmem>>, vector<1x16xf32>,
        %get3A_651 = vector.shape_cast %get3A_650 : vector<1x16xf32> to vector<16xf32>
        %mul3A_652 = arith.constant 3.200000e+01 : f32
        %mul3A_653 = vector.broadcast %mul3A_652 : f32 to vector<16xf32>
        %mul3A_654 = arith.mulf %get3A_651, %mul3A_653 : vector<16xf32>
        %swap3A_655 = arith.constant 0 : i32
        %swap3A_656 = arith.constant 0 : i32
        %swap3A_657 = tpu.memref_slice %arg7[%scan3A_265, %swap3A_655, %swap3A_656] : memref<2x16x1024xf32, #tpu.memory_space<vmem>> -> memref<1x16x1024xf32, #tpu.memory_space<vmem>>
        %swap3A_658 = tpu.memref_squeeze %swap3A_657 : memref<1x16x1024xf32, #tpu.memory_space<vmem>> -> memref<16x1024xf32, #tpu.memory_space<vmem>>
        %swap3A_659 = arith.index_cast %select_n3A_625 : i32 to index
        %swap3A_660 = arith.index_cast %mul3A_643 : i32 to index
        %swap3A_661 = tpu.vector_load %swap3A_658[%swap3A_659, %swap3A_660] {strides = array<i32>} : memref<16x1024xf32, #tpu.memory_space<vmem>>, vector<1x16xf32>,
        %swap3A_662 = vector.shape_cast %swap3A_661 : vector<1x16xf32> to vector<16xf32>
        %swap3A_663 = vector.shape_cast %mul3A_654 : vector<16xf32> to vector<1x16xf32>
        tpu.vector_store %swap3A_658[%swap3A_659, %swap3A_660], %swap3A_663 {strides = array<i32>} : memref<16x1024xf32, #tpu.memory_space<vmem>>, vector<1x16xf32>,
        %scan3A_664 = arith.constant 6 : i32
        %scan3A_665 = arith.addi %scan3A_292, %scan3A_664 : i32
        %jit3A_666 = arith.constant 64 : i32
        %div3A_667 = arith.divsi %scan3A_665, %jit3A_666 : i32
        %sign3A_668 = arith.constant 0 : i32
        %sign3A_669 = arith.cmpi sgt, %scan3A_665, %sign3A_668 : i32
        %sign3A_670 = arith.extui %sign3A_669 : i1 to i32
        %sign3A_671 = arith.constant 0 : i32
        %sign3A_672 = arith.cmpi slt, %scan3A_665, %sign3A_671 : i32
        %sign3A_673 = arith.extui %sign3A_672 : i1 to i32
        %sign3A_674 = arith.subi %sign3A_670, %sign3A_673 : i32
        %sign3A_675 = arith.constant 0 : i32
        %sign3A_676 = arith.cmpi sgt, %jit3A_666, %sign3A_675 : i32
        %sign3A_677 = arith.extui %sign3A_676 : i1 to i32
        %sign3A_678 = arith.constant 0 : i32
        %sign3A_679 = arith.cmpi slt, %jit3A_666, %sign3A_678 : i32
        %sign3A_680 = arith.extui %sign3A_679 : i1 to i32
        %sign3A_681 = arith.subi %sign3A_677, %sign3A_680 : i32
        %ne3A_682 = arith.cmpi ne, %sign3A_674, %sign3A_681 : i32
        %rem3A_683 = arith.remsi %scan3A_665, %jit3A_666 : i32
        %ne3A_684 = arith.constant 0 : i32
        %ne3A_685 = arith.cmpi ne, %rem3A_683, %ne3A_684 : i32
        %and3A_686 = arith.andi %ne3A_682, %ne3A_685 : i1
        %sub3A_687 = arith.constant 1 : i32
        %sub3A_688 = arith.subi %div3A_667, %sub3A_687 : i32
        %select_n3A_689 = arith.select %and3A_686, %sub3A_688, %div3A_667 : i32
        %jit3A_690 = arith.constant 64 : i32
        %eq3A_691 = arith.constant 0 : i32
        %eq3A_692 = arith.cmpi eq, %jit3A_690, %eq3A_691 : i32
        %jit3A_693 = arith.constant 1 : i32
        %select_n3A_694 = arith.select %eq3A_692, %jit3A_693, %jit3A_690 : i32
        %rem3A_695 = arith.remsi %scan3A_665, %select_n3A_694 : i32
        %ne3A_696 = arith.constant 0 : i32
        %ne3A_697 = arith.cmpi ne, %rem3A_695, %ne3A_696 : i32
        %lt3A_698 = arith.constant 0 : i32
        %lt3A_699 = arith.cmpi slt, %rem3A_695, %lt3A_698 : i32
        %lt3A_700 = arith.constant 0 : i32
        %lt3A_701 = arith.cmpi slt, %select_n3A_694, %lt3A_700 : i32
        %ne3A_702 = arith.xori %lt3A_699, %lt3A_701 : i1
        %and3A_703 = arith.andi %ne3A_702, %ne3A_697 : i1
        %add3A_704 = arith.addi %rem3A_695, %select_n3A_694 : i32
        %select_n3A_705 = arith.select %and3A_703, %add3A_704, %rem3A_695 : i32
        %mul3A_706 = arith.constant 16 : i32
        %mul3A_707 = arith.muli %select_n3A_705, %mul3A_706 : i32
        %get3A_708 = arith.constant 0 : i32
        %get3A_709 = arith.constant 0 : i32
        %get3A_710 = tpu.memref_slice %arg6[%scan3A_264, %get3A_708, %get3A_709] : memref<4x16x1024xf32, #tpu.memory_space<vmem>> -> memref<1x16x1024xf32, #tpu.memory_space<vmem>>
        %get3A_711 = tpu.memref_squeeze %get3A_710 : memref<1x16x1024xf32, #tpu.memory_space<vmem>> -> memref<16x1024xf32, #tpu.memory_space<vmem>>
        %get3A_712 = arith.index_cast %select_n3A_689 : i32 to index
        %get3A_713 = arith.index_cast %mul3A_707 : i32 to index
        %get3A_714 = tpu.vector_load %get3A_711[%get3A_712, %get3A_713] {strides = array<i32>} : memref<16x1024xf32, #tpu.memory_space<vmem>>, vector<1x16xf32>,
        %get3A_715 = vector.shape_cast %get3A_714 : vector<1x16xf32> to vector<16xf32>
        %mul3A_716 = arith.constant 3.200000e+01 : f32
        %mul3A_717 = vector.broadcast %mul3A_716 : f32 to vector<16xf32>
        %mul3A_718 = arith.mulf %get3A_715, %mul3A_717 : vector<16xf32>
        %swap3A_719 = arith.constant 0 : i32
        %swap3A_720 = arith.constant 0 : i32
        %swap3A_721 = tpu.memref_slice %arg7[%scan3A_265, %swap3A_719, %swap3A_720] : memref<2x16x1024xf32, #tpu.memory_space<vmem>> -> memref<1x16x1024xf32, #tpu.memory_space<vmem>>
        %swap3A_722 = tpu.memref_squeeze %swap3A_721 : memref<1x16x1024xf32, #tpu.memory_space<vmem>> -> memref<16x1024xf32, #tpu.memory_space<vmem>>
        %swap3A_723 = arith.index_cast %select_n3A_689 : i32 to index
        %swap3A_724 = arith.index_cast %mul3A_707 : i32 to index
        %swap3A_725 = tpu.vector_load %swap3A_722[%swap3A_723, %swap3A_724] {strides = array<i32>} : memref<16x1024xf32, #tpu.memory_space<vmem>>, vector<1x16xf32>,
        %swap3A_726 = vector.shape_cast %swap3A_725 : vector<1x16xf32> to vector<16xf32>
        %swap3A_727 = vector.shape_cast %mul3A_718 : vector<16xf32> to vector<1x16xf32>
        tpu.vector_store %swap3A_722[%swap3A_723, %swap3A_724], %swap3A_727 {strides = array<i32>} : memref<16x1024xf32, #tpu.memory_space<vmem>>, vector<1x16xf32>,
        %scan3A_728 = arith.constant 7 : i32
        %scan3A_729 = arith.addi %scan3A_292, %scan3A_728 : i32
        %jit3A_730 = arith.constant 64 : i32
        %div3A_731 = arith.divsi %scan3A_729, %jit3A_730 : i32
        %sign3A_732 = arith.constant 0 : i32
        %sign3A_733 = arith.cmpi sgt, %scan3A_729, %sign3A_732 : i32
        %sign3A_734 = arith.extui %sign3A_733 : i1 to i32
        %sign3A_735 = arith.constant 0 : i32
        %sign3A_736 = arith.cmpi slt, %scan3A_729, %sign3A_735 : i32
        %sign3A_737 = arith.extui %sign3A_736 : i1 to i32
        %sign3A_738 = arith.subi %sign3A_734, %sign3A_737 : i32
        %sign3A_739 = arith.constant 0 : i32
        %sign3A_740 = arith.cmpi sgt, %jit3A_730, %sign3A_739 : i32
        %sign3A_741 = arith.extui %sign3A_740 : i1 to i32
        %sign3A_742 = arith.constant 0 : i32
        %sign3A_743 = arith.cmpi slt, %jit3A_730, %sign3A_742 : i32
        %sign3A_744 = arith.extui %sign3A_743 : i1 to i32
        %sign3A_745 = arith.subi %sign3A_741, %sign3A_744 : i32
        %ne3A_746 = arith.cmpi ne, %sign3A_738, %sign3A_745 : i32
        %rem3A_747 = arith.remsi %scan3A_729, %jit3A_730 : i32
        %ne3A_748 = arith.constant 0 : i32
        %ne3A_749 = arith.cmpi ne, %rem3A_747, %ne3A_748 : i32
        %and3A_750 = arith.andi %ne3A_746, %ne3A_749 : i1
        %sub3A_751 = arith.constant 1 : i32
        %sub3A_752 = arith.subi %div3A_731, %sub3A_751 : i32
        %select_n3A_753 = arith.select %and3A_750, %sub3A_752, %div3A_731 : i32
        %jit3A_754 = arith.constant 64 : i32
        %eq3A_755 = arith.constant 0 : i32
        %eq3A_756 = arith.cmpi eq, %jit3A_754, %eq3A_755 : i32
        %jit3A_757 = arith.constant 1 : i32
        %select_n3A_758 = arith.select %eq3A_756, %jit3A_757, %jit3A_754 : i32
        %rem3A_759 = arith.remsi %scan3A_729, %select_n3A_758 : i32
        %ne3A_760 = arith.constant 0 : i32
        %ne3A_761 = arith.cmpi ne, %rem3A_759, %ne3A_760 : i32
        %lt3A_762 = arith.constant 0 : i32
        %lt3A_763 = arith.cmpi slt, %rem3A_759, %lt3A_762 : i32
        %lt3A_764 = arith.constant 0 : i32
        %lt3A_765 = arith.cmpi slt, %select_n3A_758, %lt3A_764 : i32
        %ne3A_766 = arith.xori %lt3A_763, %lt3A_765 : i1
        %and3A_767 = arith.andi %ne3A_766, %ne3A_761 : i1
        %add3A_768 = arith.addi %rem3A_759, %select_n3A_758 : i32
        %select_n3A_769 = arith.select %and3A_767, %add3A_768, %rem3A_759 : i32
        %mul3A_770 = arith.constant 16 : i32
        %mul3A_771 = arith.muli %select_n3A_769, %mul3A_770 : i32
        %get3A_772 = arith.constant 0 : i32
        %get3A_773 = arith.constant 0 : i32
        %get3A_774 = tpu.memref_slice %arg6[%scan3A_264, %get3A_772, %get3A_773] : memref<4x16x1024xf32, #tpu.memory_space<vmem>> -> memref<1x16x1024xf32, #tpu.memory_space<vmem>>
        %get3A_775 = tpu.memref_squeeze %get3A_774 : memref<1x16x1024xf32, #tpu.memory_space<vmem>> -> memref<16x1024xf32, #tpu.memory_space<vmem>>
        %get3A_776 = arith.index_cast %select_n3A_753 : i32 to index
        %get3A_777 = arith.index_cast %mul3A_771 : i32 to index
        %get3A_778 = tpu.vector_load %get3A_775[%get3A_776, %get3A_777] {strides = array<i32>} : memref<16x1024xf32, #tpu.memory_space<vmem>>, vector<1x16xf32>,
        %get3A_779 = vector.shape_cast %get3A_778 : vector<1x16xf32> to vector<16xf32>
        %mul3A_780 = arith.constant 3.200000e+01 : f32
        %mul3A_781 = vector.broadcast %mul3A_780 : f32 to vector<16xf32>
        %mul3A_782 = arith.mulf %get3A_779, %mul3A_781 : vector<16xf32>
        %swap3A_783 = arith.constant 0 : i32
        %swap3A_784 = arith.constant 0 : i32
        %swap3A_785 = tpu.memref_slice %arg7[%scan3A_265, %swap3A_783, %swap3A_784] : memref<2x16x1024xf32, #tpu.memory_space<vmem>> -> memref<1x16x1024xf32, #tpu.memory_space<vmem>>
        %swap3A_786 = tpu.memref_squeeze %swap3A_785 : memref<1x16x1024xf32, #tpu.memory_space<vmem>> -> memref<16x1024xf32, #tpu.memory_space<vmem>>
        %swap3A_787 = arith.index_cast %select_n3A_753 : i32 to index
        %swap3A_788 = arith.index_cast %mul3A_771 : i32 to index
        %swap3A_789 = tpu.vector_load %swap3A_786[%swap3A_787, %swap3A_788] {strides = array<i32>} : memref<16x1024xf32, #tpu.memory_space<vmem>>, vector<1x16xf32>,
        %swap3A_790 = vector.shape_cast %swap3A_789 : vector<1x16xf32> to vector<16xf32>
        %swap3A_791 = vector.shape_cast %mul3A_782 : vector<16xf32> to vector<1x16xf32>
        tpu.vector_store %swap3A_786[%swap3A_787, %swap3A_788], %swap3A_791 {strides = array<i32>} : memref<16x1024xf32, #tpu.memory_space<vmem>>, vector<1x16xf32>,
      }
      %scan3A_270 = arith.constant 1024 : i32
      %lt3A_271 = arith.constant 7 : i32
      %lt3A_272 = arith.cmpi slt, %scan3A_76, %lt3A_271 : i32
      %convert_element_type3A_273 = arith.extui %lt3A_272 : i1 to i32
      %cond3A_274 = arith.constant 0 : i32
      %cond3A_275 = arith.cmpi ne, %convert_element_type3A_273, %cond3A_274 : i32
      scf.if %cond3A_275 {
        %add3A_292 = arith.constant 4 : i32
        %add3A_293 = arith.addi %add3A_240, %add3A_292 : i32
        %mul3A_294 = arith.constant 16 : i32
        %mul3A_295 = arith.muli %add3A_293, %mul3A_294 : i32
        %dma_start3A_296 = arith.constant 3 : i32
        %dma_start3A_297 = arith.constant 0 : i32
        %dma_start3A_298 = arith.constant 0 : i32
        %dma_start3A_299 = tpu.memref_slice %arg6[%dma_start3A_296, %dma_start3A_297, %dma_start3A_298] : memref<4x16x1024xf32, #tpu.memory_space<vmem>> -> memref<1x16x1024xf32, #tpu.memory_space<vmem>>
        %dma_start3A_300 = tpu.memref_squeeze %dma_start3A_299 : memref<1x16x1024xf32, #tpu.memory_space<vmem>> -> memref<16x1024xf32, #tpu.memory_space<vmem>>
        %dma_start3A_301 = tpu.memref_slice %arg5[%mul3A_295] : memref<512xi32, #tpu.memory_space<vmem>> -> memref<16xi32, #tpu.memory_space<vmem>>
        %dma_start3A_302 = arith.constant 0 : i32
        %dma_start3A_303 = arith.constant 0 : i32
        %dma_start3A_304 = tpu.memref_slice %arg3[%dma_start3A_302, %dma_start3A_303] : memref<100000x1024xf32, #tpu.memory_space<hbm>> -> memref<100000x1024xf32, #tpu.memory_space<hbm>>
        tpu.enqueue_indirect_dma source(%dma_start3A_304 : memref<100000x1024xf32, #tpu.memory_space<hbm>>) target(%dma_start3A_300 : memref<16x1024xf32, #tpu.memory_space<vmem>>) offsets(%dma_start3A_301 : memref<16xi32, #tpu.memory_space<vmem>>) semaphore(%arg11 : memref<!tpu.dma_semaphore, #tpu.memory_space<semaphore_mem>>)
      } else {
      }
      %mul3A_276 = arith.constant 16 : i32
      %mul3A_277 = arith.muli %add3A_240, %mul3A_276 : i32
      %add3A_278 = arith.addi %mul3A_2, %mul3A_277 : i32
      %dma_start3A_279 = arith.constant 1 : i32
      %dma_start3A_280 = arith.constant 0 : i32
      %dma_start3A_281 = arith.constant 0 : i32
      %dma_start3A_282 = tpu.memref_slice %arg7[%dma_start3A_279, %dma_start3A_280, %dma_start3A_281] : memref<2x16x1024xf32, #tpu.memory_space<vmem>> -> memref<1x16x1024xf32, #tpu.memory_space<vmem>>
      %dma_start3A_283 = tpu.memref_squeeze %dma_start3A_282 : memref<1x16x1024xf32, #tpu.memory_space<vmem>> -> memref<16x1024xf32, #tpu.memory_space<vmem>>
      %dma_start3A_284 = arith.constant 0 : i32
      %dma_start3A_285 = tpu.memref_slice %arg4[%add3A_278, %dma_start3A_284] : memref<16384x1024xf32, #tpu.memory_space<hbm>> -> memref<16x1024xf32, #tpu.memory_space<hbm>>
      %dma_start3A_286 = arith.constant 0 : i32
      %dma_start3A_287 = tpu.memref_slice %arg4[%add3A_278, %dma_start3A_286] : memref<16384x1024xf32, #tpu.memory_space<hbm>> -> memref<16x1024xf32, #tpu.memory_space<hbm>>
      %dma_start3A_288 = arith.constant 0 : i32
      %dma_start3A_289 = arith.constant 0 : i32
      %dma_start3A_290 = tpu.memref_slice %arg7[%dma_start3A_279, %dma_start3A_288, %dma_start3A_289] : memref<2x16x1024xf32, #tpu.memory_space<vmem>> -> memref<1x16x1024xf32, #tpu.memory_space<vmem>>
      %dma_start3A_291 = tpu.memref_squeeze %dma_start3A_290 : memref<1x16x1024xf32, #tpu.memory_space<vmem>> -> memref<16x1024xf32, #tpu.memory_space<vmem>>
      tpu.enqueue_dma source(%dma_start3A_291 : memref<16x1024xf32, #tpu.memory_space<vmem>>) target(%dma_start3A_287 : memref<16x1024xf32, #tpu.memory_space<hbm>>) target_semaphore(%arg13 : memref<!tpu.dma_semaphore, #tpu.memory_space<semaphore_mem>>)
    }
    %scan3A_46 = arith.constant 8 : i32
    %dma_wait3A = arith.constant 0 : i32
    %dma_wait3A_47 = arith.constant 0 : i32
    %dma_wait3A_48 = arith.constant 0 : i32
    %dma_wait3A_49 = tpu.memref_slice %arg7[%dma_wait3A, %dma_wait3A_47, %dma_wait3A_48] : memref<2x16x1024xf32, #tpu.memory_space<vmem>> -> memref<1x16x1024xf32, #tpu.memory_space<vmem>>
    %dma_wait3A_50 = tpu.memref_squeeze %dma_wait3A_49 : memref<1x16x1024xf32, #tpu.memory_space<vmem>> -> memref<16x1024xf32, #tpu.memory_space<vmem>>
    %dma_wait3A_51 = arith.constant 0 : i32
    %dma_wait3A_52 = arith.constant 0 : i32
    %dma_wait3A_53 = tpu.memref_slice %arg4[%dma_wait3A_51, %dma_wait3A_52] : memref<16384x1024xf32, #tpu.memory_space<hbm>> -> memref<16x1024xf32, #tpu.memory_space<hbm>>
    %dma_wait3A_54 = arith.constant 0 : i32
    %dma_wait3A_55 = arith.constant 0 : i32
    %dma_wait3A_56 = tpu.memref_slice %arg4[%dma_wait3A_54, %dma_wait3A_55] : memref<16384x1024xf32, #tpu.memory_space<hbm>> -> memref<16x1024xf32, #tpu.memory_space<hbm>>
    %dma_wait3A_57 = arith.constant 0 : i32
    %dma_wait3A_58 = arith.constant 0 : i32
    %dma_wait3A_59 = tpu.memref_slice %arg7[%dma_wait3A, %dma_wait3A_57, %dma_wait3A_58] : memref<2x16x1024xf32, #tpu.memory_space<vmem>> -> memref<1x16x1024xf32, #tpu.memory_space<vmem>>
    %dma_wait3A_60 = tpu.memref_squeeze %dma_wait3A_59 : memref<1x16x1024xf32, #tpu.memory_space<vmem>> -> memref<16x1024xf32, #tpu.memory_space<vmem>>
    tpu.wait_dma2 semaphore(%arg12 : memref<!tpu.dma_semaphore, #tpu.memory_space<semaphore_mem>>) src(%dma_wait3A_60 : memref<16x1024xf32, #tpu.memory_space<vmem>>) dst(%dma_wait3A_56 : memref<16x1024xf32, #tpu.memory_space<hbm>>)
    %dma_wait3A_61 = arith.constant 1 : i32
    %dma_wait3A_62 = arith.constant 0 : i32
    %dma_wait3A_63 = arith.constant 0 : i32
    %dma_wait3A_64 = tpu.memref_slice %arg7[%dma_wait3A_61, %dma_wait3A_62, %dma_wait3A_63] : memref<2x16x1024xf32, #tpu.memory_space<vmem>> -> memref<1x16x1024xf32, #tpu.memory_space<vmem>>
    %dma_wait3A_65 = tpu.memref_squeeze %dma_wait3A_64 : memref<1x16x1024xf32, #tpu.memory_space<vmem>> -> memref<16x1024xf32, #tpu.memory_space<vmem>>
    %dma_wait3A_66 = arith.constant 0 : i32
    %dma_wait3A_67 = arith.constant 0 : i32
    %dma_wait3A_68 = tpu.memref_slice %arg4[%dma_wait3A_66, %dma_wait3A_67] : memref<16384x1024xf32, #tpu.memory_space<hbm>> -> memref<16x1024xf32, #tpu.memory_space<hbm>>
    %dma_wait3A_69 = arith.constant 0 : i32
    %dma_wait3A_70 = arith.constant 0 : i32
    %dma_wait3A_71 = tpu.memref_slice %arg4[%dma_wait3A_69, %dma_wait3A_70] : memref<16384x1024xf32, #tpu.memory_space<hbm>> -> memref<16x1024xf32, #tpu.memory_space<hbm>>
    %dma_wait3A_72 = arith.constant 0 : i32
    %dma_wait3A_73 = arith.constant 0 : i32
    %dma_wait3A_74 = tpu.memref_slice %arg7[%dma_wait3A_61, %dma_wait3A_72, %dma_wait3A_73] : memref<2x16x1024xf32, #tpu.memory_space<vmem>> -> memref<1x16x1024xf32, #tpu.memory_space<vmem>>
    %dma_wait3A_75 = tpu.memref_squeeze %dma_wait3A_74 : memref<1x16x1024xf32, #tpu.memory_space<vmem>> -> memref<16x1024xf32, #tpu.memory_space<vmem>>
    tpu.wait_dma2 semaphore(%arg13 : memref<!tpu.dma_semaphore, #tpu.memory_space<semaphore_mem>>) src(%dma_wait3A_75 : memref<16x1024xf32, #tpu.memory_space<vmem>>) dst(%dma_wait3A_71 : memref<16x1024xf32, #tpu.memory_space<hbm>>)
    return
  }
}

</mosaic_0001>

<sc_bundles>
// kernel: kernel.3.cloned.1.call-start
scs
__scs_entry_jumppad:
0x0: {  	(pc) =	sbr.rel $0x88, $3  }
0x1: {  	(tag) =	ssettag $0x0;
	lr =	simm.s32 $0x1  }
0x2: {  	[smem:$0x3F9F] =	sst lr;
	_ =	strace $0xD0000000  }
0x3: {  	_ = 	snop  }
0x4: {  	_ = 	snop  }
0x5: {  	_ = 	snop  }
0x6: {  	_ = 	snop  }
0x7: {  	_ = 	snop  }
__scs_overlays_trampoline_lowered:
0x8: {  	[smem:$0x3FAE] =	sst s0  }
0x9: {  	[smem:$0x3FAF] =	sst s1  }
0xa: {  	[smem:$0x3FB0] =	sst s2  }
0xb: {  	[smem:$0x3FB1] =	sst s3  }
0xc: {  	[smem:$0x3FB2] =	sst s4  }
0xd: {  	[smem:$0x3FB3] =	sst s5  }
0xe: {  	[smem:$0x3FB4] =	sst s6  }
0xf: {  	[smem:$0x3FB5] =	sst s7  }
0x10: {  	[smem:$0x3FB6] =	sst s8  }
0x11: {  	[smem:$0x3FB7] =	sst s9;
	s0 =	simm.s32 @!p0 $0x0  }
0x12: {  	s1 =	sld [smem:$0x3F9D];
	s0 =	simm.s32 @p0 $0x1  }
0x13: {  	[smem:$0x3FB8] =	sst s0;
	s0 =	simm.s32 @!p1 $0x0  }
0x14: {  	s2 =	sld [smem:$0x3F9C];
	s0 =	simm.s32 @p1 $0x1  }
0x15: {  	[smem:$0x3FB9] =	sst s0;
	s0 =	simm.s32 @!p2 $0x0  }
0x16: {  	s3 =	sld [smem:$0x3FDB];
	s0 =	simm.s32 @p2 $0x1  }
0x17: {  	s4 =	simm.s32 $0x1BF5;
	[smem:$0x3FBB] =	sst s0  }
0x18: {  	s0 =	sld [smem:$0x3F9E];
	_ =	swait.ge [sflag:s4], $0x0  }
0x19: {  	s7 =	sld [smem:$0x3F9F]  }
0x1a: {  	s8 =	sadd.s32 $0xFFFFE003, lr  }
0x1b: {  	s9 =	sadd.s32 $0xFFFFFEF7, lr;
	s5 =	simm.s32 $0xFFFFFFFF;
	p2 =	slt.u32 s8, $0xFFFFF086  }
0x1c: {  	p1 =	slt.u32 s9, $0xF7A;
	s5 =	simm.s32 @!p2 $0x0  }
0x1d: {  	s5 =	simm.s32 @p1 $0x1;
	p0 =	seq.s32 s7, s2  }
0x1e: {  	s7 =	smul.u32 @!p0 $0xF7A, s2;
	p2 =	seq.s32 @!p0 s5, $0x0  }
0x1f: {  	s9 =	smul.u32 $0xF7A, s1;
	s8 =	simm.s32 @!p0 $0x1BF5;
	p2 =	por !p2, p0  }
0x20: {  	[sflag:s8] =	ssyncset.s32 @!p0 $0xFFFFF086;
	s6 =	sadd.s32 @!p0 s3, s7;
	s7 =	simm.s32 @!p0 $0x108  }
0x21: {  	s3 =	sadd.s32 s3, s9;
	s6 =	sadd.s32 @!p0 $0x88, s6;
	s7 =	simm.s32 @p2 $0x1082  }
0x22: {  	[simem:s7], [sflag:s8] =	dma.local @!p0 [hbm:s6], $0xF7A  }
0x23: {  	s9 =	sor.u32 $0xD0000000, s2;
	s6 =	simm.s32 $0x108;
	_ =	swait.ge @!p0 [sflag:s8], $0x0  }
0x24: {  	s3 =	sadd.s32 $0x88, s3;
	s6 =	simm.s32 @!p1 $0x1082;
	[sflag:s4] =	ssyncset.s32 $0xFFFFF086  }
0x25: {  	[simem:s6], [sflag:s4] =	dma.local [hbm:s3], $0xF7A  }
0x26: {  	[smem:$0x3F9F] =	sst s1;
	(tag) =	ssettag s2;
	_ =	strace s9  }
0x27: {  	s1 =	sld [smem:$0x3FAF]  }
0x28: {  	s2 =	sld [smem:$0x3FB0]  }
0x29: {  	s4 =	sld [smem:$0x3FB2]  }
0x2a: {  	p0 =	seq.s32 s5, $0x0;
	s5 =	sld [smem:$0x3FB3]  }
0x2b: {  	s6 =	sld [smem:$0x3FB4]  }
0x2c: {  	s7 =	sld [smem:$0x3FB5]  }
0x2d: {  	s3 =	simm.s32 $0x108;
	s8 =	sld [smem:$0x3FB6]  }
0x2e: {  	s3 =	simm.s32 @!p0 $0x1082;
	s9 =	sld [smem:$0x3FB7]  }
0x2f: {  	lr =	sadd.s32 s0, s3;
	s0 =	sld [smem:$0x3FAE]  }
0x30: {  	s3 =	sld [smem:$0x3FB1]  }
0x31: {  	[smem:$0x3FBA] =	sst s10  }
0x32: {  	s10 =	sld [smem:$0x3FB8];
	_ =	sdelay $0x3  }
0x33: {  	p0 =	seq.s32 s10, $0x1;
	s10 =	sld [smem:$0x3FBA];
	_ =	sdelay $0x3  }
0x34: {  	[smem:$0x3FBA] =	sst s10  }
0x35: {  	s10 =	sld [smem:$0x3FB9];
	_ =	sdelay $0x3  }
0x36: {  	p1 =	seq.s32 s10, $0x1;
	s10 =	sld [smem:$0x3FBA];
	_ =	sdelay $0x3  }
0x37: {  	[smem:$0x3FBA] =	sst s10  }
0x38: {  	s10 =	sld [smem:$0x3FBB]  }
0x39: {  	_ = 	snop;
	(pc) =	sbr.ind lr, $3  }
0x3a: {  	_ = 	snop  }
0x3b: {  	_ = 	snop  }
0x3c: {  	p2 =	seq.s32 s10, $0x1;
	s10 =	sld [smem:$0x3FBA]  }
0x3d: {  	_ =	shalt  }
0x3e: {  	_ =	shalt  }
0x3f: {  	_ =	shalt  }
0x40: {  	_ =	shalt  }
0x41: {  	_ =	shalt  }
0x42: {  	_ =	shalt  }
0x43: {  	_ =	shalt  }
0x44: {  	_ =	shalt  }
0x45: {  	_ =	shalt  }
0x46: {  	_ =	shalt  }
0x47: {  	_ =	shalt  }
0x48: {  	_ =	shalt  }
0x49: {  	_ =	shalt  }
0x4a: {  	_ =	shalt  }
0x4b: {  	_ =	shalt  }
0x4c: {  	_ =	shalt  }
0x4d: {  	_ =	shalt  }
0x4e: {  	_ =	shalt  }
0x4f: {  	_ =	shalt  }
0x50: {  	_ =	shalt  }
0x51: {  	_ =	shalt  }
0x52: {  	_ =	shalt  }
0x53: {  	_ =	shalt  }
0x54: {  	_ =	shalt  }
0x55: {  	_ =	shalt  }
0x56: {  	_ =	shalt  }
0x57: {  	_ =	shalt  }
0x58: {  	_ =	shalt  }
0x59: {  	_ =	shalt  }
0x5a: {  	_ =	shalt  }
0x5b: {  	_ =	shalt  }
0x5c: {  	_ =	shalt  }
0x5d: {  	_ =	shalt  }
0x5e: {  	_ =	shalt  }
0x5f: {  	_ =	shalt  }
0x60: {  	_ =	shalt  }
0x61: {  	_ =	shalt  }
0x62: {  	_ =	shalt  }
0x63: {  	_ =	shalt  }
0x64: {  	_ =	shalt  }
0x65: {  	_ =	shalt  }
0x66: {  	_ =	shalt  }
0x67: {  	_ =	shalt  }
0x68: {  	_ =	shalt  }
0x69: {  	_ =	shalt  }
0x6a: {  	_ =	shalt  }
0x6b: {  	_ =	shalt  }
0x6c: {  	_ =	shalt  }
0x6d: {  	_ =	shalt  }
0x6e: {  	_ =	shalt  }
0x6f: {  	_ =	shalt  }
0x70: {  	_ =	shalt  }
0x71: {  	_ =	shalt  }
0x72: {  	_ =	shalt  }
0x73: {  	_ =	shalt  }
0x74: {  	_ =	shalt  }
0x75: {  	_ =	shalt  }
0x76: {  	_ =	shalt  }
0x77: {  	_ =	shalt  }
0x78: {  	_ =	shalt  }
0x79: {  	_ =	shalt  }
0x7a: {  	_ =	shalt  }
0x7b: {  	_ =	shalt  }
0x7c: {  	_ =	shalt  }
0x7d: {  	_ =	shalt  }
0x7e: {  	_ =	shalt  }
0x7f: {  	_ =	shalt  }
0x80: {  	_ =	shalt  }
0x81: {  	_ =	shalt  }
0x82: {  	_ =	shalt  }
0x83: {  	_ =	shalt  }
0x84: {  	_ =	shalt  }
0x85: {  	_ =	shalt  }
0x86: {  	_ =	shalt  }
0x87: {  	_ =	shalt  }
.Lfunc_end0:
.L_simem_size_0:
called_computation_lowered:
.L_overlay_start_0:
0x88: {  	s2 =	sld [smem:$0x3FD9]  }
0x89: {  	s3 =	sld [smem:$0x3FFE];
	_ =	sdelay $0x1  }
0x8a: {  	s1 =	srdreg.scid  }
0x8b: {  	s0 =	sand.u32 $0x1, s1  }
0x8c: {  	s17 =	sshll.u32 s0, $0xA;
	s2 =	sadd.s32 s3, s2  }
0x8d: {  	s2 =	sadd.s32 s2, s17  }
0x8e: {  	[smem:$0x3FC6] =	sst s2  }
0x8f: {  	_ = 	snop  }
0x90: {  	s2 =	sld [smem:$0x3FC8]  }
0x91: {  	s18 =	sld [smem:$0x3FD0];
	(tm) =	ssettm $0x1  }
0x92: {  	s4 =	sld [smem:$0x3FFB];
	_ =	sdelay $0x3  }
0x93: {  	_ =	strace s4  }
0x94: {  	s4 =	sld [smem:$0x3FFC];
	_ =	sdelay $0x3  }
0x95: {  	_ =	strace s4  }
0x96: {  	s4 =	sld [smem:$0x3FFD];
	_ =	sdelay $0x3  }
0x97: {  	_ =	strace s4  }
0x98: {  	_ =	strace $0x8FFFFFFF  }
0x99: {  	s19 =	sld [smem:$0x3FDB];
	_ =	sdelay $0x1  }
0x9a: {  	s5 =	simm.s32 $_scs_section_size  }
0x9b: {  	s6 =	simm.s32 $_size__tile_overlayer_lowered;
	s7 =	simm.s32 $_tile_overlayer_lowered  }
0x9c: {  	s22 =	simm.s32 $0x1BFF;
	s21 =	sshll.u32 s7, $0x1;
	s4 =	sadd.s32 s5, s19  }
0x9d: {  	s8 =	simm.s32 $0x0;
	s20 =	sshll.u32 s6, $0x1;
	s6 =	sadd.s32 s21, s4  }
0x9e: {  	[timem:s8], [sflag:s22] =	dma.local [hbm:s6], s20  }
0x9f: {  	_ =	swait.ge [sflag:s22], s20  }
0xa0: {  	s5 =	ssub.s32 $0x0, s20;
	[sflag:s22] =	ssyncset.done $0x0  }
0xa1: {  	[sflag:s22] =	ssyncadd.s32 s5;
	_ =	sdelay $0x1  }
0xa2: {  	s23 =	simm.s32 $0x1B8B  }
0xa3: {  	_ =	swait.ge [sflag:s23], $0x1  }
0xa4: {  	[sflag:s23] =	ssyncset.done $0x0  }
0xa5: {  	s25 =	simm.s32 $0x1B8E;
	s24 =	sld [smem:$0x3FFE];
	[sflag:s23] =	ssyncadd.s32 $0xFFFFFFFF  }
0xa6: {  	s26 =	simm.s32 $execute0_lowered;
	[smem:$0x3FD2] =	sst s25  }
0xa7: {  	s6 =	sshll.u32 s26, $0x1;
	_ =	strace $0x80000046;
	[dreg:$0x1] =	wrdreg $0xFFFFFFFF  }
0xa8: {  	s28 =	simm.s32 $_size_execute0_lowered;
	s4 =	sadd.s32 s4, s6;
	[dreg:$0x0] =	wrdreg $0x0  }
0xa9: {  	s6 =	sshll.u32 s28, $0x1;
	[dreg:$0x2] =	wrdreg s4  }
0xaa: {  	[dreg:$0x3] =	wrdreg s6  }
0xab: {  	[dreg:$0x4] =	wrdreg $0xC0  }
0xac: {  	_ =	task [dreg:s8], $0x5FFFF  }
0xad: {  	[dreg:$0x1] =	wrdreg $0xFFFFFFFF  }
0xae: {  	[dreg:$0x0] =	wrdreg $0x60  }
0xaf: {  	[dreg:$0x2] =	wrdreg s24  }
0xb0: {  	[dreg:$0x3] =	wrdreg s2  }
0xb1: {  	[dreg:$0x4] =	wrdreg s18  }
0xb2: {  	[dreg:$0x5] =	wrdreg $0x9  }
0xb3: {  	_ =	task.clear_ibuf [dreg:s8], $0x6FFFF;
	_ =	strace $0x90000046  }
0xb4: {  	s29 =	simm.s32 $0x9;
	_ =	strace $0x80000048  }
0xb5: {  	_ =	swait.ge [sflag:s29], $0x1  }
0xb6: {  	[sflag:s29] =	ssyncadd.s32 $0xFFFFFFFF  }
0xb7: {  	_ =	strace $0x90000048  }
0xb8: {  	_ =	sfence  }
0xb9: {  	s30 =	sld [smem:$0x0];
	_ =	sdelay $0x2  }
0xba: {  	s31 =	sshll.u32 s1, $0xD;
	s1 =	sshrl.u32 s1, $0x2  }
0xbb: {  	s3 =	sand.u32 $0x4000, s31;
	s1 =	sadd.s32 s1, s30  }
0xbc: {  	s0 =	sor.u32 s3, s0;
	s1 =	sshll.u32 s1, $0x11  }
0xbd: {  	s0 =	sor.u32 s1, s0  }
0xbe: {  	s0 =	sadd.s32 $0x8F2B, s0  }
0xbf: {  	[sflag:s0] =	ssyncadd.remote.s32 $0x1  }
0xc0: {  	_ =	sfence.sel $0xFFFF  }
0xc1: {  	[dreg:$0x0] =	wrdreg $0xFFFFFFFF;
	(pc) =	sbr.abs _section_cstart, $3  }
0xc2: {  	[dreg:$0x1] =	wrdreg $0xFFFFFFFF  }
0xc3: {  	_ =	task.clear_ibuf [dreg:s8], $0x2FFFF;
	_ =	strace $0x9FFFFFFF  }
0xc4: {  	(tm) =	ssettm $0x7FFFFFFF  }
0xc5: {  	_ =	shalt  }
tec
execute0_lowered:
.L_overlay_start_1:
0x0: {  	(tag) =	ssettag $0x1  }
0x1: {  	s0 =	rddreg [dreg:$0x0];
	s1 =	srdreg.scid  }
0x2: {  	s2 =	rddreg [dreg:$0x1];
	s4 =	stileid.u32  }
0x3: {  	s3 =	rddreg [dreg:$0x2];
	s12 =	simm.s32 $0x7;
	s28 =	simm.s32 $0x2  }
0x4: {  	s29 =	simm.s32 $0x14200;
	s30 =	simm.s32 $0x3;
	s31 =	simm.s32 $0x5  }
0x5: {  	s13 =	simm.s32 $0x0;
	s1 =	sand.u32 $0x1, s1;
	s4 =	sshll.u32 s4, $0xA  }
0x6: {  	s7 =	sadd.s32 $0x100, s2;
	s8 =	sadd.s32 $0x200, s2;
	s5 =	sshll.u32 s1, $0x9  }
0x7: {  	s9 =	sadd.s32 $0x300, s2;
	s1 =	ssub.s32 $0x2, s1;
	s4 =	sor.u32 s5, s4  }
0x8: {  	s5 =	simm.s32 $0x0;
	s25 =	sshrl.u32 s1, $0x1;
	s6 =	sshrl.u32 s4, $0x3  }
0x9: {  	[smem:$0x7FF] =	sst s5;
	s1 =	ssub.s32 s1, s25;
	s26 =	sshll.u32 s4, $0x7  }
0xa: {  	v2 =	vlaneseq.u32;
	s25 =	simm.s32 $0x1;
	s0 =	sadd.s32 s6, s0;
	_ =	strace $0x80000047  }
0xb: {  	vm0 =	vmmov $0xffff;
	v1 =	vshrl.u32 v2, $0x3;
	s10 =	sadd.s32 s3, s26;
	s11 =	smax.u32 s1, $0x1;
	s26 =	simm.s32 $0x10200  }
0xc: {  	v0 =	vand.u32 $0x7, v2;
	v2 =	vor.u32 $0x8, v2;
	v1 =	vmul.u32 $0x8, v1;
	s1 =	simm.s32 $0x4;
	s6 =	sadd.s32 $0x400, s0;
	s0 =	simm.s32 $0x6  }
.LBB2_1:
0xd: {  	[tilespmem:s5], [sflag:$0x7] =	stream.linear.gather [hbm4b:s6+s5], $0x200, $0x38;
	[tilespmem:$0x18200] =	vst v63  }
0xe: {  	_ =	swait.ge [sflag:s12], $0x200  }
0xf: {  	[sflag:s12] =	ssyncset.done $0x0  }
0x10: {  	[sflag:s12] =	ssyncadd.s32 $0xFFFFFE00  }
0x11: {  	v3 =	vld [tilespmem:$0x0];
	_ =	sdelay $0x4  }
0x12: {  	v4 =	vshll.u32 v3, $0x3  }
0x13: {  	v3 =	vand.u32 $0x7, v3;
	v4 =	vand.u32 $0xFFFFFFC0, v4  }
0x14: {  	v3 =	vor.u32 v3, v4  }
0x15: {  	v4 =	vperm.xlane v3, v0;
	_ =	sdelay $0x1  }
0x16: {  	v4 =	vadd.s32 v1, v4;
	_ =	sdelay $0x3  }
0x17: {  	s14 =	simm.s32 $0x200  }
0x18: {  	[tilespmem:s14], [sflag:$0x1] =	stream.indirect_vreg.gather [hbm4b:s2+s5], $0x80, v4, vm0, $0xb8;
	[tilespmem:$0x18200] =	vst v63  }
0x19: {  	s24 =	simm.s32 $0xA00;
	v3 =	vperm.xlane v3, v2  }
0x1a: {  	[tilespmem:s24], [sflag:$0x1] =	stream.indirect_vreg.gather [hbm4b:s7+s5], $0x80, v4, vm0, $0xb8;
	[tilespmem:$0x18200] =	vst v63  }
0x1b: {  	s15 =	simm.s32 $0x1200;
	v3 =	vadd.s32 v1, v3  }
0x1c: {  	[tilespmem:s15], [sflag:$0x1] =	stream.indirect_vreg.gather [hbm4b:s8+s5], $0x80, v4, vm0, $0xb8;
	[tilespmem:$0x18200] =	vst v63  }
0x1d: {  	s16 =	simm.s32 $0x1A00  }
0x1e: {  	[tilespmem:s16], [sflag:$0x1] =	stream.indirect_vreg.gather [hbm4b:s9+s5], $0x80, v4, vm0, $0xb8;
	[tilespmem:$0x18200] =	vst v63  }
0x1f: {  	s17 =	simm.s32 $0x2200  }
0x20: {  	[tilespmem:s17], [sflag:$0x1] =	stream.indirect_vreg.gather [hbm4b:s2+s5], $0x80, v3, vm0, $0xb8;
	[tilespmem:$0x18200] =	vst v63  }
0x21: {  	s18 =	simm.s32 $0x2A00  }
0x22: {  	[tilespmem:s18], [sflag:$0x1] =	stream.indirect_vreg.gather [hbm4b:s7+s5], $0x80, v3, vm0, $0xb8;
	[tilespmem:$0x18200] =	vst v63  }
0x23: {  	s19 =	simm.s32 $0x3200  }
0x24: {  	[tilespmem:s19], [sflag:$0x1] =	stream.indirect_vreg.gather [hbm4b:s8+s5], $0x80, v3, vm0, $0xb8;
	[tilespmem:$0x18200] =	vst v63  }
0x25: {  	s20 =	simm.s32 $0x3A00  }
0x26: {  	[tilespmem:s20], [sflag:$0x1] =	stream.indirect_vreg.gather [hbm4b:s9+s5], $0x80, v3, vm0, $0xb8;
	[tilespmem:$0x18200] =	vst v63  }
0x27: {  	v3 =	vld [tilespmem:$0x10];
	_ =	sdelay $0x4  }
0x28: {  	v61 =	vshll.u32 v3, $0x3  }
0x29: {  	v3 =	vand.u32 $0x7, v3;
	v4 =	vand.u32 $0xFFFFFFC0, v61  }
0x2a: {  	v3 =	vor.u32 v3, v4  }
0x2b: {  	v4 =	vperm.xlane v3, v0;
	_ =	sdelay $0x1  }
0x2c: {  	v4 =	vadd.s32 v1, v4;
	_ =	sdelay $0x3  }
0x2d: {  	s21 =	simm.s32 $0x4200  }
0x2e: {  	[tilespmem:s21], [sflag:$0x2] =	stream.indirect_vreg.gather [hbm4b:s2+s5], $0x80, v4, vm0, $0xb8;
	[tilespmem:$0x18200] =	vst v63  }
0x2f: {  	s22 =	simm.s32 $0x4A00;
	v3 =	vperm.xlane v3, v2  }
0x30: {  	[tilespmem:s22], [sflag:$0x2] =	stream.indirect_vreg.gather [hbm4b:s7+s5], $0x80, v4, vm0, $0xb8;
	[tilespmem:$0x18200] =	vst v63  }
0x31: {  	s23 =	simm.s32 $0x5200;
	v3 =	vadd.s32 v1, v3  }
0x32: {  	[tilespmem:s23], [sflag:$0x2] =	stream.indirect_vreg.gather [hbm4b:s8+s5], $0x80, v4, vm0, $0xb8;
	[tilespmem:$0x18200] =	vst v63  }
0x33: {  	s24 =	simm.s32 $0x5A00  }
0x34: {  	[tilespmem:s24], [sflag:$0x2] =	stream.indirect_vreg.gather [hbm4b:s9+s5], $0x80, v4, vm0, $0xb8;
	[tilespmem:$0x18200] =	vst v63  }
0x35: {  	s15 =	simm.s32 $0x6200  }
0x36: {  	[tilespmem:s15], [sflag:$0x2] =	stream.indirect_vreg.gather [hbm4b:s2+s5], $0x80, v3, vm0, $0xb8;
	[tilespmem:$0x18200] =	vst v63  }
0x37: {  	s16 =	simm.s32 $0x6A00  }
0x38: {  	[tilespmem:s16], [sflag:$0x2] =	stream.indirect_vreg.gather [hbm4b:s7+s5], $0x80, v3, vm0, $0xb8;
	[tilespmem:$0x18200] =	vst v63  }
0x39: {  	s17 =	simm.s32 $0x7200  }
0x3a: {  	[tilespmem:s17], [sflag:$0x2] =	stream.indirect_vreg.gather [hbm4b:s8+s5], $0x80, v3, vm0, $0xb8;
	[tilespmem:$0x18200] =	vst v63  }
0x3b: {  	s18 =	simm.s32 $0x7A00  }
0x3c: {  	[tilespmem:s18], [sflag:$0x2] =	stream.indirect_vreg.gather [hbm4b:s9+s5], $0x80, v3, vm0, $0xb8;
	[tilespmem:$0x18200] =	vst v63  }
0x3d: {  	v3 =	vld [tilespmem:$0x20];
	_ =	sdelay $0x4  }
0x3e: {  	v62 =	vshll.u32 v3, $0x3  }
0x3f: {  	v3 =	vand.u32 $0x7, v3;
	v4 =	vand.u32 $0xFFFFFFC0, v62  }
0x40: {  	v3 =	vor.u32 v3, v4  }
0x41: {  	v4 =	vperm.xlane v3, v0;
	_ =	sdelay $0x1  }
0x42: {  	v4 =	vadd.s32 v1, v4;
	_ =	sdelay $0x3  }
0x43: {  	s19 =	simm.s32 $0x8200  }
0x44: {  	[tilespmem:s19], [sflag:$0x3] =	stream.indirect_vreg.gather [hbm4b:s2+s5], $0x80, v4, vm0, $0xb8;
	[tilespmem:$0x18200] =	vst v63  }
0x45: {  	s20 =	simm.s32 $0x8A00;
	v3 =	vperm.xlane v3, v2  }
0x46: {  	[tilespmem:s20], [sflag:$0x3] =	stream.indirect_vreg.gather [hbm4b:s7+s5], $0x80, v4, vm0, $0xb8;
	[tilespmem:$0x18200] =	vst v63  }
0x47: {  	s21 =	simm.s32 $0x9200;
	v3 =	vadd.s32 v1, v3  }
0x48: {  	[tilespmem:s21], [sflag:$0x3] =	stream.indirect_vreg.gather [hbm4b:s8+s5], $0x80, v4, vm0, $0xb8;
	[tilespmem:$0x18200] =	vst v63  }
0x49: {  	s22 =	simm.s32 $0x9A00  }
0x4a: {  	[tilespmem:s22], [sflag:$0x3] =	stream.indirect_vreg.gather [hbm4b:s9+s5], $0x80, v4, vm0, $0xb8;
	[tilespmem:$0x18200] =	vst v63  }
0x4b: {  	s23 =	simm.s32 $0xA200  }
0x4c: {  	[tilespmem:s23], [sflag:$0x3] =	stream.indirect_vreg.gather [hbm4b:s2+s5], $0x80, v3, vm0, $0xb8;
	[tilespmem:$0x18200] =	vst v63  }
0x4d: {  	s24 =	simm.s32 $0xAA00  }
0x4e: {  	[tilespmem:s24], [sflag:$0x3] =	stream.indirect_vreg.gather [hbm4b:s7+s5], $0x80, v3, vm0, $0xb8;
	[tilespmem:$0x18200] =	vst v63  }
0x4f: {  	s15 =	simm.s32 $0xB200  }
0x50: {  	[tilespmem:s15], [sflag:$0x3] =	stream.indirect_vreg.gather [hbm4b:s8+s5], $0x80, v3, vm0, $0xb8;
	[tilespmem:$0x18200] =	vst v63  }
0x51: {  	s16 =	simm.s32 $0xBA00  }
0x52: {  	[tilespmem:s16], [sflag:$0x3] =	stream.indirect_vreg.gather [hbm4b:s9+s5], $0x80, v3, vm0, $0xb8;
	[tilespmem:$0x18200] =	vst v63  }
0x53: {  	v3 =	vld [tilespmem:$0x30];
	_ =	sdelay $0x4  }
0x54: {  	v63 =	vshll.u32 v3, $0x3  }
0x55: {  	v3 =	vand.u32 $0x7, v3;
	v4 =	vand.u32 $0xFFFFFFC0, v63  }
0x56: {  	v3 =	vor.u32 v3, v4  }
0x57: {  	v4 =	vperm.xlane v3, v0;
	_ =	sdelay $0x1  }
0x58: {  	v4 =	vadd.s32 v1, v4;
	_ =	sdelay $0x3  }
0x59: {  	s17 =	simm.s32 $0xC200  }
0x5a: {  	[tilespmem:s17], [sflag:$0x4] =	stream.indirect_vreg.gather [hbm4b:s2+s5], $0x80, v4, vm0, $0xb8;
	[tilespmem:$0x18200] =	vst v63  }
0x5b: {  	s18 =	simm.s32 $0xCA00;
	v3 =	vperm.xlane v3, v2  }
0x5c: {  	[tilespmem:s18], [sflag:$0x4] =	stream.indirect_vreg.gather [hbm4b:s7+s5], $0x80, v4, vm0, $0xb8;
	[tilespmem:$0x18200] =	vst v63  }
0x5d: {  	s19 =	simm.s32 $0xD200;
	v3 =	vadd.s32 v1, v3  }
0x5e: {  	[tilespmem:s19], [sflag:$0x4] =	stream.indirect_vreg.gather [hbm4b:s8+s5], $0x80, v4, vm0, $0xb8;
	[tilespmem:$0x18200] =	vst v63  }
0x5f: {  	s20 =	simm.s32 $0xDA00  }
0x60: {  	[tilespmem:s20], [sflag:$0x4] =	stream.indirect_vreg.gather [hbm4b:s9+s5], $0x80, v4, vm0, $0xb8;
	[tilespmem:$0x18200] =	vst v63  }
0x61: {  	s21 =	simm.s32 $0xE200  }
0x62: {  	[tilespmem:s21], [sflag:$0x4] =	stream.indirect_vreg.gather [hbm4b:s2+s5], $0x80, v3, vm0, $0xb8;
	[tilespmem:$0x18200] =	vst v63  }
0x63: {  	s22 =	simm.s32 $0xEA00  }
0x64: {  	[tilespmem:s22], [sflag:$0x4] =	stream.indirect_vreg.gather [hbm4b:s7+s5], $0x80, v3, vm0, $0xb8;
	[tilespmem:$0x18200] =	vst v63  }
0x65: {  	s23 =	simm.s32 $0xF200  }
0x66: {  	[tilespmem:s23], [sflag:$0x4] =	stream.indirect_vreg.gather [hbm4b:s8+s5], $0x80, v3, vm0, $0xb8;
	[tilespmem:$0x18200] =	vst v63  }
0x67: {  	s14 =	simm.s32 $0x0;
	s24 =	simm.s32 $0xFA00  }
0x68: {  	[tilespmem:s24], [sflag:$0x4] =	stream.indirect_vreg.gather [hbm4b:s9+s5], $0x80, v3, vm0, $0xb8;
	[tilespmem:$0x18200] =	vst v63  }
.LBB2_2:
0x69: {  	_ =	swait.ge [sflag:s25], $0x4000;
	p1 =	seq.s32 s14, $0x0  }
0x6a: {  	s16 =	simm.s32 $0x0;
	s17 =	simm.s32 $0x0;
	[sflag:s25] =	ssyncset.done $0x0  }
0x6b: {  	s18 =	simm.s32 $0x0;
	s15 =	simm.s32 @!p1 $0x5;
	[sflag:s25] =	ssyncadd.s32 $0xFFFFC000  }
0x6c: {  	s17 =	sand.u32 $0x2000, s17;
	s16 =	sand.u32 $0x1C00, s16;
	_ =	swait.ge @!p1 [sflag:s15], $0x4000  }
0x6d: {  	s21 =	sand.u32 $0x380, s18;
	s16 =	sor.u32 s16, s17;
	[sflag:s15] =	ssyncset.done @!p1 $0x0  }
0x6e: {  	s17 =	sor.u32 s21, s16;
	[sflag:s15] =	ssyncadd.s32 @!p1 $0xFFFFC000  }
0x6f: {  	v3 =	vld [tilespmem:s17+$0x270]  }
0x70: {  	v4 =	vld [tilespmem:s17+$0x200]  }
0x71: {  	v5 =	vld [tilespmem:s17+$0x210]  }
0x72: {  	v6 =	vld [tilespmem:s17+$0x220]  }
0x73: {  	s22 =	simm.s32 $0x80;
	s18 =	simm.s32 $0x400;
	v8 =	vld [tilespmem:s17+$0x230]  }
0x74: {  	s19 =	simm.s32 $0x10;
	s23 =	sand.u32 $0x1C00, s18;
	s15 =	sand.u32 $0x2000, s22;
	v10 =	vld [tilespmem:s17+$0x240];
	v9 =	vmul.f32 $3.200000000e+01, v3  }
0x75: {  	s24 =	sand.u32 $0x380, s19;
	v7 =	vld [tilespmem:s17+$0x250];
	s15 =	sor.u32 s23, s15;
	v11 =	vmul.f32 $3.200000000e+01, v4  }
0x76: {  	s16 =	sor.u32 s24, s15;
	v3 =	vld [tilespmem:s17+$0x260];
	[tilespmem:s17+$0x10270] =	vst v9;
	v9 =	vmul.f32 $3.200000000e+01, v5  }
0x77: {  	v4 =	vld [tilespmem:s16+$0x270];
	[tilespmem:s17+$0x10200] =	vst v11;
	v11 =	vmul.f32 $3.200000000e+01, v6  }
0x78: {  	v5 =	vld [tilespmem:s16+$0x200];
	[tilespmem:s17+$0x10210] =	vst v9;
	v9 =	vmul.f32 $3.200000000e+01, v8  }
0x79: {  	s19 =	simm.s32 $0x8;
	s15 =	sshll.u32 s14, $0x6;
	v8 =	vmul.f32 $3.200000000e+01, v10;
	v6 =	vld [tilespmem:s16+$0x210];
	[tilespmem:s17+$0x10220] =	vst v11  }
.LBB2_3:
0x7a: {  	s19 =	sadd.s32 $0x8, s19;
	v10 =	vld [tilespmem:s16+$0x220];
	[tilespmem:s17+$0x10230] =	vst v9;
	v7 =	vmul.f32 $3.200000000e+01, v7  }
0x7b: {  	s18 =	sadd.s32 $0x400, s18;
	s20 =	sshll.u32 s19, $0x4;
	p0 =	slt.u32 s19, $0x3F8;
	v9 =	vld [tilespmem:s16+$0x230];
	[tilespmem:s17+$0x10240] =	vst v8;
	v3 =	vmul.f32 $3.200000000e+01, v3  }
0x7c: {  	s21 =	sand.u32 $0x1C00, s18;
	s22 =	sshll.u32 s19, $0x1;
	s20 =	sand.u32 $0x2000, s20;
	v8 =	vld [tilespmem:s16+$0x240];
	v4 =	vmul.f32 $3.200000000e+01, v4;
	[tilespmem:s17+$0x10250] =	vst v7  }
.Ltmp0:
0x7d: {  	s20 =	sor.u32 s21, s20;
	s21 =	sand.u32 $0x380, s22;
	v5 =	vmul.f32 $3.200000000e+01, v5;
	v7 =	vld [tilespmem:s16+$0x250];
	[tilespmem:s17+$0x10260] =	vst v3;
	(pc) =	sbr.rel @p0 .LBB2_3-.Ltmp0, $4  }
0x7e: {  	s17 =	smov.u32 s16;
	v6 =	vmul.f32 $3.200000000e+01, v6;
	v3 =	vld [tilespmem:s16+$0x260];
	[tilespmem:s16+$0x10270] =	vst v4;
	s16 =	sor.u32 s21, s20  }
0x7f: {  	v4 =	vld [tilespmem:s16+$0x270];
	[tilespmem:s17+$0x10200] =	vst v5;
	v10 =	vmul.f32 $3.200000000e+01, v10  }
0x80: {  	v5 =	vld [tilespmem:s16+$0x200];
	[tilespmem:s17+$0x10210] =	vst v6;
	v9 =	vmul.f32 $3.200000000e+01, v9  }
0x81: {  	v6 =	vld [tilespmem:s16+$0x210];
	[tilespmem:s17+$0x10220] =	vst v10;
	v8 =	vmul.f32 $3.200000000e+01, v8  }
0x82: {  	v10 =	vld [tilespmem:s16+$0x220];
	[tilespmem:s17+$0x10230] =	vst v9;
	v7 =	vmul.f32 $3.200000000e+01, v7  }
0x83: {  	v9 =	vld [tilespmem:s16+$0x230];
	[tilespmem:s17+$0x10240] =	vst v8;
	v3 =	vmul.f32 $3.200000000e+01, v3  }
0x84: {  	v8 =	vld [tilespmem:s16+$0x240];
	[tilespmem:s17+$0x10250] =	vst v7;
	v4 =	vmul.f32 $3.200000000e+01, v4  }
0x85: {  	v7 =	vld [tilespmem:s16+$0x250];
	[tilespmem:s17+$0x10260] =	vst v3;
	v3 =	vmul.f32 $3.200000000e+01, v5  }
0x86: {  	v5 =	vld [tilespmem:s16+$0x260];
	v6 =	vmul.f32 $3.200000000e+01, v6;
	[tilespmem:s16+$0x10270] =	vst v4  }
0x87: {  	[tilespmem:s16+$0x10200] =	vst v3;
	v3 =	vmul.f32 $3.200000000e+01, v10  }
0x88: {  	[tilespmem:s16+$0x10210] =	vst v6;
	v4 =	vmul.f32 $3.200000000e+01, v9  }
0x89: {  	[tilespmem:s16+$0x10220] =	vst v3;
	v3 =	vmul.f32 $3.200000000e+01, v8  }
0x8a: {  	[tilespmem:s16+$0x10230] =	vst v4;
	v4 =	vmul.f32 $3.200000000e+01, v7  }
0x8b: {  	p0 =	seq.s32 s14, $0x7;
	[tilespmem:s16+$0x10240] =	vst v3;
	v3 =	vmul.f32 $3.200000000e+01, v5  }
0x8c: {  	s17 =	sshll.u32 @!p0 s14, $0x6;
	[tilespmem:s16+$0x10250] =	vst v4  }
0x8d: {  	[tilespmem:s16+$0x10260] =	vst v3;
	s16 =	sand.u32 @!p0 $0x3FFFFFC0, s17  }
0x8e: {  	v3 =	vld @!p0 [tilespmem:s16+$0x40];
	_ =	sdelay $0x4  }
0x8f: {  	v4 =	vshll.u32 @!p0 v3, $0x3  }
0x90: {  	v5 =	vlaneseq.u32 @!p0;
	v3 =	vand.u32 @!p0 $0x7, v3;
	v4 =	vand.u32 @!p0 $0xFFFFFFC0, v4  }
0x91: {  	v6 =	vshrl.u32 @!p0 v5, $0x3;
	v3 =	vor.u32 @!p0 v3, v4;
	v4 =	vand.u32 @!p0 $0x7, v5  }
0x92: {  	v6 =	vmul.u32 @!p0 $0x8, v6;
	v4 =	vperm.xlane @!p0 v3, v4;
	_ =	sdelay $0x1  }
0x93: {  	v4 =	vadd.s32 @!p0 v6, v4;
	_ =	sdelay $0x3  }
0x94: {  	vm1 =	vmmov @!p0 $0xffff;
	s18 =	simm.s32 @!p0 $0x200;
	s17 =	simm.s32 @!p0 $0x0  }
0x95: {  	v5 =	vor.u32 @!p0 $0x8, v5;
	[tilespmem:s18], [sflag:$0x1] =	stream.indirect_vreg.gather @!p0 [hbm4b:s2+s17], $0x80, v4, vm1, $0xb8;
	[tilespmem:$0x18200] =	vst v63  }
0x96: {  	v3 =	vperm.xlane @!p0 v3, v5;
	s18 =	simm.s32 @!p0 $0xA00  }
0x97: {  	[tilespmem:s18], [sflag:$0x1] =	stream.indirect_vreg.gather @!p0 [hbm4b:s7+s17], $0x80, v4, vm1, $0xb8;
	[tilespmem:$0x18200] =	vst v63  }
0x98: {  	v3 =	vadd.s32 @!p0 v6, v3;
	s18 =	simm.s32 @!p0 $0x1200  }
0x99: {  	[tilespmem:s18], [sflag:$0x1] =	stream.indirect_vreg.gather @!p0 [hbm4b:s8+s17], $0x80, v4, vm1, $0xb8;
	[tilespmem:$0x18200] =	vst v63  }
0x9a: {  	s18 =	simm.s32 @!p0 $0x1A00  }
0x9b: {  	[tilespmem:s18], [sflag:$0x1] =	stream.indirect_vreg.gather @!p0 [hbm4b:s9+s17], $0x80, v4, vm1, $0xb8;
	[tilespmem:$0x18200] =	vst v63  }
0x9c: {  	s18 =	simm.s32 @!p0 $0x2200  }
0x9d: {  	[tilespmem:s18], [sflag:$0x1] =	stream.indirect_vreg.gather @!p0 [hbm4b:s2+s17], $0x80, v3, vm1, $0xb8;
	[tilespmem:$0x18200] =	vst v63  }
0x9e: {  	s18 =	simm.s32 @!p0 $0x2A00  }
0x9f: {  	[tilespmem:s18], [sflag:$0x1] =	stream.indirect_vreg.gather @!p0 [hbm4b:s7+s17], $0x80, v3, vm1, $0xb8;
	[tilespmem:$0x18200] =	vst v63  }
0xa0: {  	s18 =	simm.s32 @!p0 $0x3200  }
0xa1: {  	[tilespmem:s18], [sflag:$0x1] =	stream.indirect_vreg.gather @!p0 [hbm4b:s8+s17], $0x80, v3, vm1, $0xb8;
	[tilespmem:$0x18200] =	vst v63  }
0xa2: {  	s19 =	sshll.u32 s14, $0xD;
	s18 =	simm.s32 @!p0 $0x3A00  }
0xa3: {  	[tilespmem:s18], [sflag:$0x1] =	stream.indirect_vreg.gather @!p0 [hbm4b:s9+s17], $0x80, v3, vm1, $0xb8;
	[tilespmem:$0x18200] =	vst v63  }
0xa4: {  	s17 =	sadd.s32 s19, s10  }
0xa5: {  	[hbm4b:s17+s5] =	stream.linear.scatter [tilespmem:s26], [sflag:$0x5], $0x4000, $0x38;
	[tilespmem:$0x18200] =	vst v63  }
0xa6: {  	_ =	swait.ge [sflag:s28], $0x4000  }
0xa7: {  	s20 =	simm.s32 $0x0;
	s19 =	simm.s32 $0x0;
	[sflag:s28] =	ssyncset.done $0x0  }
0xa8: {  	s18 =	sand.u32 $0x1C00, s20;
	s17 =	simm.s32 @!p1 $0x6;
	[sflag:s28] =	ssyncadd.s32 $0xFFFFC000  }
0xa9: {  	s20 =	simm.s32 $0x0;
	s19 =	sand.u32 $0x2000, s19;
	_ =	swait.ge @!p1 [sflag:s17], $0x4000  }
0xaa: {  	s21 =	sand.u32 $0x380, s20;
	s18 =	sor.u32 s18, s19;
	[sflag:s17] =	ssyncset.done @!p1 $0x0  }
0xab: {  	s18 =	sor.u32 s21, s18;
	[sflag:s17] =	ssyncadd.s32 @!p1 $0xFFFFC000  }
0xac: {  	v3 =	vld [tilespmem:s18+$0x4270]  }
0xad: {  	v4 =	vld [tilespmem:s18+$0x4200]  }
0xae: {  	v5 =	vld [tilespmem:s18+$0x4210]  }
0xaf: {  	v6 =	vld [tilespmem:s18+$0x4220]  }
0xb0: {  	s22 =	simm.s32 $0x80;
	s19 =	simm.s32 $0x400;
	v8 =	vld [tilespmem:s18+$0x4230]  }
0xb1: {  	s23 =	sand.u32 $0x1C00, s19;
	s21 =	simm.s32 $0x10;
	s17 =	sand.u32 $0x2000, s22;
	v10 =	vld [tilespmem:s18+$0x4240];
	v9 =	vmul.f32 $3.200000000e+01, v3  }
0xb2: {  	s24 =	sand.u32 $0x380, s21;
	v7 =	vld [tilespmem:s18+$0x4250];
	s17 =	sor.u32 s23, s17;
	v11 =	vmul.f32 $3.200000000e+01, v4  }
0xb3: {  	s17 =	sor.u32 s24, s17;
	v3 =	vld [tilespmem:s18+$0x4260];
	[tilespmem:s18+$0x14270] =	vst v9;
	v9 =	vmul.f32 $3.200000000e+01, v5  }
0xb4: {  	v4 =	vld [tilespmem:s17+$0x4270];
	[tilespmem:s18+$0x14200] =	vst v11;
	v11 =	vmul.f32 $3.200000000e+01, v6  }
0xb5: {  	v5 =	vld [tilespmem:s17+$0x4200];
	[tilespmem:s18+$0x14210] =	vst v9;
	v9 =	vmul.f32 $3.200000000e+01, v8  }
0xb6: {  	s20 =	simm.s32 $0x8;
	v8 =	vmul.f32 $3.200000000e+01, v10;
	v6 =	vld [tilespmem:s17+$0x4210];
	[tilespmem:s18+$0x14220] =	vst v11  }
.LBB2_5:
0xb7: {  	s20 =	sadd.s32 $0x8, s20;
	v10 =	vld [tilespmem:s17+$0x4220];
	[tilespmem:s18+$0x14230] =	vst v9;
	v7 =	vmul.f32 $3.200000000e+01, v7  }
0xb8: {  	s19 =	sadd.s32 $0x400, s19;
	s21 =	sshll.u32 s20, $0x4;
	p1 =	slt.u32 s20, $0x3F8;
	v9 =	vld [tilespmem:s17+$0x4230];
	[tilespmem:s18+$0x14240] =	vst v8;
	v3 =	vmul.f32 $3.200000000e+01, v3  }
0xb9: {  	s22 =	sand.u32 $0x1C00, s19;
	s23 =	sshll.u32 s20, $0x1;
	s21 =	sand.u32 $0x2000, s21;
	v8 =	vld [tilespmem:s17+$0x4240];
	v4 =	vmul.f32 $3.200000000e+01, v4;
	[tilespmem:s18+$0x14250] =	vst v7  }
.Ltmp1:
0xba: {  	s21 =	sor.u32 s22, s21;
	s22 =	sand.u32 $0x380, s23;
	v5 =	vmul.f32 $3.200000000e+01, v5;
	v7 =	vld [tilespmem:s17+$0x4250];
	[tilespmem:s18+$0x14260] =	vst v3;
	(pc) =	sbr.rel @p1 .LBB2_5-.Ltmp1, $4  }
0xbb: {  	s18 =	smov.u32 s17;
	v6 =	vmul.f32 $3.200000000e+01, v6;
	v3 =	vld [tilespmem:s17+$0x4260];
	[tilespmem:s17+$0x14270] =	vst v4;
	s17 =	sor.u32 s22, s21  }
0xbc: {  	v4 =	vld [tilespmem:s17+$0x4270];
	[tilespmem:s18+$0x14200] =	vst v5;
	v10 =	vmul.f32 $3.200000000e+01, v10  }
0xbd: {  	v5 =	vld [tilespmem:s17+$0x4200];
	[tilespmem:s18+$0x14210] =	vst v6;
	v9 =	vmul.f32 $3.200000000e+01, v9  }
0xbe: {  	v6 =	vld [tilespmem:s17+$0x4210];
	[tilespmem:s18+$0x14220] =	vst v10;
	v8 =	vmul.f32 $3.200000000e+01, v8  }
0xbf: {  	v10 =	vld [tilespmem:s17+$0x4220];
	[tilespmem:s18+$0x14230] =	vst v9;
	v7 =	vmul.f32 $3.200000000e+01, v7  }
0xc0: {  	v9 =	vld [tilespmem:s17+$0x4230];
	[tilespmem:s18+$0x14240] =	vst v8;
	v3 =	vmul.f32 $3.200000000e+01, v3  }
0xc1: {  	v8 =	vld [tilespmem:s17+$0x4240];
	[tilespmem:s18+$0x14250] =	vst v7;
	v4 =	vmul.f32 $3.200000000e+01, v4  }
0xc2: {  	v7 =	vld [tilespmem:s17+$0x4250];
	[tilespmem:s18+$0x14260] =	vst v3;
	v3 =	vmul.f32 $3.200000000e+01, v5  }
0xc3: {  	v5 =	vld [tilespmem:s17+$0x4260];
	v6 =	vmul.f32 $3.200000000e+01, v6;
	[tilespmem:s17+$0x14270] =	vst v4  }
0xc4: {  	[tilespmem:s17+$0x14200] =	vst v3;
	v3 =	vmul.f32 $3.200000000e+01, v10  }
0xc5: {  	[tilespmem:s17+$0x14210] =	vst v6;
	v4 =	vmul.f32 $3.200000000e+01, v9  }
0xc6: {  	[tilespmem:s17+$0x14220] =	vst v3;
	v3 =	vmul.f32 $3.200000000e+01, v8  }
0xc7: {  	[tilespmem:s17+$0x14230] =	vst v4;
	v4 =	vmul.f32 $3.200000000e+01, v7  }
0xc8: {  	[tilespmem:s17+$0x14240] =	vst v3;
	v3 =	vmul.f32 $3.200000000e+01, v5  }
0xc9: {  	[tilespmem:s17+$0x14250] =	vst v4  }
0xca: {  	[tilespmem:s17+$0x14260] =	vst v3  }
0xcb: {  	v3 =	vld @!p0 [tilespmem:s16+$0x50];
	_ =	sdelay $0x4  }
0xcc: {  	v4 =	vshll.u32 @!p0 v3, $0x3  }
0xcd: {  	v5 =	vlaneseq.u32 @!p0;
	v3 =	vand.u32 @!p0 $0x7, v3;
	v4 =	vand.u32 @!p0 $0xFFFFFFC0, v4  }
0xce: {  	v6 =	vshrl.u32 @!p0 v5, $0x3;
	v3 =	vor.u32 @!p0 v3, v4;
	v4 =	vand.u32 @!p0 $0x7, v5  }
0xcf: {  	v6 =	vmul.u32 @!p0 $0x8, v6;
	v4 =	vperm.xlane @!p0 v3, v4;
	_ =	sdelay $0x1  }
0xd0: {  	v4 =	vadd.s32 @!p0 v6, v4;
	_ =	sdelay $0x3  }
0xd1: {  	s18 =	simm.s32 @!p0 $0x4200;
	s17 =	simm.s32 @!p0 $0x0  }
0xd2: {  	v5 =	vor.u32 @!p0 $0x8, v5;
	[tilespmem:s18], [sflag:$0x2] =	stream.indirect_vreg.gather @!p0 [hbm4b:s2+s17], $0x80, v4, vm1, $0xb8;
	[tilespmem:$0x18200] =	vst v63  }
0xd3: {  	v3 =	vperm.xlane @!p0 v3, v5;
	s18 =	simm.s32 @!p0 $0x4A00  }
0xd4: {  	[tilespmem:s18], [sflag:$0x2] =	stream.indirect_vreg.gather @!p0 [hbm4b:s7+s17], $0x80, v4, vm1, $0xb8;
	[tilespmem:$0x18200] =	vst v63  }
0xd5: {  	v3 =	vadd.s32 @!p0 v6, v3;
	s18 =	simm.s32 @!p0 $0x5200  }
0xd6: {  	[tilespmem:s18], [sflag:$0x2] =	stream.indirect_vreg.gather @!p0 [hbm4b:s8+s17], $0x80, v4, vm1, $0xb8;
	[tilespmem:$0x18200] =	vst v63  }
0xd7: {  	s18 =	simm.s32 @!p0 $0x5A00  }
0xd8: {  	[tilespmem:s18], [sflag:$0x2] =	stream.indirect_vreg.gather @!p0 [hbm4b:s9+s17], $0x80, v4, vm1, $0xb8;
	[tilespmem:$0x18200] =	vst v63  }
0xd9: {  	s18 =	simm.s32 @!p0 $0x6200  }
0xda: {  	[tilespmem:s18], [sflag:$0x2] =	stream.indirect_vreg.gather @!p0 [hbm4b:s2+s17], $0x80, v3, vm1, $0xb8;
	[tilespmem:$0x18200] =	vst v63  }
0xdb: {  	s18 =	simm.s32 @!p0 $0x6A00  }
0xdc: {  	[tilespmem:s18], [sflag:$0x2] =	stream.indirect_vreg.gather @!p0 [hbm4b:s7+s17], $0x80, v3, vm1, $0xb8;
	[tilespmem:$0x18200] =	vst v63  }
0xdd: {  	s18 =	simm.s32 @!p0 $0x7200  }
0xde: {  	[tilespmem:s18], [sflag:$0x2] =	stream.indirect_vreg.gather @!p0 [hbm4b:s8+s17], $0x80, v3, vm1, $0xb8;
	[tilespmem:$0x18200] =	vst v63  }
0xdf: {  	s19 =	sadd.s32 s15, s4;
	s18 =	simm.s32 @!p0 $0x7A00  }
0xe0: {  	[tilespmem:s18], [sflag:$0x2] =	stream.indirect_vreg.gather @!p0 [hbm4b:s9+s17], $0x80, v3, vm1, $0xb8;
	[tilespmem:$0x18200] =	vst v63  }
0xe1: {  	s17 =	sshll.u32 s19, $0x7  }
0xe2: {  	s17 =	sadd.s32 s3, s17  }
0xe3: {  	s19 =	simm.s32 $0x0;
	s20 =	sadd.s32 $0x800, s17  }
0xe4: {  	[hbm4b:s20+s19] =	stream.linear.scatter [tilespmem:s29], [sflag:$0x6], $0x4000, $0x38;
	[tilespmem:$0x18200] =	vst v63  }
0xe5: {  	_ =	swait.ge [sflag:s30], $0x4000  }
0xe6: {  	s21 =	simm.s32 $0x0;
	[sflag:s30] =	ssyncset.done $0x0  }
0xe7: {  	s18 =	sand.u32 $0x2000, s21;
	[sflag:s30] =	ssyncadd.s32 $0xFFFFC000  }
0xe8: {  	s19 =	sand.u32 $0x1C00, s19;
	s20 =	simm.s32 $0x0;
	_ =	swait.ge [sflag:s31], $0x4000  }
0xe9: {  	s18 =	sor.u32 s19, s18;
	s22 =	sand.u32 $0x380, s20;
	[sflag:s31] =	ssyncset.done $0x0  }
0xea: {  	s19 =	sor.u32 s22, s18;
	[sflag:s31] =	ssyncadd.s32 $0xFFFFC000  }
0xeb: {  	v3 =	vld [tilespmem:s19+$0x8270]  }
0xec: {  	v4 =	vld [tilespmem:s19+$0x8200]  }
0xed: {  	v5 =	vld [tilespmem:s19+$0x8210]  }
0xee: {  	v6 =	vld [tilespmem:s19+$0x8220]  }
0xef: {  	s23 =	simm.s32 $0x80;
	s20 =	simm.s32 $0x400;
	v8 =	vld [tilespmem:s19+$0x8230]  }
0xf0: {  	s18 =	sand.u32 $0x2000, s23;
	s21 =	sand.u32 $0x1C00, s20;
	s22 =	simm.s32 $0x10;
	v10 =	vld [tilespmem:s19+$0x8240];
	v9 =	vmul.f32 $3.200000000e+01, v3  }
0xf1: {  	s18 =	sor.u32 s21, s18;
	s24 =	sand.u32 $0x380, s22;
	v7 =	vld [tilespmem:s19+$0x8250];
	v11 =	vmul.f32 $3.200000000e+01, v4  }
0xf2: {  	s18 =	sor.u32 s24, s18;
	v3 =	vld [tilespmem:s19+$0x8260];
	[tilespmem:s19+$0x10270] =	vst v9;
	v9 =	vmul.f32 $3.200000000e+01, v5  }
0xf3: {  	v4 =	vld [tilespmem:s18+$0x8270];
	[tilespmem:s19+$0x10200] =	vst v11;
	v11 =	vmul.f32 $3.200000000e+01, v6  }
0xf4: {  	v5 =	vld [tilespmem:s18+$0x8200];
	[tilespmem:s19+$0x10210] =	vst v9;
	v9 =	vmul.f32 $3.200000000e+01, v8  }
0xf5: {  	s21 =	simm.s32 $0x8;
	v8 =	vmul.f32 $3.200000000e+01, v10;
	v6 =	vld [tilespmem:s18+$0x8210];
	[tilespmem:s19+$0x10220] =	vst v11  }
.LBB2_7:
0xf6: {  	s21 =	sadd.s32 $0x8, s21;
	v10 =	vld [tilespmem:s18+$0x8220];
	[tilespmem:s19+$0x10230] =	vst v9;
	v7 =	vmul.f32 $3.200000000e+01, v7  }
0xf7: {  	s20 =	sadd.s32 $0x400, s20;
	s22 =	sshll.u32 s21, $0x4;
	p1 =	slt.u32 s21, $0x3F8;
	v9 =	vld [tilespmem:s18+$0x8230];
	[tilespmem:s19+$0x10240] =	vst v8;
	v3 =	vmul.f32 $3.200000000e+01, v3  }
0xf8: {  	s23 =	sand.u32 $0x1C00, s20;
	s24 =	sshll.u32 s21, $0x1;
	s22 =	sand.u32 $0x2000, s22;
	v8 =	vld [tilespmem:s18+$0x8240];
	v4 =	vmul.f32 $3.200000000e+01, v4;
	[tilespmem:s19+$0x10250] =	vst v7  }
.Ltmp2:
0xf9: {  	s22 =	sor.u32 s23, s22;
	s23 =	sand.u32 $0x380, s24;
	v5 =	vmul.f32 $3.200000000e+01, v5;
	v7 =	vld [tilespmem:s18+$0x8250];
	[tilespmem:s19+$0x10260] =	vst v3;
	(pc) =	sbr.rel @p1 .LBB2_7-.Ltmp2, $4  }
0xfa: {  	s19 =	smov.u32 s18;
	v6 =	vmul.f32 $3.200000000e+01, v6;
	v3 =	vld [tilespmem:s18+$0x8260];
	[tilespmem:s18+$0x10270] =	vst v4;
	s18 =	sor.u32 s23, s22  }
0xfb: {  	v4 =	vld [tilespmem:s18+$0x8270];
	[tilespmem:s19+$0x10200] =	vst v5;
	v10 =	vmul.f32 $3.200000000e+01, v10  }
0xfc: {  	v5 =	vld [tilespmem:s18+$0x8200];
	[tilespmem:s19+$0x10210] =	vst v6;
	v9 =	vmul.f32 $3.200000000e+01, v9  }
0xfd: {  	v6 =	vld [tilespmem:s18+$0x8210];
	[tilespmem:s19+$0x10220] =	vst v10;
	v8 =	vmul.f32 $3.200000000e+01, v8  }
0xfe: {  	v10 =	vld [tilespmem:s18+$0x8220];
	[tilespmem:s19+$0x10230] =	vst v9;
	v7 =	vmul.f32 $3.200000000e+01, v7  }
0xff: {  	v9 =	vld [tilespmem:s18+$0x8230];
	[tilespmem:s19+$0x10240] =	vst v8;
	v3 =	vmul.f32 $3.200000000e+01, v3  }
0x100: {  	v8 =	vld [tilespmem:s18+$0x8240];
	[tilespmem:s19+$0x10250] =	vst v7;
	v4 =	vmul.f32 $3.200000000e+01, v4  }
0x101: {  	v7 =	vld [tilespmem:s18+$0x8250];
	[tilespmem:s19+$0x10260] =	vst v3;
	v3 =	vmul.f32 $3.200000000e+01, v5  }
0x102: {  	v5 =	vld [tilespmem:s18+$0x8260];
	v6 =	vmul.f32 $3.200000000e+01, v6;
	[tilespmem:s18+$0x10270] =	vst v4  }
0x103: {  	[tilespmem:s18+$0x10200] =	vst v3;
	v3 =	vmul.f32 $3.200000000e+01, v10  }
0x104: {  	[tilespmem:s18+$0x10210] =	vst v6;
	v4 =	vmul.f32 $3.200000000e+01, v9  }
0x105: {  	[tilespmem:s18+$0x10220] =	vst v3;
	v3 =	vmul.f32 $3.200000000e+01, v8  }
0x106: {  	[tilespmem:s18+$0x10230] =	vst v4;
	v4 =	vmul.f32 $3.200000000e+01, v7  }
0x107: {  	[tilespmem:s18+$0x10240] =	vst v3;
	v3 =	vmul.f32 $3.200000000e+01, v5  }
0x108: {  	[tilespmem:s18+$0x10250] =	vst v4  }
0x109: {  	[tilespmem:s18+$0x10260] =	vst v3  }
0x10a: {  	v3 =	vld @!p0 [tilespmem:s16+$0x60];
	_ =	sdelay $0x4  }
0x10b: {  	v4 =	vshll.u32 @!p0 v3, $0x3  }
0x10c: {  	v5 =	vlaneseq.u32 @!p0;
	v3 =	vand.u32 @!p0 $0x7, v3;
	v4 =	vand.u32 @!p0 $0xFFFFFFC0, v4  }
0x10d: {  	v6 =	vshrl.u32 @!p0 v5, $0x3;
	v3 =	vor.u32 @!p0 v3, v4;
	v4 =	vand.u32 @!p0 $0x7, v5  }
0x10e: {  	v6 =	vmul.u32 @!p0 $0x8, v6;
	v4 =	vperm.xlane @!p0 v3, v4;
	_ =	sdelay $0x1  }
0x10f: {  	v4 =	vadd.s32 @!p0 v6, v4;
	_ =	sdelay $0x3  }
0x110: {  	s19 =	simm.s32 @!p0 $0x8200;
	s18 =	simm.s32 @!p0 $0x0  }
0x111: {  	v5 =	vor.u32 @!p0 $0x8, v5;
	[tilespmem:s19], [sflag:$0x3] =	stream.indirect_vreg.gather @!p0 [hbm4b:s2+s18], $0x80, v4, vm1, $0xb8;
	[tilespmem:$0x18200] =	vst v63  }
0x112: {  	v3 =	vperm.xlane @!p0 v3, v5;
	s19 =	simm.s32 @!p0 $0x8A00  }
0x113: {  	[tilespmem:s19], [sflag:$0x3] =	stream.indirect_vreg.gather @!p0 [hbm4b:s7+s18], $0x80, v4, vm1, $0xb8;
	[tilespmem:$0x18200] =	vst v63  }
0x114: {  	v3 =	vadd.s32 @!p0 v6, v3;
	s19 =	simm.s32 @!p0 $0x9200  }
0x115: {  	[tilespmem:s19], [sflag:$0x3] =	stream.indirect_vreg.gather @!p0 [hbm4b:s8+s18], $0x80, v4, vm1, $0xb8;
	[tilespmem:$0x18200] =	vst v63  }
0x116: {  	s19 =	simm.s32 @!p0 $0x9A00  }
0x117: {  	[tilespmem:s19], [sflag:$0x3] =	stream.indirect_vreg.gather @!p0 [hbm4b:s9+s18], $0x80, v4, vm1, $0xb8;
	[tilespmem:$0x18200] =	vst v63  }
0x118: {  	s19 =	simm.s32 @!p0 $0xA200  }
0x119: {  	[tilespmem:s19], [sflag:$0x3] =	stream.indirect_vreg.gather @!p0 [hbm4b:s2+s18], $0x80, v3, vm1, $0xb8;
	[tilespmem:$0x18200] =	vst v63  }
0x11a: {  	s19 =	simm.s32 @!p0 $0xAA00  }
0x11b: {  	[tilespmem:s19], [sflag:$0x3] =	stream.indirect_vreg.gather @!p0 [hbm4b:s7+s18], $0x80, v3, vm1, $0xb8;
	[tilespmem:$0x18200] =	vst v63  }
0x11c: {  	s19 =	simm.s32 @!p0 $0xB200  }
0x11d: {  	[tilespmem:s19], [sflag:$0x3] =	stream.indirect_vreg.gather @!p0 [hbm4b:s8+s18], $0x80, v3, vm1, $0xb8;
	[tilespmem:$0x18200] =	vst v63  }
0x11e: {  	s19 =	simm.s32 @!p0 $0xBA00  }
0x11f: {  	[tilespmem:s19], [sflag:$0x3] =	stream.indirect_vreg.gather @!p0 [hbm4b:s9+s18], $0x80, v3, vm1, $0xb8;
	[tilespmem:$0x18200] =	vst v63  }
0x120: {  	s17 =	sadd.s32 $0x1000, s17;
	s19 =	simm.s32 $0x0  }
0x121: {  	[hbm4b:s17+s19] =	stream.linear.scatter [tilespmem:s26], [sflag:$0x5], $0x4000, $0x38;
	[tilespmem:$0x18200] =	vst v63  }
0x122: {  	_ =	swait.ge [sflag:s1], $0x4000  }
0x123: {  	[sflag:s1] =	ssyncset.done $0x0  }
0x124: {  	s20 =	simm.s32 $0x0;
	s21 =	simm.s32 $0x0;
	[sflag:s1] =	ssyncadd.s32 $0xFFFFC000  }
0x125: {  	s18 =	sand.u32 $0x1C00, s19;
	s17 =	sand.u32 $0x2000, s20;
	_ =	swait.ge [sflag:s0], $0x4000  }
0x126: {  	s22 =	sand.u32 $0x380, s21;
	s17 =	sor.u32 s18, s17;
	[sflag:s0] =	ssyncset.done $0x0  }
0x127: {  	s18 =	sor.u32 s22, s17;
	[sflag:s0] =	ssyncadd.s32 $0xFFFFC000  }
0x128: {  	v3 =	vld [tilespmem:s18+$0xC270]  }
0x129: {  	v4 =	vld [tilespmem:s18+$0xC200]  }
0x12a: {  	v5 =	vld [tilespmem:s18+$0xC210]  }
0x12b: {  	v6 =	vld [tilespmem:s18+$0xC220]  }
0x12c: {  	s23 =	simm.s32 $0x80;
	s19 =	simm.s32 $0x400;
	v8 =	vld [tilespmem:s18+$0xC230]  }
0x12d: {  	s21 =	simm.s32 $0x10;
	s20 =	sand.u32 $0x1C00, s19;
	s17 =	sand.u32 $0x2000, s23;
	v10 =	vld [tilespmem:s18+$0xC240];
	v9 =	vmul.f32 $3.200000000e+01, v3  }
0x12e: {  	s24 =	sand.u32 $0x380, s21;
	s17 =	sor.u32 s20, s17;
	v7 =	vld [tilespmem:s18+$0xC250];
	v11 =	vmul.f32 $3.200000000e+01, v4  }
0x12f: {  	s17 =	sor.u32 s24, s17;
	v3 =	vld [tilespmem:s18+$0xC260];
	[tilespmem:s18+$0x14270] =	vst v9;
	v9 =	vmul.f32 $3.200000000e+01, v5  }
0x130: {  	v4 =	vld [tilespmem:s17+$0xC270];
	[tilespmem:s18+$0x14200] =	vst v11;
	v11 =	vmul.f32 $3.200000000e+01, v6  }
0x131: {  	v5 =	vld [tilespmem:s17+$0xC200];
	[tilespmem:s18+$0x14210] =	vst v9;
	v9 =	vmul.f32 $3.200000000e+01, v8  }
0x132: {  	s20 =	simm.s32 $0x8;
	v8 =	vmul.f32 $3.200000000e+01, v10;
	v6 =	vld [tilespmem:s17+$0xC210];
	[tilespmem:s18+$0x14220] =	vst v11  }
.LBB2_9:
0x133: {  	s20 =	sadd.s32 $0x8, s20;
	v10 =	vld [tilespmem:s17+$0xC220];
	[tilespmem:s18+$0x14230] =	vst v9;
	v7 =	vmul.f32 $3.200000000e+01, v7  }
0x134: {  	s19 =	sadd.s32 $0x400, s19;
	s21 =	sshll.u32 s20, $0x4;
	p1 =	slt.u32 s20, $0x3F8;
	v9 =	vld [tilespmem:s17+$0xC230];
	[tilespmem:s18+$0x14240] =	vst v8;
	v3 =	vmul.f32 $3.200000000e+01, v3  }
0x135: {  	s22 =	sand.u32 $0x1C00, s19;
	s23 =	sshll.u32 s20, $0x1;
	s21 =	sand.u32 $0x2000, s21;
	v8 =	vld [tilespmem:s17+$0xC240];
	v4 =	vmul.f32 $3.200000000e+01, v4;
	[tilespmem:s18+$0x14250] =	vst v7  }
.Ltmp3:
0x136: {  	s21 =	sor.u32 s22, s21;
	s22 =	sand.u32 $0x380, s23;
	v5 =	vmul.f32 $3.200000000e+01, v5;
	v7 =	vld [tilespmem:s17+$0xC250];
	[tilespmem:s18+$0x14260] =	vst v3;
	(pc) =	sbr.rel @p1 .LBB2_9-.Ltmp3, $4  }
0x137: {  	s18 =	smov.u32 s17;
	v6 =	vmul.f32 $3.200000000e+01, v6;
	v3 =	vld [tilespmem:s17+$0xC260];
	[tilespmem:s17+$0x14270] =	vst v4;
	s17 =	sor.u32 s22, s21  }
0x138: {  	v4 =	vld [tilespmem:s17+$0xC270];
	[tilespmem:s18+$0x14200] =	vst v5;
	v10 =	vmul.f32 $3.200000000e+01, v10  }
0x139: {  	v5 =	vld [tilespmem:s17+$0xC200];
	[tilespmem:s18+$0x14210] =	vst v6;
	v9 =	vmul.f32 $3.200000000e+01, v9  }
0x13a: {  	v6 =	vld [tilespmem:s17+$0xC210];
	[tilespmem:s18+$0x14220] =	vst v10;
	v8 =	vmul.f32 $3.200000000e+01, v8  }
0x13b: {  	v10 =	vld [tilespmem:s17+$0xC220];
	[tilespmem:s18+$0x14230] =	vst v9;
	v7 =	vmul.f32 $3.200000000e+01, v7  }
0x13c: {  	v9 =	vld [tilespmem:s17+$0xC230];
	[tilespmem:s18+$0x14240] =	vst v8;
	v3 =	vmul.f32 $3.200000000e+01, v3  }
0x13d: {  	v8 =	vld [tilespmem:s17+$0xC240];
	[tilespmem:s18+$0x14250] =	vst v7;
	v4 =	vmul.f32 $3.200000000e+01, v4  }
0x13e: {  	v7 =	vld [tilespmem:s17+$0xC250];
	[tilespmem:s18+$0x14260] =	vst v3;
	v3 =	vmul.f32 $3.200000000e+01, v5  }
0x13f: {  	v61 =	vld [tilespmem:s17+$0xC260];
	v6 =	vmul.f32 $3.200000000e+01, v6;
	[tilespmem:s17+$0x14270] =	vst v4  }
0x140: {  	[tilespmem:s17+$0x14200] =	vst v3;
	v3 =	vmul.f32 $3.200000000e+01, v10  }
0x141: {  	[tilespmem:s17+$0x14210] =	vst v6;
	v62 =	vmul.f32 $3.200000000e+01, v9  }
0x142: {  	[tilespmem:s17+$0x14220] =	vst v3;
	v3 =	vmul.f32 $3.200000000e+01, v8  }
0x143: {  	[tilespmem:s17+$0x14230] =	vst v62;
	v63 =	vmul.f32 $3.200000000e+01, v7  }
0x144: {  	[tilespmem:s17+$0x14240] =	vst v3;
	v3 =	vmul.f32 $3.200000000e+01, v61  }
0x145: {  	[tilespmem:s17+$0x14250] =	vst v63  }
0x146: {  	[tilespmem:s17+$0x14260] =	vst v3  }
0x147: {  	v3 =	vld @!p0 [tilespmem:s16+$0x70];
	_ =	sdelay $0x4  }
0x148: {  	v4 =	vshll.u32 @!p0 v3, $0x3  }
0x149: {  	v5 =	vlaneseq.u32 @!p0;
	v3 =	vand.u32 @!p0 $0x7, v3;
	v4 =	vand.u32 @!p0 $0xFFFFFFC0, v4  }
0x14a: {  	v6 =	vshrl.u32 @!p0 v5, $0x3;
	v3 =	vor.u32 @!p0 v3, v4;
	v4 =	vand.u32 @!p0 $0x7, v5  }
0x14b: {  	v6 =	vmul.u32 @!p0 $0x8, v6;
	v4 =	vperm.xlane @!p0 v3, v4;
	_ =	sdelay $0x1  }
0x14c: {  	v4 =	vadd.s32 @!p0 v6, v4;
	_ =	sdelay $0x3  }
0x14d: {  	s17 =	simm.s32 @!p0 $0xC200;
	s16 =	simm.s32 @!p0 $0x0  }
0x14e: {  	v5 =	vor.u32 @!p0 $0x8, v5;
	[tilespmem:s17], [sflag:$0x4] =	stream.indirect_vreg.gather @!p0 [hbm4b:s2+s16], $0x80, v4, vm1, $0xb8;
	[tilespmem:$0x18200] =	vst v63  }
0x14f: {  	v3 =	vperm.xlane @!p0 v3, v5;
	s17 =	simm.s32 @!p0 $0xCA00  }
0x150: {  	[tilespmem:s17], [sflag:$0x4] =	stream.indirect_vreg.gather @!p0 [hbm4b:s7+s16], $0x80, v4, vm1, $0xb8;
	[tilespmem:$0x18200] =	vst v63  }
0x151: {  	v3 =	vadd.s32 @!p0 v6, v3;
	s17 =	simm.s32 @!p0 $0xD200  }
0x152: {  	[tilespmem:s17], [sflag:$0x4] =	stream.indirect_vreg.gather @!p0 [hbm4b:s8+s16], $0x80, v4, vm1, $0xb8;
	[tilespmem:$0x18200] =	vst v63  }
0x153: {  	s17 =	simm.s32 @!p0 $0xDA00  }
0x154: {  	[tilespmem:s17], [sflag:$0x4] =	stream.indirect_vreg.gather @!p0 [hbm4b:s9+s16], $0x80, v4, vm1, $0xb8;
	[tilespmem:$0x18200] =	vst v63  }
0x155: {  	s17 =	simm.s32 @!p0 $0xE200  }
0x156: {  	[tilespmem:s17], [sflag:$0x4] =	stream.indirect_vreg.gather @!p0 [hbm4b:s2+s16], $0x80, v3, vm1, $0xb8;
	[tilespmem:$0x18200] =	vst v63  }
0x157: {  	s17 =	simm.s32 @!p0 $0xEA00  }
0x158: {  	[tilespmem:s17], [sflag:$0x4] =	stream.indirect_vreg.gather @!p0 [hbm4b:s7+s16], $0x80, v3, vm1, $0xb8;
	[tilespmem:$0x18200] =	vst v63  }
0x159: {  	s17 =	simm.s32 @!p0 $0xF200  }
0x15a: {  	[tilespmem:s17], [sflag:$0x4] =	stream.indirect_vreg.gather @!p0 [hbm4b:s8+s16], $0x80, v3, vm1, $0xb8;
	[tilespmem:$0x18200] =	vst v63  }
0x15b: {  	s14 =	sadd.s32 $0x1, s14;
	s17 =	simm.s32 @!p0 $0xFA00  }
0x15c: {  	[tilespmem:s17], [sflag:$0x4] =	stream.indirect_vreg.gather @!p0 [hbm4b:s9+s16], $0x80, v3, vm1, $0xb8;
	[tilespmem:$0x18200] =	vst v63  }
0x15d: {  	p0 =	sne.s32 s14, $0x8  }
.Ltmp4:
0x15e: {  	s15 =	sor.u32 $0x30, s15;
	(pc) =	sbr.rel @p0 .LBB2_2-.Ltmp4, $4  }
0x15f: {  	s15 =	sadd.s32 s4, s15  }
0x160: {  	s15 =	sshll.u32 s15, $0x7  }
0x161: {  	s15 =	sadd.s32 s3, s15  }
0x162: {  	[hbm4b:s15+s5] =	stream.linear.scatter [tilespmem:s29], [sflag:$0x6], $0x4000, $0x38;
	[tilespmem:$0x18200] =	vst v63  }
0x163: {  	s13 =	sadd.s32 $0x1, s13  }
0x164: {  	_ =	swait.ge [sflag:s31], $0x4000;
	p0 =	sne.s32 s13, s11  }
.Ltmp5:
0x165: {  	[sflag:s31] =	ssyncset.done $0x0;
	(pc) =	sbr.rel @p0 .LBB2_1-.Ltmp5, $4  }
0x166: {  	[sflag:s31] =	ssyncadd.s32 $0xFFFFC000  }
0x167: {  	_ =	swait.ge [sflag:s0], $0x4000  }
0x168: {  	[sflag:s0] =	ssyncset.done $0x0  }
0x169: {  	[sflag:s0] =	ssyncadd.s32 $0xFFFFC000  }
0x16a: {  	_ =	sfence.sel $0x180000  }
0x16b: {  	[bflag:$0x0] =	sbarrier.arrive $0xFFFF  }
0x16c: {  	_ =	strace $0x90000047  }
0x16d: {  	s0 =	stileid.u32;
	[bflag:$0x2] =	sbarrier.arrive $0xFFFF  }
0x16e: {  	p0 =	sne.s32 s0, $0x0;
	s0 =	rddreg [dreg:$0x3]  }
0x16f: {  	s0 =	sadd.s32 @!p0 $0x100000, s0  }
0x170: {  	[sflag:s0] =	ssyncadd.tile.s32 @!p0 $0x1;
	_ =	shalt  }
.Lfunc_end2:
_tile_overlayer_lowered:
.L_overlay_start_2:
0x171: {  	(tag) =	ssettag $0x2  }
0x172: {  	s0 =	rddreg [dreg:$0x0];
	s2 =	stileid.u32  }
0x173: {  	s1 =	rddreg [dreg:$0x1];
	p0 =	sne.s32 s2, $0x0  }
0x174: {  	s3 =	rddreg [dreg:$0x2];
	[bflag:$0x3] =	sbarrier.arrive $0xFFFF;
	s2 =	simm.s32 @!p0 $0x1C07  }
0x175: {  	[timem:s3], [sflag:s2] =	dma.local @!p0 [hbm:s0], s1  }
0x176: {  	s0 =	simm.s32 @!p0 $0x7  }
0x177: {  	_ =	swait.ge @!p0 [sflag:s0], s1  }
0x178: {  	s1 =	ssub.s32 @!p0 $0x0, s1;
	[sflag:s0] =	ssyncset.done @!p0 $0x0  }
0x179: {  	[sflag:s0] =	ssyncadd.s32 @!p0 s1  }
0x17a: {  	[bflag:$0x3] =	sbarrier.arrive $0xFFFF  }
0x17b: {  	_ =	shalt  }

</sc_bundles>
